<compile_context>
chip_gen: v7x
topology: tpu7x:2x2x1
jax: 0.10.2.dev20260603
libtpu: 0.0.44.dev20260713+nightly
codegen_flags: <defaults>
</compile_context>

<pallas_src>
import functools

import jax
import jax.numpy as jnp
from jax import lax
from jax.experimental import pallas as pl
from jax.experimental.pallas import tpu as pltpu
from jax.experimental.pallas import tpu_sc as plsc

_MARGIN = 0.8
_K = 3
_TAU = 0.1

_BLOCK_ROWS = 256
_NEG_INF = float("-inf")

_NC = 2
_NS = 16
_NW = _NC * _NS
_L = 16
_CHUNK = 128
_NCHUNK = 2


def _softmax_loss(sim_n, sim_p, n_rows):
    loss = jnp.maximum(sim_n - sim_p[:, None] + _MARGIN, 0.0)
    mask = (loss != 0.0).astype(sim_n.dtype)
    logits = sim_n / _TAU * mask
    logits = logits - jnp.max(logits, axis=1, keepdims=True)
    e = jnp.exp(logits)
    prob = e / jnp.sum(e, axis=1, keepdims=True)
    return (jnp.sum(loss * prob) / (n_rows * _K)).reshape(1, 1)


def _full_kernel(x_ref, out_ref, *, n_rows, n_cols):
    pid = pl.program_id(0)
    x = x_ref[...]
    col = jax.lax.broadcasted_iota(jnp.int32, x.shape, 1)
    row_global = pid * _BLOCK_ROWS + jax.lax.broadcasted_iota(
        jnp.int32, x.shape, 0)
    sim_p = jnp.sum(jnp.where(col == row_global, x, 0.0), axis=1)

    v = jnp.minimum(x, 1.0)
    sim_n = []
    for _ in range(_K):
        m = jnp.max(v, axis=1, keepdims=True)
        idx = jnp.min(jnp.where(v == m, col, n_cols), axis=1, keepdims=True)
        hit = col == idx
        sim_n.append(jnp.sum(jnp.where(hit, x, 0.0), axis=1))
        v = jnp.where(hit, _NEG_INF, v)
    sim_n = jnp.stack(sim_n, axis=1)

    contrib = _softmax_loss(sim_n, sim_p, n_rows)

    @pl.when(pid == 0)
    def _():
        out_ref[...] = jnp.zeros_like(out_ref)

    out_ref[...] += contrib


def _run_full(input):
    n_rows, n_cols = input.shape
    out = pl.pallas_call(
        functools.partial(_full_kernel, n_rows=n_rows, n_cols=n_cols),
        grid=(n_rows // _BLOCK_ROWS,),
        in_specs=[pl.BlockSpec((_BLOCK_ROWS, n_cols), lambda i: (i, 0))],
        out_specs=pl.BlockSpec((1, 1), lambda i: (0, 0)),
        out_shape=jax.ShapeDtypeStruct((1, 1), jnp.float32),
    )(input)
    return out[0, 0]


def _sc_fast(n_rows):
    rpw = n_rows // _NW
    rg_count = rpw // _L
    mesh = plsc.VectorSubcoreMesh(core_axis_name="c", subcore_axis_name="s",
                                  num_cores=_NC, num_subcores=_NS)

    @functools.partial(
        pl.kernel,
        out_type=jax.ShapeDtypeStruct((_NW, _L), jnp.float32),
        mesh=mesh,
        compiler_params=pltpu.CompilerParams(needs_layout_passes=False),
        scratch_types=[
            pltpu.VMEM((rpw, _CHUNK), jnp.float32),
            pltpu.VMEM((rpw, rpw), jnp.float32),
            pltpu.VMEM((rpw,), jnp.float32),
            pltpu.VMEM((rpw,), jnp.float32),
            pltpu.VMEM((rpw,), jnp.float32),
            pltpu.VMEM((rpw,), jnp.int32),
            pltpu.VMEM((_L,), jnp.float32),
            pltpu.SMEM((1,), jnp.int32),
            pltpu.SMEM((1,), jnp.int32),
            pltpu.SemaphoreType.DMA,
            pltpu.SemaphoreType.DMA,
            pltpu.SemaphoreType.DMA,
        ],
    )
    def sc_fast(x_hbm, out_hbm,
                buf, dbuf, s1r, s2r, s3r, cntr, accr, done, rgdone,
                dsem, *csems):
        wid = lax.axis_index("s") * _NC + lax.axis_index("c")
        rowbase = wid * rpw
        lane = lax.iota(jnp.int32, _L)

        half = rg_count // 2 * _L
        chunk0 = [
            pltpu.async_copy(
                x_hbm.at[pl.ds(rowbase + h * half, half), pl.ds(0, _CHUNK)],
                buf.at[pl.ds(h * half, half)], csems[h])
            for h in range(2)
        ]
        diag = pltpu.async_copy(
            x_hbm.at[pl.ds(rowbase, rpw), pl.ds(rowbase, rpw)], dbuf, dsem)

        for rg in range(rg_count):
            cntr[pl.ds(rg * _L, _L)] = jnp.zeros((_L,), jnp.int32)
        done[0] = 0

        for ck in range(_NCHUNK):
            @pl.when(done[0] == 0)
            def _():
                if ck > 0:
                    pltpu.sync_copy(
                        x_hbm.at[pl.ds(rowbase, rpw),
                                 pl.ds(ck * _CHUNK, _CHUNK)],
                        buf)
                done[0] = 1

                def rg_body(rg, carry):
                    sl = pl.ds(rg * _L, _L)
                    ridx = rg * _L + lane
                    if ck == 0:
                        rgdone[0] = 0
                    else:
                        rgdone[0] = jnp.where(jnp.min(cntr[sl]) >= _K, 1, 0)

                    def group(g, carry):
                        @pl.when(rgdone[0] == 0)
                        def _():
                            s1, s2, s3 = s1r[sl], s2r[sl], s3r[sl]
                            cnt = cntr[sl]
                            for j in range(_L):
                                x = plsc.load_gather(
                                    buf,
                                    [ridx,
                                     jnp.full((_L,), g * _L + j, jnp.int32)])
                                m = x >= 1.0
                                s1 = jnp.where(m & (cnt == 0), x, s1)
                                s2 = jnp.where(m & (cnt == 1), x, s2)
                                s3 = jnp.where(m & (cnt == 2), x, s3)
                                cnt = cnt + jnp.where(m & (cnt < _K), 1, 0)
                            s1r[sl], s2r[sl], s3r[sl] = s1, s2, s3
                            cntr[sl] = cnt
                            rgdone[0] = jnp.where(jnp.min(cnt) >= _K, 1, 0)
                        return carry

                    lax.fori_loop(0, _CHUNK // _L, group, jnp.int32(0))
                    done[0] = done[0] & rgdone[0]
                    return carry

                if ck == 0:
                    for h in range(2):
                        chunk0[h].wait()
                        lax.fori_loop(h * (rg_count // 2),
                                      (h + 1) * (rg_count // 2),
                                      rg_body, jnp.int32(0))
                else:
                    lax.fori_loop(0, rg_count, rg_body, jnp.int32(0))

        diag.wait()
        nan = jnp.full((_L,), float("nan"), jnp.float32)

        def epi_body(rg, acc):
            sl = pl.ds(rg * _L, _L)
            s1, s2, s3 = s1r[sl], s2r[sl], s3r[sl]
            d = plsc.load_gather(dbuf, [rg * _L + lane, rg * _L + lane])
            l1 = jnp.maximum(s1 - d + _MARGIN, 0.0)
            l2 = jnp.maximum(s2 - d + _MARGIN, 0.0)
            l3 = jnp.maximum(s3 - d + _MARGIN, 0.0)
            g1 = jnp.where(l1 != 0.0, s1 / _TAU, 0.0)
            g2 = jnp.where(l2 != 0.0, s2 / _TAU, 0.0)
            g3 = jnp.where(l3 != 0.0, s3 / _TAU, 0.0)
            gm = jnp.maximum(jnp.maximum(g1, g2), g3)
            e1 = jnp.exp(g1 - gm)
            e2 = jnp.exp(g2 - gm)
            e3 = jnp.exp(g3 - gm)
            z = e1 + e2 + e3
            contrib = (l1 * e1 + l2 * e2 + l3 * e3) / z
            return acc + jnp.where(cntr[sl] >= _K, contrib, nan)

        accr[...] = lax.fori_loop(0, rg_count, epi_body,
                                  jnp.zeros((_L,), jnp.float32))
        pltpu.sync_copy(accr, out_hbm.at[wid])

    return sc_fast


def kernel(input, target):
    n_rows, n_cols = input.shape
    out = _sc_fast(n_rows)(input)
    total = jnp.sum(out) / (n_rows * _K)
    return lax.cond(jnp.isnan(total), lambda: _run_full(input), lambda: total)

# --- scband reference (transcript-rebuilt; emitter-appended) ---
"""Pipeline reference for scband-triplet-margin-loss-ohnm-60181081752125 (READ-ONLY COPY).

The authoritative reference and input builder live on the scoring server;
editing this copy changes nothing except your own understanding.
"""

import jax, jax.numpy as jnp
import numpy as np

MARGIN = 0.8
K = 3
TAU = 0.1
APPLY_SOFTMAX = True

def setup_inputs(seed: int = 0) -> dict:
    key = jax.random.key(seed)
    inp = jax.random.normal(jax.random.fold_in(key, 0), (4096, 4096), dtype=jnp.float32)
    target = jnp.zeros((4096, 4096), dtype=jnp.float32)
    return {"input": inp, "target": target}

def reference(input, target):
    # positives assumed on the diagonal
    sim_p = jnp.diagonal(input).reshape(-1, 1)
    # suppress positives so they are not picked as negatives
    similarities = jnp.minimum(input, 1.0 - target)
    k = min(K, similarities.shape[1])
    _, indices = jax.lax.top_k(similarities, k)
    sim_n = jnp.take_along_axis(input, indices, axis=1)
    loss = jnp.maximum(jnp.zeros_like(sim_p), sim_n - sim_p + MARGIN)
    mask = (loss != 0).astype(sim_n.dtype)
    if APPLY_SOFTMAX:
        prob = jax.nn.softmax(sim_n / TAU * mask, axis=1)
        loss = loss * prob
    # reduction='mean'
    return loss.mean()

if __name__ == "__main__":
    import jax
    _d = setup_inputs()
    print(jax.jit(kernel)(*tuple(_d.values())))

</pallas_src>

<mosaic_0001>
#map = affine_map<(d0, d1) -> (0, 0)>
module attributes {stable_mosaic.version = 14 : i64} {
  func.func @sc_fast(%arg0: i32, %arg1: i32, %arg2: memref<4096x4096xf32, #tpu.memory_space<hbm>>, %arg3: memref<32x16xf32, #tpu.memory_space<hbm>>, %arg4: memref<128x128xf32, #tpu.memory_space<vmem>>, %arg5: memref<128x128xf32, #tpu.memory_space<vmem>>, %arg6: memref<128xf32, #tpu.memory_space<vmem>>, %arg7: memref<128xf32, #tpu.memory_space<vmem>>, %arg8: memref<128xf32, #tpu.memory_space<vmem>>, %arg9: memref<128xi32, #tpu.memory_space<vmem>>, %arg10: memref<16xf32, #tpu.memory_space<vmem>>, %arg11: memref<1xi32, #tpu.memory_space<smem>>, %arg12: memref<1xi32, #tpu.memory_space<smem>>, %arg13: memref<!tpu.dma_semaphore, #tpu.memory_space<semaphore_mem>>, %arg14: memref<!tpu.dma_semaphore, #tpu.memory_space<semaphore_mem>>, %arg15: memref<!tpu.dma_semaphore, #tpu.memory_space<semaphore_mem>>) attributes {dimension_semantics = [#tpu.dimension_semantics<core_parallel>, #tpu.dimension_semantics<subcore_parallel>], iteration_bounds = array<i64: 2, 16>, scalar_prefetch = 0 : i64, scratch_operands = 12 : i64, tpu.core_type = #tpu.core_type<sc_vector_subcore>, window_params = [{transform_indices = #map}, {transform_indices = #map}]} {
    %mul3A = arith.constant 2 : i32
    %mul3A_0 = arith.muli %arg1, %mul3A : i32
    %add3A = arith.addi %mul3A_0, %arg0 : i32
    %mul3A_1 = arith.constant 128 : i32
    %mul3A_2 = arith.muli %add3A, %mul3A_1 : i32
    %iota3A = tpu.iota {dimensions = array<i32: 0>} : vector<16xi32>
    %add3A_3 = arith.constant 0 : i32
    %add3A_4 = arith.addi %mul3A_2, %add3A_3 : i32
    %dma_start3A = arith.constant 0 : i32
    %dma_start3A_5 = arith.constant 0 : i32
    %dma_start3A_6 = tpu.memref_slice %arg4[%dma_start3A, %dma_start3A_5] : memref<128x128xf32, #tpu.memory_space<vmem>> -> memref<64x128xf32, #tpu.memory_space<vmem>>
    %dma_start3A_7 = arith.constant 0 : i32
    %dma_start3A_8 = tpu.memref_slice %arg2[%add3A_4, %dma_start3A_7] : memref<4096x4096xf32, #tpu.memory_space<hbm>> -> memref<64x128xf32, #tpu.memory_space<hbm>>
    %dma_start3A_9 = arith.constant 0 : i32
    %dma_start3A_10 = arith.constant 0 : i32
    %dma_start3A_11 = tpu.memref_slice %arg4[%dma_start3A_9, %dma_start3A_10] : memref<128x128xf32, #tpu.memory_space<vmem>> -> memref<64x128xf32, #tpu.memory_space<vmem>>
    %dma_start3A_12 = arith.constant 0 : i32
    %dma_start3A_13 = tpu.memref_slice %arg2[%add3A_4, %dma_start3A_12] : memref<4096x4096xf32, #tpu.memory_space<hbm>> -> memref<64x128xf32, #tpu.memory_space<hbm>>
    tpu.enqueue_dma source(%dma_start3A_13 : memref<64x128xf32, #tpu.memory_space<hbm>>) target(%dma_start3A_11 : memref<64x128xf32, #tpu.memory_space<vmem>>) target_semaphore(%arg14 : memref<!tpu.dma_semaphore, #tpu.memory_space<semaphore_mem>>)
    %add3A_14 = arith.constant 64 : i32
    %add3A_15 = arith.addi %mul3A_2, %add3A_14 : i32
    %dma_start3A_16 = arith.constant 64 : i32
    %dma_start3A_17 = arith.constant 0 : i32
    %dma_start3A_18 = tpu.memref_slice %arg4[%dma_start3A_16, %dma_start3A_17] : memref<128x128xf32, #tpu.memory_space<vmem>> -> memref<64x128xf32, #tpu.memory_space<vmem>>
    %dma_start3A_19 = arith.constant 0 : i32
    %dma_start3A_20 = tpu.memref_slice %arg2[%add3A_15, %dma_start3A_19] : memref<4096x4096xf32, #tpu.memory_space<hbm>> -> memref<64x128xf32, #tpu.memory_space<hbm>>
    %dma_start3A_21 = arith.constant 64 : i32
    %dma_start3A_22 = arith.constant 0 : i32
    %dma_start3A_23 = tpu.memref_slice %arg4[%dma_start3A_21, %dma_start3A_22] : memref<128x128xf32, #tpu.memory_space<vmem>> -> memref<64x128xf32, #tpu.memory_space<vmem>>
    %dma_start3A_24 = arith.constant 0 : i32
    %dma_start3A_25 = tpu.memref_slice %arg2[%add3A_15, %dma_start3A_24] : memref<4096x4096xf32, #tpu.memory_space<hbm>> -> memref<64x128xf32, #tpu.memory_space<hbm>>
    tpu.enqueue_dma source(%dma_start3A_25 : memref<64x128xf32, #tpu.memory_space<hbm>>) target(%dma_start3A_23 : memref<64x128xf32, #tpu.memory_space<vmem>>) target_semaphore(%arg15 : memref<!tpu.dma_semaphore, #tpu.memory_space<semaphore_mem>>)
    %dma_start3A_26 = tpu.memref_slice %arg2[%mul3A_2, %mul3A_2] : memref<4096x4096xf32, #tpu.memory_space<hbm>> -> memref<128x128xf32, #tpu.memory_space<hbm>>
    %dma_start3A_27 = tpu.memref_slice %arg2[%mul3A_2, %mul3A_2] : memref<4096x4096xf32, #tpu.memory_space<hbm>> -> memref<128x128xf32, #tpu.memory_space<hbm>>
    tpu.enqueue_dma source(%dma_start3A_27 : memref<128x128xf32, #tpu.memory_space<hbm>>) target(%arg5 : memref<128x128xf32, #tpu.memory_space<vmem>>) target_semaphore(%arg13 : memref<!tpu.dma_semaphore, #tpu.memory_space<semaphore_mem>>)
    %broadcast_in_dim3A = arith.constant 0 : i32
    %broadcast_in_dim3A_28 = vector.broadcast %broadcast_in_dim3A : i32 to vector<16xi32>
    %swap3A = arith.constant 0 : index
    %swap3A_29 = tpu.vector_load %arg9[%swap3A] {strides = array<i32>} : memref<128xi32, #tpu.memory_space<vmem>>, vector<16xi32>,
    tpu.vector_store %arg9[%swap3A], %broadcast_in_dim3A_28 {strides = array<i32>} : memref<128xi32, #tpu.memory_space<vmem>>, vector<16xi32>,
    %broadcast_in_dim3A_30 = arith.constant 0 : i32
    %broadcast_in_dim3A_31 = vector.broadcast %broadcast_in_dim3A_30 : i32 to vector<16xi32>
    %swap3A_32 = arith.constant 16 : index
    %swap3A_33 = tpu.vector_load %arg9[%swap3A_32] {strides = array<i32>} : memref<128xi32, #tpu.memory_space<vmem>>, vector<16xi32>,
    tpu.vector_store %arg9[%swap3A_32], %broadcast_in_dim3A_31 {strides = array<i32>} : memref<128xi32, #tpu.memory_space<vmem>>, vector<16xi32>,
    %broadcast_in_dim3A_34 = arith.constant 0 : i32
    %broadcast_in_dim3A_35 = vector.broadcast %broadcast_in_dim3A_34 : i32 to vector<16xi32>
    %swap3A_36 = arith.constant 32 : index
    %swap3A_37 = tpu.vector_load %arg9[%swap3A_36] {strides = array<i32>} : memref<128xi32, #tpu.memory_space<vmem>>, vector<16xi32>,
    tpu.vector_store %arg9[%swap3A_36], %broadcast_in_dim3A_35 {strides = array<i32>} : memref<128xi32, #tpu.memory_space<vmem>>, vector<16xi32>,
    %broadcast_in_dim3A_38 = arith.constant 0 : i32
    %broadcast_in_dim3A_39 = vector.broadcast %broadcast_in_dim3A_38 : i32 to vector<16xi32>
    %swap3A_40 = arith.constant 48 : index
    %swap3A_41 = tpu.vector_load %arg9[%swap3A_40] {strides = array<i32>} : memref<128xi32, #tpu.memory_space<vmem>>, vector<16xi32>,
    tpu.vector_store %arg9[%swap3A_40], %broadcast_in_dim3A_39 {strides = array<i32>} : memref<128xi32, #tpu.memory_space<vmem>>, vector<16xi32>,
    %broadcast_in_dim3A_42 = arith.constant 0 : i32
    %broadcast_in_dim3A_43 = vector.broadcast %broadcast_in_dim3A_42 : i32 to vector<16xi32>
    %swap3A_44 = arith.constant 64 : index
    %swap3A_45 = tpu.vector_load %arg9[%swap3A_44] {strides = array<i32>} : memref<128xi32, #tpu.memory_space<vmem>>, vector<16xi32>,
    tpu.vector_store %arg9[%swap3A_44], %broadcast_in_dim3A_43 {strides = array<i32>} : memref<128xi32, #tpu.memory_space<vmem>>, vector<16xi32>,
    %broadcast_in_dim3A_46 = arith.constant 0 : i32
    %broadcast_in_dim3A_47 = vector.broadcast %broadcast_in_dim3A_46 : i32 to vector<16xi32>
    %swap3A_48 = arith.constant 80 : index
    %swap3A_49 = tpu.vector_load %arg9[%swap3A_48] {strides = array<i32>} : memref<128xi32, #tpu.memory_space<vmem>>, vector<16xi32>,
    tpu.vector_store %arg9[%swap3A_48], %broadcast_in_dim3A_47 {strides = array<i32>} : memref<128xi32, #tpu.memory_space<vmem>>, vector<16xi32>,
    %broadcast_in_dim3A_50 = arith.constant 0 : i32
    %broadcast_in_dim3A_51 = vector.broadcast %broadcast_in_dim3A_50 : i32 to vector<16xi32>
    %swap3A_52 = arith.constant 96 : index
    %swap3A_53 = tpu.vector_load %arg9[%swap3A_52] {strides = array<i32>} : memref<128xi32, #tpu.memory_space<vmem>>, vector<16xi32>,
    tpu.vector_store %arg9[%swap3A_52], %broadcast_in_dim3A_51 {strides = array<i32>} : memref<128xi32, #tpu.memory_space<vmem>>, vector<16xi32>,
    %broadcast_in_dim3A_54 = arith.constant 0 : i32
    %broadcast_in_dim3A_55 = vector.broadcast %broadcast_in_dim3A_54 : i32 to vector<16xi32>
    %swap3A_56 = arith.constant 112 : index
    %swap3A_57 = tpu.vector_load %arg9[%swap3A_56] {strides = array<i32>} : memref<128xi32, #tpu.memory_space<vmem>>, vector<16xi32>,
    tpu.vector_store %arg9[%swap3A_56], %broadcast_in_dim3A_55 {strides = array<i32>} : memref<128xi32, #tpu.memory_space<vmem>>, vector<16xi32>,
    %swap3A_58 = arith.constant 0 : i32
    %swap3A_59 = arith.constant 0 : i32
    %swap3A_60 = arith.index_cast %swap3A_59 : i32 to index
    %swap3A_61 = memref.load %arg11[%swap3A_60] : memref<1xi32, #tpu.memory_space<smem>>
    memref.store %swap3A_58, %arg11[%swap3A_60] : memref<1xi32, #tpu.memory_space<smem>>
    %get3A = arith.constant 0 : i32
    %get3A_62 = arith.index_cast %get3A : i32 to index
    %get3A_63 = memref.load %arg11[%get3A_62] : memref<1xi32, #tpu.memory_space<smem>>
    %eq3A = arith.constant 0 : i32
    %eq3A_64 = arith.cmpi eq, %get3A_63, %eq3A : i32
    %convert_element_type3A = arith.extui %eq3A_64 : i1 to i32
    %cond3A = arith.constant 0 : i32
    %cond3A_65 = arith.cmpi ne, %convert_element_type3A, %cond3A : i32
    scf.if %cond3A_65 {
      %swap3A_86 = arith.constant 1 : i32
      %swap3A_87 = arith.constant 0 : i32
      %swap3A_88 = arith.index_cast %swap3A_87 : i32 to index
      %swap3A_89 = memref.load %arg11[%swap3A_88] : memref<1xi32, #tpu.memory_space<smem>>
      memref.store %swap3A_86, %arg11[%swap3A_88] : memref<1xi32, #tpu.memory_space<smem>>
      %dma_wait3A_90 = arith.constant 0 : i32
      %dma_wait3A_91 = arith.constant 0 : i32
      %dma_wait3A_92 = tpu.memref_slice %arg4[%dma_wait3A_90, %dma_wait3A_91] : memref<128x128xf32, #tpu.memory_space<vmem>> -> memref<64x128xf32, #tpu.memory_space<vmem>>
      %dma_wait3A_93 = arith.constant 0 : i32
      %dma_wait3A_94 = tpu.memref_slice %arg2[%add3A_4, %dma_wait3A_93] : memref<4096x4096xf32, #tpu.memory_space<hbm>> -> memref<64x128xf32, #tpu.memory_space<hbm>>
      %dma_wait3A_95 = arith.constant 0 : i32
      %dma_wait3A_96 = arith.constant 0 : i32
      %dma_wait3A_97 = tpu.memref_slice %arg4[%dma_wait3A_95, %dma_wait3A_96] : memref<128x128xf32, #tpu.memory_space<vmem>> -> memref<64x128xf32, #tpu.memory_space<vmem>>
      %dma_wait3A_98 = arith.constant 0 : i32
      %dma_wait3A_99 = tpu.memref_slice %arg2[%add3A_4, %dma_wait3A_98] : memref<4096x4096xf32, #tpu.memory_space<hbm>> -> memref<64x128xf32, #tpu.memory_space<hbm>>
      tpu.wait_dma2 semaphore(%arg14 : memref<!tpu.dma_semaphore, #tpu.memory_space<semaphore_mem>>) src(%dma_wait3A_99 : memref<64x128xf32, #tpu.memory_space<hbm>>) dst(%dma_wait3A_97 : memref<64x128xf32, #tpu.memory_space<vmem>>)
      %scan3A_100 = arith.constant 0 : i32
      %scan3A_101 = arith.constant 0 : i32
      %scan3A_102 = arith.constant 4 : i32
      %scan3A_103 = arith.addi %scan3A_101, %scan3A_102 : i32
      %scan3A_104 = arith.constant 1 : i32
      scf.for %scan3A_122 = %scan3A_101 to %scan3A_103 step %scan3A_104  : i32 {
        %mul3A_123 = arith.constant 16 : i32
        %mul3A_124 = arith.muli %scan3A_122, %mul3A_123 : i32
        %mul3A_125 = arith.constant 16 : i32
        %mul3A_126 = arith.muli %scan3A_122, %mul3A_125 : i32
        %add3A_127 = vector.broadcast %mul3A_126 : i32 to vector<16xi32>
        %add3A_128 = arith.addi %add3A_127, %iota3A : vector<16xi32>
        %swap3A_129 = arith.constant 0 : i32
        %swap3A_130 = arith.constant 0 : i32
        %swap3A_131 = arith.index_cast %swap3A_130 : i32 to index
        %swap3A_132 = memref.load %arg12[%swap3A_131] : memref<1xi32, #tpu.memory_space<smem>>
        memref.store %swap3A_129, %arg12[%swap3A_131] : memref<1xi32, #tpu.memory_space<smem>>
        %scan3A_133 = arith.constant 0 : i32
        %scan3A_134 = arith.constant 0 : i32
        %scan3A_135 = arith.constant 8 : i32
        %scan3A_136 = arith.addi %scan3A_134, %scan3A_135 : i32
        %scan3A_137 = arith.constant 1 : i32
        scf.for %scan3A_148 = %scan3A_134 to %scan3A_136 step %scan3A_137  : i32 {
          %get3A_149 = arith.constant 0 : i32
          %get3A_150 = arith.index_cast %get3A_149 : i32 to index
          %get3A_151 = memref.load %arg12[%get3A_150] : memref<1xi32, #tpu.memory_space<smem>>
          %eq3A_152 = arith.constant 0 : i32
          %eq3A_153 = arith.cmpi eq, %get3A_151, %eq3A_152 : i32
          %convert_element_type3A_154 = arith.extui %eq3A_153 : i1 to i32
          %cond3A_155 = arith.constant 0 : i32
          %cond3A_156 = arith.cmpi ne, %convert_element_type3A_154, %cond3A_155 : i32
          scf.if %cond3A_156 {
            %get3A_157 = arith.index_cast %mul3A_124 : i32 to index
            %get3A_158 = tpu.vector_load %arg6[%get3A_157] {strides = array<i32>} : memref<128xf32, #tpu.memory_space<vmem>>, vector<16xf32>,
            %get3A_159 = arith.index_cast %mul3A_124 : i32 to index
            %get3A_160 = tpu.vector_load %arg7[%get3A_159] {strides = array<i32>} : memref<128xf32, #tpu.memory_space<vmem>>, vector<16xf32>,
            %get3A_161 = arith.index_cast %mul3A_124 : i32 to index
            %get3A_162 = tpu.vector_load %arg8[%get3A_161] {strides = array<i32>} : memref<128xf32, #tpu.memory_space<vmem>>, vector<16xf32>,
            %get3A_163 = arith.index_cast %mul3A_124 : i32 to index
            %get3A_164 = tpu.vector_load %arg9[%get3A_163] {strides = array<i32>} : memref<128xi32, #tpu.memory_space<vmem>>, vector<16xi32>,
            %mul3A_165 = arith.constant 16 : i32
            %mul3A_166 = arith.muli %scan3A_148, %mul3A_165 : i32
            %add3A_167 = arith.constant 0 : i32
            %add3A_168 = arith.addi %mul3A_166, %add3A_167 : i32
            %broadcast_in_dim3A_169 = vector.broadcast %add3A_168 : i32 to vector<16xi32>
            %gather3A = tpu.vector_load_idx %arg4[%add3A_128, %broadcast_in_dim3A_169] : memref<128x128xf32, #tpu.memory_space<vmem>>[vector<16xi32>, vector<16xi32>], vector<16xf32>,
            %ge3A = arith.constant 1.000000e+00 : f32
            %ge3A_170 = vector.broadcast %ge3A : f32 to vector<16xf32>
            %ge3A_171 = arith.cmpf oge, %gather3A, %ge3A_170 : vector<16xf32>
            %eq3A_172 = arith.constant 0 : i32
            %eq3A_173 = vector.broadcast %eq3A_172 : i32 to vector<16xi32>
            %eq3A_174 = arith.cmpi eq, %get3A_164, %eq3A_173 : vector<16xi32>
            %and3A_175 = arith.andi %ge3A_171, %eq3A_174 : vector<16xi1>
            %select_n3A = arith.select %and3A_175, %gather3A, %get3A_158 : vector<16xi1>, vector<16xf32>
            %eq3A_176 = arith.constant 1 : i32
            %eq3A_177 = vector.broadcast %eq3A_176 : i32 to vector<16xi32>
            %eq3A_178 = arith.cmpi eq, %get3A_164, %eq3A_177 : vector<16xi32>
            %and3A_179 = arith.andi %ge3A_171, %eq3A_178 : vector<16xi1>
            %select_n3A_180 = arith.select %and3A_179, %gather3A, %get3A_160 : vector<16xi1>, vector<16xf32>
            %eq3A_181 = arith.constant 2 : i32
            %eq3A_182 = vector.broadcast %eq3A_181 : i32 to vector<16xi32>
            %eq3A_183 = arith.cmpi eq, %get3A_164, %eq3A_182 : vector<16xi32>
            %and3A_184 = arith.andi %ge3A_171, %eq3A_183 : vector<16xi1>
            %select_n3A_185 = arith.select %and3A_184, %gather3A, %get3A_162 : vector<16xi1>, vector<16xf32>
            %lt3A = arith.constant 3 : i32
            %lt3A_186 = vector.broadcast %lt3A : i32 to vector<16xi32>
            %lt3A_187 = arith.cmpi slt, %get3A_164, %lt3A_186 : vector<16xi32>
            %and3A_188 = arith.andi %ge3A_171, %lt3A_187 : vector<16xi1>
            %jit3A = arith.constant 1 : i32
            %jit3A_189 = arith.constant 0 : i32
            %broadcast_in_dim3A_190 = vector.broadcast %jit3A : i32 to vector<16xi32>
            %broadcast_in_dim3A_191 = vector.broadcast %jit3A_189 : i32 to vector<16xi32>
            %select_n3A_192 = arith.select %and3A_188, %broadcast_in_dim3A_190, %broadcast_in_dim3A_191 : vector<16xi1>, vector<16xi32>
            %add3A_193 = arith.addi %get3A_164, %select_n3A_192 : vector<16xi32>
            %mul3A_194 = arith.constant 16 : i32
            %mul3A_195 = arith.muli %scan3A_148, %mul3A_194 : i32
            %add3A_196 = arith.constant 1 : i32
            %add3A_197 = arith.addi %mul3A_195, %add3A_196 : i32
            %broadcast_in_dim3A_198 = vector.broadcast %add3A_197 : i32 to vector<16xi32>
            %gather3A_199 = tpu.vector_load_idx %arg4[%add3A_128, %broadcast_in_dim3A_198] : memref<128x128xf32, #tpu.memory_space<vmem>>[vector<16xi32>, vector<16xi32>], vector<16xf32>,
            %ge3A_200 = arith.constant 1.000000e+00 : f32
            %ge3A_201 = vector.broadcast %ge3A_200 : f32 to vector<16xf32>
            %ge3A_202 = arith.cmpf oge, %gather3A_199, %ge3A_201 : vector<16xf32>
            %eq3A_203 = arith.constant 0 : i32
            %eq3A_204 = vector.broadcast %eq3A_203 : i32 to vector<16xi32>
            %eq3A_205 = arith.cmpi eq, %add3A_193, %eq3A_204 : vector<16xi32>
            %and3A_206 = arith.andi %ge3A_202, %eq3A_205 : vector<16xi1>
            %select_n3A_207 = arith.select %and3A_206, %gather3A_199, %select_n3A : vector<16xi1>, vector<16xf32>
            %eq3A_208 = arith.constant 1 : i32
            %eq3A_209 = vector.broadcast %eq3A_208 : i32 to vector<16xi32>
            %eq3A_210 = arith.cmpi eq, %add3A_193, %eq3A_209 : vector<16xi32>
            %and3A_211 = arith.andi %ge3A_202, %eq3A_210 : vector<16xi1>
            %select_n3A_212 = arith.select %and3A_211, %gather3A_199, %select_n3A_180 : vector<16xi1>, vector<16xf32>
            %eq3A_213 = arith.constant 2 : i32
            %eq3A_214 = vector.broadcast %eq3A_213 : i32 to vector<16xi32>
            %eq3A_215 = arith.cmpi eq, %add3A_193, %eq3A_214 : vector<16xi32>
            %and3A_216 = arith.andi %ge3A_202, %eq3A_215 : vector<16xi1>
            %select_n3A_217 = arith.select %and3A_216, %gather3A_199, %select_n3A_185 : vector<16xi1>, vector<16xf32>
            %lt3A_218 = arith.constant 3 : i32
            %lt3A_219 = vector.broadcast %lt3A_218 : i32 to vector<16xi32>
            %lt3A_220 = arith.cmpi slt, %add3A_193, %lt3A_219 : vector<16xi32>
            %and3A_221 = arith.andi %ge3A_202, %lt3A_220 : vector<16xi1>
            %jit3A_222 = arith.constant 1 : i32
            %jit3A_223 = arith.constant 0 : i32
            %broadcast_in_dim3A_224 = vector.broadcast %jit3A_222 : i32 to vector<16xi32>
            %broadcast_in_dim3A_225 = vector.broadcast %jit3A_223 : i32 to vector<16xi32>
            %select_n3A_226 = arith.select %and3A_221, %broadcast_in_dim3A_224, %broadcast_in_dim3A_225 : vector<16xi1>, vector<16xi32>
            %add3A_227 = arith.addi %add3A_193, %select_n3A_226 : vector<16xi32>
            %mul3A_228 = arith.constant 16 : i32
            %mul3A_229 = arith.muli %scan3A_148, %mul3A_228 : i32
            %add3A_230 = arith.constant 2 : i32
            %add3A_231 = arith.addi %mul3A_229, %add3A_230 : i32
            %broadcast_in_dim3A_232 = vector.broadcast %add3A_231 : i32 to vector<16xi32>
            %gather3A_233 = tpu.vector_load_idx %arg4[%add3A_128, %broadcast_in_dim3A_232] : memref<128x128xf32, #tpu.memory_space<vmem>>[vector<16xi32>, vector<16xi32>], vector<16xf32>,
            %ge3A_234 = arith.constant 1.000000e+00 : f32
            %ge3A_235 = vector.broadcast %ge3A_234 : f32 to vector<16xf32>
            %ge3A_236 = arith.cmpf oge, %gather3A_233, %ge3A_235 : vector<16xf32>
            %eq3A_237 = arith.constant 0 : i32
            %eq3A_238 = vector.broadcast %eq3A_237 : i32 to vector<16xi32>
            %eq3A_239 = arith.cmpi eq, %add3A_227, %eq3A_238 : vector<16xi32>
            %and3A_240 = arith.andi %ge3A_236, %eq3A_239 : vector<16xi1>
            %select_n3A_241 = arith.select %and3A_240, %gather3A_233, %select_n3A_207 : vector<16xi1>, vector<16xf32>
            %eq3A_242 = arith.constant 1 : i32
            %eq3A_243 = vector.broadcast %eq3A_242 : i32 to vector<16xi32>
            %eq3A_244 = arith.cmpi eq, %add3A_227, %eq3A_243 : vector<16xi32>
            %and3A_245 = arith.andi %ge3A_236, %eq3A_244 : vector<16xi1>
            %select_n3A_246 = arith.select %and3A_245, %gather3A_233, %select_n3A_212 : vector<16xi1>, vector<16xf32>
            %eq3A_247 = arith.constant 2 : i32
            %eq3A_248 = vector.broadcast %eq3A_247 : i32 to vector<16xi32>
            %eq3A_249 = arith.cmpi eq, %add3A_227, %eq3A_248 : vector<16xi32>
            %and3A_250 = arith.andi %ge3A_236, %eq3A_249 : vector<16xi1>
            %select_n3A_251 = arith.select %and3A_250, %gather3A_233, %select_n3A_217 : vector<16xi1>, vector<16xf32>
            %lt3A_252 = arith.constant 3 : i32
            %lt3A_253 = vector.broadcast %lt3A_252 : i32 to vector<16xi32>
            %lt3A_254 = arith.cmpi slt, %add3A_227, %lt3A_253 : vector<16xi32>
            %and3A_255 = arith.andi %ge3A_236, %lt3A_254 : vector<16xi1>
            %jit3A_256 = arith.constant 1 : i32
            %jit3A_257 = arith.constant 0 : i32
            %broadcast_in_dim3A_258 = vector.broadcast %jit3A_256 : i32 to vector<16xi32>
            %broadcast_in_dim3A_259 = vector.broadcast %jit3A_257 : i32 to vector<16xi32>
            %select_n3A_260 = arith.select %and3A_255, %broadcast_in_dim3A_258, %broadcast_in_dim3A_259 : vector<16xi1>, vector<16xi32>
            %add3A_261 = arith.addi %add3A_227, %select_n3A_260 : vector<16xi32>
            %mul3A_262 = arith.constant 16 : i32
            %mul3A_263 = arith.muli %scan3A_148, %mul3A_262 : i32
            %add3A_264 = arith.constant 3 : i32
            %add3A_265 = arith.addi %mul3A_263, %add3A_264 : i32
            %broadcast_in_dim3A_266 = vector.broadcast %add3A_265 : i32 to vector<16xi32>
            %gather3A_267 = tpu.vector_load_idx %arg4[%add3A_128, %broadcast_in_dim3A_266] : memref<128x128xf32, #tpu.memory_space<vmem>>[vector<16xi32>, vector<16xi32>], vector<16xf32>,
            %ge3A_268 = arith.constant 1.000000e+00 : f32
            %ge3A_269 = vector.broadcast %ge3A_268 : f32 to vector<16xf32>
            %ge3A_270 = arith.cmpf oge, %gather3A_267, %ge3A_269 : vector<16xf32>
            %eq3A_271 = arith.constant 0 : i32
            %eq3A_272 = vector.broadcast %eq3A_271 : i32 to vector<16xi32>
            %eq3A_273 = arith.cmpi eq, %add3A_261, %eq3A_272 : vector<16xi32>
            %and3A_274 = arith.andi %ge3A_270, %eq3A_273 : vector<16xi1>
            %select_n3A_275 = arith.select %and3A_274, %gather3A_267, %select_n3A_241 : vector<16xi1>, vector<16xf32>
            %eq3A_276 = arith.constant 1 : i32
            %eq3A_277 = vector.broadcast %eq3A_276 : i32 to vector<16xi32>
            %eq3A_278 = arith.cmpi eq, %add3A_261, %eq3A_277 : vector<16xi32>
            %and3A_279 = arith.andi %ge3A_270, %eq3A_278 : vector<16xi1>
            %select_n3A_280 = arith.select %and3A_279, %gather3A_267, %select_n3A_246 : vector<16xi1>, vector<16xf32>
            %eq3A_281 = arith.constant 2 : i32
            %eq3A_282 = vector.broadcast %eq3A_281 : i32 to vector<16xi32>
            %eq3A_283 = arith.cmpi eq, %add3A_261, %eq3A_282 : vector<16xi32>
            %and3A_284 = arith.andi %ge3A_270, %eq3A_283 : vector<16xi1>
            %select_n3A_285 = arith.select %and3A_284, %gather3A_267, %select_n3A_251 : vector<16xi1>, vector<16xf32>
            %lt3A_286 = arith.constant 3 : i32
            %lt3A_287 = vector.broadcast %lt3A_286 : i32 to vector<16xi32>
            %lt3A_288 = arith.cmpi slt, %add3A_261, %lt3A_287 : vector<16xi32>
            %and3A_289 = arith.andi %ge3A_270, %lt3A_288 : vector<16xi1>
            %jit3A_290 = arith.constant 1 : i32
            %jit3A_291 = arith.constant 0 : i32
            %broadcast_in_dim3A_292 = vector.broadcast %jit3A_290 : i32 to vector<16xi32>
            %broadcast_in_dim3A_293 = vector.broadcast %jit3A_291 : i32 to vector<16xi32>
            %select_n3A_294 = arith.select %and3A_289, %broadcast_in_dim3A_292, %broadcast_in_dim3A_293 : vector<16xi1>, vector<16xi32>
            %add3A_295 = arith.addi %add3A_261, %select_n3A_294 : vector<16xi32>
            %mul3A_296 = arith.constant 16 : i32
            %mul3A_297 = arith.muli %scan3A_148, %mul3A_296 : i32
            %add3A_298 = arith.constant 4 : i32
            %add3A_299 = arith.addi %mul3A_297, %add3A_298 : i32
            %broadcast_in_dim3A_300 = vector.broadcast %add3A_299 : i32 to vector<16xi32>
            %gather3A_301 = tpu.vector_load_idx %arg4[%add3A_128, %broadcast_in_dim3A_300] : memref<128x128xf32, #tpu.memory_space<vmem>>[vector<16xi32>, vector<16xi32>], vector<16xf32>,
            %ge3A_302 = arith.constant 1.000000e+00 : f32
            %ge3A_303 = vector.broadcast %ge3A_302 : f32 to vector<16xf32>
            %ge3A_304 = arith.cmpf oge, %gather3A_301, %ge3A_303 : vector<16xf32>
            %eq3A_305 = arith.constant 0 : i32
            %eq3A_306 = vector.broadcast %eq3A_305 : i32 to vector<16xi32>
            %eq3A_307 = arith.cmpi eq, %add3A_295, %eq3A_306 : vector<16xi32>
            %and3A_308 = arith.andi %ge3A_304, %eq3A_307 : vector<16xi1>
            %select_n3A_309 = arith.select %and3A_308, %gather3A_301, %select_n3A_275 : vector<16xi1>, vector<16xf32>
            %eq3A_310 = arith.constant 1 : i32
            %eq3A_311 = vector.broadcast %eq3A_310 : i32 to vector<16xi32>
            %eq3A_312 = arith.cmpi eq, %add3A_295, %eq3A_311 : vector<16xi32>
            %and3A_313 = arith.andi %ge3A_304, %eq3A_312 : vector<16xi1>
            %select_n3A_314 = arith.select %and3A_313, %gather3A_301, %select_n3A_280 : vector<16xi1>, vector<16xf32>
            %eq3A_315 = arith.constant 2 : i32
            %eq3A_316 = vector.broadcast %eq3A_315 : i32 to vector<16xi32>
            %eq3A_317 = arith.cmpi eq, %add3A_295, %eq3A_316 : vector<16xi32>
            %and3A_318 = arith.andi %ge3A_304, %eq3A_317 : vector<16xi1>
            %select_n3A_319 = arith.select %and3A_318, %gather3A_301, %select_n3A_285 : vector<16xi1>, vector<16xf32>
            %lt3A_320 = arith.constant 3 : i32
            %lt3A_321 = vector.broadcast %lt3A_320 : i32 to vector<16xi32>
            %lt3A_322 = arith.cmpi slt, %add3A_295, %lt3A_321 : vector<16xi32>
            %and3A_323 = arith.andi %ge3A_304, %lt3A_322 : vector<16xi1>
            %jit3A_324 = arith.constant 1 : i32
            %jit3A_325 = arith.constant 0 : i32
            %broadcast_in_dim3A_326 = vector.broadcast %jit3A_324 : i32 to vector<16xi32>
            %broadcast_in_dim3A_327 = vector.broadcast %jit3A_325 : i32 to vector<16xi32>
            %select_n3A_328 = arith.select %and3A_323, %broadcast_in_dim3A_326, %broadcast_in_dim3A_327 : vector<16xi1>, vector<16xi32>
            %add3A_329 = arith.addi %add3A_295, %select_n3A_328 : vector<16xi32>
            %mul3A_330 = arith.constant 16 : i32
            %mul3A_331 = arith.muli %scan3A_148, %mul3A_330 : i32
            %add3A_332 = arith.constant 5 : i32
            %add3A_333 = arith.addi %mul3A_331, %add3A_332 : i32
            %broadcast_in_dim3A_334 = vector.broadcast %add3A_333 : i32 to vector<16xi32>
            %gather3A_335 = tpu.vector_load_idx %arg4[%add3A_128, %broadcast_in_dim3A_334] : memref<128x128xf32, #tpu.memory_space<vmem>>[vector<16xi32>, vector<16xi32>], vector<16xf32>,
            %ge3A_336 = arith.constant 1.000000e+00 : f32
            %ge3A_337 = vector.broadcast %ge3A_336 : f32 to vector<16xf32>
            %ge3A_338 = arith.cmpf oge, %gather3A_335, %ge3A_337 : vector<16xf32>
            %eq3A_339 = arith.constant 0 : i32
            %eq3A_340 = vector.broadcast %eq3A_339 : i32 to vector<16xi32>
            %eq3A_341 = arith.cmpi eq, %add3A_329, %eq3A_340 : vector<16xi32>
            %and3A_342 = arith.andi %ge3A_338, %eq3A_341 : vector<16xi1>
            %select_n3A_343 = arith.select %and3A_342, %gather3A_335, %select_n3A_309 : vector<16xi1>, vector<16xf32>
            %eq3A_344 = arith.constant 1 : i32
            %eq3A_345 = vector.broadcast %eq3A_344 : i32 to vector<16xi32>
            %eq3A_346 = arith.cmpi eq, %add3A_329, %eq3A_345 : vector<16xi32>
            %and3A_347 = arith.andi %ge3A_338, %eq3A_346 : vector<16xi1>
            %select_n3A_348 = arith.select %and3A_347, %gather3A_335, %select_n3A_314 : vector<16xi1>, vector<16xf32>
            %eq3A_349 = arith.constant 2 : i32
            %eq3A_350 = vector.broadcast %eq3A_349 : i32 to vector<16xi32>
            %eq3A_351 = arith.cmpi eq, %add3A_329, %eq3A_350 : vector<16xi32>
            %and3A_352 = arith.andi %ge3A_338, %eq3A_351 : vector<16xi1>
            %select_n3A_353 = arith.select %and3A_352, %gather3A_335, %select_n3A_319 : vector<16xi1>, vector<16xf32>
            %lt3A_354 = arith.constant 3 : i32
            %lt3A_355 = vector.broadcast %lt3A_354 : i32 to vector<16xi32>
            %lt3A_356 = arith.cmpi slt, %add3A_329, %lt3A_355 : vector<16xi32>
            %and3A_357 = arith.andi %ge3A_338, %lt3A_356 : vector<16xi1>
            %jit3A_358 = arith.constant 1 : i32
            %jit3A_359 = arith.constant 0 : i32
            %broadcast_in_dim3A_360 = vector.broadcast %jit3A_358 : i32 to vector<16xi32>
            %broadcast_in_dim3A_361 = vector.broadcast %jit3A_359 : i32 to vector<16xi32>
            %select_n3A_362 = arith.select %and3A_357, %broadcast_in_dim3A_360, %broadcast_in_dim3A_361 : vector<16xi1>, vector<16xi32>
            %add3A_363 = arith.addi %add3A_329, %select_n3A_362 : vector<16xi32>
            %mul3A_364 = arith.constant 16 : i32
            %mul3A_365 = arith.muli %scan3A_148, %mul3A_364 : i32
            %add3A_366 = arith.constant 6 : i32
            %add3A_367 = arith.addi %mul3A_365, %add3A_366 : i32
            %broadcast_in_dim3A_368 = vector.broadcast %add3A_367 : i32 to vector<16xi32>
            %gather3A_369 = tpu.vector_load_idx %arg4[%add3A_128, %broadcast_in_dim3A_368] : memref<128x128xf32, #tpu.memory_space<vmem>>[vector<16xi32>, vector<16xi32>], vector<16xf32>,
            %ge3A_370 = arith.constant 1.000000e+00 : f32
            %ge3A_371 = vector.broadcast %ge3A_370 : f32 to vector<16xf32>
            %ge3A_372 = arith.cmpf oge, %gather3A_369, %ge3A_371 : vector<16xf32>
            %eq3A_373 = arith.constant 0 : i32
            %eq3A_374 = vector.broadcast %eq3A_373 : i32 to vector<16xi32>
            %eq3A_375 = arith.cmpi eq, %add3A_363, %eq3A_374 : vector<16xi32>
            %and3A_376 = arith.andi %ge3A_372, %eq3A_375 : vector<16xi1>
            %select_n3A_377 = arith.select %and3A_376, %gather3A_369, %select_n3A_343 : vector<16xi1>, vector<16xf32>
            %eq3A_378 = arith.constant 1 : i32
            %eq3A_379 = vector.broadcast %eq3A_378 : i32 to vector<16xi32>
            %eq3A_380 = arith.cmpi eq, %add3A_363, %eq3A_379 : vector<16xi32>
            %and3A_381 = arith.andi %ge3A_372, %eq3A_380 : vector<16xi1>
            %select_n3A_382 = arith.select %and3A_381, %gather3A_369, %select_n3A_348 : vector<16xi1>, vector<16xf32>
            %eq3A_383 = arith.constant 2 : i32
            %eq3A_384 = vector.broadcast %eq3A_383 : i32 to vector<16xi32>
            %eq3A_385 = arith.cmpi eq, %add3A_363, %eq3A_384 : vector<16xi32>
            %and3A_386 = arith.andi %ge3A_372, %eq3A_385 : vector<16xi1>
            %select_n3A_387 = arith.select %and3A_386, %gather3A_369, %select_n3A_353 : vector<16xi1>, vector<16xf32>
            %lt3A_388 = arith.constant 3 : i32
            %lt3A_389 = vector.broadcast %lt3A_388 : i32 to vector<16xi32>
            %lt3A_390 = arith.cmpi slt, %add3A_363, %lt3A_389 : vector<16xi32>
            %and3A_391 = arith.andi %ge3A_372, %lt3A_390 : vector<16xi1>
            %jit3A_392 = arith.constant 1 : i32
            %jit3A_393 = arith.constant 0 : i32
            %broadcast_in_dim3A_394 = vector.broadcast %jit3A_392 : i32 to vector<16xi32>
            %broadcast_in_dim3A_395 = vector.broadcast %jit3A_393 : i32 to vector<16xi32>
            %select_n3A_396 = arith.select %and3A_391, %broadcast_in_dim3A_394, %broadcast_in_dim3A_395 : vector<16xi1>, vector<16xi32>
            %add3A_397 = arith.addi %add3A_363, %select_n3A_396 : vector<16xi32>
            %mul3A_398 = arith.constant 16 : i32
            %mul3A_399 = arith.muli %scan3A_148, %mul3A_398 : i32
            %add3A_400 = arith.constant 7 : i32
            %add3A_401 = arith.addi %mul3A_399, %add3A_400 : i32
            %broadcast_in_dim3A_402 = vector.broadcast %add3A_401 : i32 to vector<16xi32>
            %gather3A_403 = tpu.vector_load_idx %arg4[%add3A_128, %broadcast_in_dim3A_402] : memref<128x128xf32, #tpu.memory_space<vmem>>[vector<16xi32>, vector<16xi32>], vector<16xf32>,
            %ge3A_404 = arith.constant 1.000000e+00 : f32
            %ge3A_405 = vector.broadcast %ge3A_404 : f32 to vector<16xf32>
            %ge3A_406 = arith.cmpf oge, %gather3A_403, %ge3A_405 : vector<16xf32>
            %eq3A_407 = arith.constant 0 : i32
            %eq3A_408 = vector.broadcast %eq3A_407 : i32 to vector<16xi32>
            %eq3A_409 = arith.cmpi eq, %add3A_397, %eq3A_408 : vector<16xi32>
            %and3A_410 = arith.andi %ge3A_406, %eq3A_409 : vector<16xi1>
            %select_n3A_411 = arith.select %and3A_410, %gather3A_403, %select_n3A_377 : vector<16xi1>, vector<16xf32>
            %eq3A_412 = arith.constant 1 : i32
            %eq3A_413 = vector.broadcast %eq3A_412 : i32 to vector<16xi32>
            %eq3A_414 = arith.cmpi eq, %add3A_397, %eq3A_413 : vector<16xi32>
            %and3A_415 = arith.andi %ge3A_406, %eq3A_414 : vector<16xi1>
            %select_n3A_416 = arith.select %and3A_415, %gather3A_403, %select_n3A_382 : vector<16xi1>, vector<16xf32>
            %eq3A_417 = arith.constant 2 : i32
            %eq3A_418 = vector.broadcast %eq3A_417 : i32 to vector<16xi32>
            %eq3A_419 = arith.cmpi eq, %add3A_397, %eq3A_418 : vector<16xi32>
            %and3A_420 = arith.andi %ge3A_406, %eq3A_419 : vector<16xi1>
            %select_n3A_421 = arith.select %and3A_420, %gather3A_403, %select_n3A_387 : vector<16xi1>, vector<16xf32>
            %lt3A_422 = arith.constant 3 : i32
            %lt3A_423 = vector.broadcast %lt3A_422 : i32 to vector<16xi32>
            %lt3A_424 = arith.cmpi slt, %add3A_397, %lt3A_423 : vector<16xi32>
            %and3A_425 = arith.andi %ge3A_406, %lt3A_424 : vector<16xi1>
            %jit3A_426 = arith.constant 1 : i32
            %jit3A_427 = arith.constant 0 : i32
            %broadcast_in_dim3A_428 = vector.broadcast %jit3A_426 : i32 to vector<16xi32>
            %broadcast_in_dim3A_429 = vector.broadcast %jit3A_427 : i32 to vector<16xi32>
            %select_n3A_430 = arith.select %and3A_425, %broadcast_in_dim3A_428, %broadcast_in_dim3A_429 : vector<16xi1>, vector<16xi32>
            %add3A_431 = arith.addi %add3A_397, %select_n3A_430 : vector<16xi32>
            %mul3A_432 = arith.constant 16 : i32
            %mul3A_433 = arith.muli %scan3A_148, %mul3A_432 : i32
            %add3A_434 = arith.constant 8 : i32
            %add3A_435 = arith.addi %mul3A_433, %add3A_434 : i32
            %broadcast_in_dim3A_436 = vector.broadcast %add3A_435 : i32 to vector<16xi32>
            %gather3A_437 = tpu.vector_load_idx %arg4[%add3A_128, %broadcast_in_dim3A_436] : memref<128x128xf32, #tpu.memory_space<vmem>>[vector<16xi32>, vector<16xi32>], vector<16xf32>,
            %ge3A_438 = arith.constant 1.000000e+00 : f32
            %ge3A_439 = vector.broadcast %ge3A_438 : f32 to vector<16xf32>
            %ge3A_440 = arith.cmpf oge, %gather3A_437, %ge3A_439 : vector<16xf32>
            %eq3A_441 = arith.constant 0 : i32
            %eq3A_442 = vector.broadcast %eq3A_441 : i32 to vector<16xi32>
            %eq3A_443 = arith.cmpi eq, %add3A_431, %eq3A_442 : vector<16xi32>
            %and3A_444 = arith.andi %ge3A_440, %eq3A_443 : vector<16xi1>
            %select_n3A_445 = arith.select %and3A_444, %gather3A_437, %select_n3A_411 : vector<16xi1>, vector<16xf32>
            %eq3A_446 = arith.constant 1 : i32
            %eq3A_447 = vector.broadcast %eq3A_446 : i32 to vector<16xi32>
            %eq3A_448 = arith.cmpi eq, %add3A_431, %eq3A_447 : vector<16xi32>
            %and3A_449 = arith.andi %ge3A_440, %eq3A_448 : vector<16xi1>
            %select_n3A_450 = arith.select %and3A_449, %gather3A_437, %select_n3A_416 : vector<16xi1>, vector<16xf32>
            %eq3A_451 = arith.constant 2 : i32
            %eq3A_452 = vector.broadcast %eq3A_451 : i32 to vector<16xi32>
            %eq3A_453 = arith.cmpi eq, %add3A_431, %eq3A_452 : vector<16xi32>
            %and3A_454 = arith.andi %ge3A_440, %eq3A_453 : vector<16xi1>
            %select_n3A_455 = arith.select %and3A_454, %gather3A_437, %select_n3A_421 : vector<16xi1>, vector<16xf32>
            %lt3A_456 = arith.constant 3 : i32
            %lt3A_457 = vector.broadcast %lt3A_456 : i32 to vector<16xi32>
            %lt3A_458 = arith.cmpi slt, %add3A_431, %lt3A_457 : vector<16xi32>
            %and3A_459 = arith.andi %ge3A_440, %lt3A_458 : vector<16xi1>
            %jit3A_460 = arith.constant 1 : i32
            %jit3A_461 = arith.constant 0 : i32
            %broadcast_in_dim3A_462 = vector.broadcast %jit3A_460 : i32 to vector<16xi32>
            %broadcast_in_dim3A_463 = vector.broadcast %jit3A_461 : i32 to vector<16xi32>
            %select_n3A_464 = arith.select %and3A_459, %broadcast_in_dim3A_462, %broadcast_in_dim3A_463 : vector<16xi1>, vector<16xi32>
            %add3A_465 = arith.addi %add3A_431, %select_n3A_464 : vector<16xi32>
            %mul3A_466 = arith.constant 16 : i32
            %mul3A_467 = arith.muli %scan3A_148, %mul3A_466 : i32
            %add3A_468 = arith.constant 9 : i32
            %add3A_469 = arith.addi %mul3A_467, %add3A_468 : i32
            %broadcast_in_dim3A_470 = vector.broadcast %add3A_469 : i32 to vector<16xi32>
            %gather3A_471 = tpu.vector_load_idx %arg4[%add3A_128, %broadcast_in_dim3A_470] : memref<128x128xf32, #tpu.memory_space<vmem>>[vector<16xi32>, vector<16xi32>], vector<16xf32>,
            %ge3A_472 = arith.constant 1.000000e+00 : f32
            %ge3A_473 = vector.broadcast %ge3A_472 : f32 to vector<16xf32>
            %ge3A_474 = arith.cmpf oge, %gather3A_471, %ge3A_473 : vector<16xf32>
            %eq3A_475 = arith.constant 0 : i32
            %eq3A_476 = vector.broadcast %eq3A_475 : i32 to vector<16xi32>
            %eq3A_477 = arith.cmpi eq, %add3A_465, %eq3A_476 : vector<16xi32>
            %and3A_478 = arith.andi %ge3A_474, %eq3A_477 : vector<16xi1>
            %select_n3A_479 = arith.select %and3A_478, %gather3A_471, %select_n3A_445 : vector<16xi1>, vector<16xf32>
            %eq3A_480 = arith.constant 1 : i32
            %eq3A_481 = vector.broadcast %eq3A_480 : i32 to vector<16xi32>
            %eq3A_482 = arith.cmpi eq, %add3A_465, %eq3A_481 : vector<16xi32>
            %and3A_483 = arith.andi %ge3A_474, %eq3A_482 : vector<16xi1>
            %select_n3A_484 = arith.select %and3A_483, %gather3A_471, %select_n3A_450 : vector<16xi1>, vector<16xf32>
            %eq3A_485 = arith.constant 2 : i32
            %eq3A_486 = vector.broadcast %eq3A_485 : i32 to vector<16xi32>
            %eq3A_487 = arith.cmpi eq, %add3A_465, %eq3A_486 : vector<16xi32>
            %and3A_488 = arith.andi %ge3A_474, %eq3A_487 : vector<16xi1>
            %select_n3A_489 = arith.select %and3A_488, %gather3A_471, %select_n3A_455 : vector<16xi1>, vector<16xf32>
            %lt3A_490 = arith.constant 3 : i32
            %lt3A_491 = vector.broadcast %lt3A_490 : i32 to vector<16xi32>
            %lt3A_492 = arith.cmpi slt, %add3A_465, %lt3A_491 : vector<16xi32>
            %and3A_493 = arith.andi %ge3A_474, %lt3A_492 : vector<16xi1>
            %jit3A_494 = arith.constant 1 : i32
            %jit3A_495 = arith.constant 0 : i32
            %broadcast_in_dim3A_496 = vector.broadcast %jit3A_494 : i32 to vector<16xi32>
            %broadcast_in_dim3A_497 = vector.broadcast %jit3A_495 : i32 to vector<16xi32>
            %select_n3A_498 = arith.select %and3A_493, %broadcast_in_dim3A_496, %broadcast_in_dim3A_497 : vector<16xi1>, vector<16xi32>
            %add3A_499 = arith.addi %add3A_465, %select_n3A_498 : vector<16xi32>
            %mul3A_500 = arith.constant 16 : i32
            %mul3A_501 = arith.muli %scan3A_148, %mul3A_500 : i32
            %add3A_502 = arith.constant 10 : i32
            %add3A_503 = arith.addi %mul3A_501, %add3A_502 : i32
            %broadcast_in_dim3A_504 = vector.broadcast %add3A_503 : i32 to vector<16xi32>
            %gather3A_505 = tpu.vector_load_idx %arg4[%add3A_128, %broadcast_in_dim3A_504] : memref<128x128xf32, #tpu.memory_space<vmem>>[vector<16xi32>, vector<16xi32>], vector<16xf32>,
            %ge3A_506 = arith.constant 1.000000e+00 : f32
            %ge3A_507 = vector.broadcast %ge3A_506 : f32 to vector<16xf32>
            %ge3A_508 = arith.cmpf oge, %gather3A_505, %ge3A_507 : vector<16xf32>
            %eq3A_509 = arith.constant 0 : i32
            %eq3A_510 = vector.broadcast %eq3A_509 : i32 to vector<16xi32>
            %eq3A_511 = arith.cmpi eq, %add3A_499, %eq3A_510 : vector<16xi32>
            %and3A_512 = arith.andi %ge3A_508, %eq3A_511 : vector<16xi1>
            %select_n3A_513 = arith.select %and3A_512, %gather3A_505, %select_n3A_479 : vector<16xi1>, vector<16xf32>
            %eq3A_514 = arith.constant 1 : i32
            %eq3A_515 = vector.broadcast %eq3A_514 : i32 to vector<16xi32>
            %eq3A_516 = arith.cmpi eq, %add3A_499, %eq3A_515 : vector<16xi32>
            %and3A_517 = arith.andi %ge3A_508, %eq3A_516 : vector<16xi1>
            %select_n3A_518 = arith.select %and3A_517, %gather3A_505, %select_n3A_484 : vector<16xi1>, vector<16xf32>
            %eq3A_519 = arith.constant 2 : i32
            %eq3A_520 = vector.broadcast %eq3A_519 : i32 to vector<16xi32>
            %eq3A_521 = arith.cmpi eq, %add3A_499, %eq3A_520 : vector<16xi32>
            %and3A_522 = arith.andi %ge3A_508, %eq3A_521 : vector<16xi1>
            %select_n3A_523 = arith.select %and3A_522, %gather3A_505, %select_n3A_489 : vector<16xi1>, vector<16xf32>
            %lt3A_524 = arith.constant 3 : i32
            %lt3A_525 = vector.broadcast %lt3A_524 : i32 to vector<16xi32>
            %lt3A_526 = arith.cmpi slt, %add3A_499, %lt3A_525 : vector<16xi32>
            %and3A_527 = arith.andi %ge3A_508, %lt3A_526 : vector<16xi1>
            %jit3A_528 = arith.constant 1 : i32
            %jit3A_529 = arith.constant 0 : i32
            %broadcast_in_dim3A_530 = vector.broadcast %jit3A_528 : i32 to vector<16xi32>
            %broadcast_in_dim3A_531 = vector.broadcast %jit3A_529 : i32 to vector<16xi32>
            %select_n3A_532 = arith.select %and3A_527, %broadcast_in_dim3A_530, %broadcast_in_dim3A_531 : vector<16xi1>, vector<16xi32>
            %add3A_533 = arith.addi %add3A_499, %select_n3A_532 : vector<16xi32>
            %mul3A_534 = arith.constant 16 : i32
            %mul3A_535 = arith.muli %scan3A_148, %mul3A_534 : i32
            %add3A_536 = arith.constant 11 : i32
            %add3A_537 = arith.addi %mul3A_535, %add3A_536 : i32
            %broadcast_in_dim3A_538 = vector.broadcast %add3A_537 : i32 to vector<16xi32>
            %gather3A_539 = tpu.vector_load_idx %arg4[%add3A_128, %broadcast_in_dim3A_538] : memref<128x128xf32, #tpu.memory_space<vmem>>[vector<16xi32>, vector<16xi32>], vector<16xf32>,
            %ge3A_540 = arith.constant 1.000000e+00 : f32
            %ge3A_541 = vector.broadcast %ge3A_540 : f32 to vector<16xf32>
            %ge3A_542 = arith.cmpf oge, %gather3A_539, %ge3A_541 : vector<16xf32>
            %eq3A_543 = arith.constant 0 : i32
            %eq3A_544 = vector.broadcast %eq3A_543 : i32 to vector<16xi32>
            %eq3A_545 = arith.cmpi eq, %add3A_533, %eq3A_544 : vector<16xi32>
            %and3A_546 = arith.andi %ge3A_542, %eq3A_545 : vector<16xi1>
            %select_n3A_547 = arith.select %and3A_546, %gather3A_539, %select_n3A_513 : vector<16xi1>, vector<16xf32>
            %eq3A_548 = arith.constant 1 : i32
            %eq3A_549 = vector.broadcast %eq3A_548 : i32 to vector<16xi32>
            %eq3A_550 = arith.cmpi eq, %add3A_533, %eq3A_549 : vector<16xi32>
            %and3A_551 = arith.andi %ge3A_542, %eq3A_550 : vector<16xi1>
            %select_n3A_552 = arith.select %and3A_551, %gather3A_539, %select_n3A_518 : vector<16xi1>, vector<16xf32>
            %eq3A_553 = arith.constant 2 : i32
            %eq3A_554 = vector.broadcast %eq3A_553 : i32 to vector<16xi32>
            %eq3A_555 = arith.cmpi eq, %add3A_533, %eq3A_554 : vector<16xi32>
            %and3A_556 = arith.andi %ge3A_542, %eq3A_555 : vector<16xi1>
            %select_n3A_557 = arith.select %and3A_556, %gather3A_539, %select_n3A_523 : vector<16xi1>, vector<16xf32>
            %lt3A_558 = arith.constant 3 : i32
            %lt3A_559 = vector.broadcast %lt3A_558 : i32 to vector<16xi32>
            %lt3A_560 = arith.cmpi slt, %add3A_533, %lt3A_559 : vector<16xi32>
            %and3A_561 = arith.andi %ge3A_542, %lt3A_560 : vector<16xi1>
            %jit3A_562 = arith.constant 1 : i32
            %jit3A_563 = arith.constant 0 : i32
            %broadcast_in_dim3A_564 = vector.broadcast %jit3A_562 : i32 to vector<16xi32>
            %broadcast_in_dim3A_565 = vector.broadcast %jit3A_563 : i32 to vector<16xi32>
            %select_n3A_566 = arith.select %and3A_561, %broadcast_in_dim3A_564, %broadcast_in_dim3A_565 : vector<16xi1>, vector<16xi32>
            %add3A_567 = arith.addi %add3A_533, %select_n3A_566 : vector<16xi32>
            %mul3A_568 = arith.constant 16 : i32
            %mul3A_569 = arith.muli %scan3A_148, %mul3A_568 : i32
            %add3A_570 = arith.constant 12 : i32
            %add3A_571 = arith.addi %mul3A_569, %add3A_570 : i32
            %broadcast_in_dim3A_572 = vector.broadcast %add3A_571 : i32 to vector<16xi32>
            %gather3A_573 = tpu.vector_load_idx %arg4[%add3A_128, %broadcast_in_dim3A_572] : memref<128x128xf32, #tpu.memory_space<vmem>>[vector<16xi32>, vector<16xi32>], vector<16xf32>,
            %ge3A_574 = arith.constant 1.000000e+00 : f32
            %ge3A_575 = vector.broadcast %ge3A_574 : f32 to vector<16xf32>
            %ge3A_576 = arith.cmpf oge, %gather3A_573, %ge3A_575 : vector<16xf32>
            %eq3A_577 = arith.constant 0 : i32
            %eq3A_578 = vector.broadcast %eq3A_577 : i32 to vector<16xi32>
            %eq3A_579 = arith.cmpi eq, %add3A_567, %eq3A_578 : vector<16xi32>
            %and3A_580 = arith.andi %ge3A_576, %eq3A_579 : vector<16xi1>
            %select_n3A_581 = arith.select %and3A_580, %gather3A_573, %select_n3A_547 : vector<16xi1>, vector<16xf32>
            %eq3A_582 = arith.constant 1 : i32
            %eq3A_583 = vector.broadcast %eq3A_582 : i32 to vector<16xi32>
            %eq3A_584 = arith.cmpi eq, %add3A_567, %eq3A_583 : vector<16xi32>
            %and3A_585 = arith.andi %ge3A_576, %eq3A_584 : vector<16xi1>
            %select_n3A_586 = arith.select %and3A_585, %gather3A_573, %select_n3A_552 : vector<16xi1>, vector<16xf32>
            %eq3A_587 = arith.constant 2 : i32
            %eq3A_588 = vector.broadcast %eq3A_587 : i32 to vector<16xi32>
            %eq3A_589 = arith.cmpi eq, %add3A_567, %eq3A_588 : vector<16xi32>
            %and3A_590 = arith.andi %ge3A_576, %eq3A_589 : vector<16xi1>
            %select_n3A_591 = arith.select %and3A_590, %gather3A_573, %select_n3A_557 : vector<16xi1>, vector<16xf32>
            %lt3A_592 = arith.constant 3 : i32
            %lt3A_593 = vector.broadcast %lt3A_592 : i32 to vector<16xi32>
            %lt3A_594 = arith.cmpi slt, %add3A_567, %lt3A_593 : vector<16xi32>
            %and3A_595 = arith.andi %ge3A_576, %lt3A_594 : vector<16xi1>
            %jit3A_596 = arith.constant 1 : i32
            %jit3A_597 = arith.constant 0 : i32
            %broadcast_in_dim3A_598 = vector.broadcast %jit3A_596 : i32 to vector<16xi32>
            %broadcast_in_dim3A_599 = vector.broadcast %jit3A_597 : i32 to vector<16xi32>
            %select_n3A_600 = arith.select %and3A_595, %broadcast_in_dim3A_598, %broadcast_in_dim3A_599 : vector<16xi1>, vector<16xi32>
            %add3A_601 = arith.addi %add3A_567, %select_n3A_600 : vector<16xi32>
            %mul3A_602 = arith.constant 16 : i32
            %mul3A_603 = arith.muli %scan3A_148, %mul3A_602 : i32
            %add3A_604 = arith.constant 13 : i32
            %add3A_605 = arith.addi %mul3A_603, %add3A_604 : i32
            %broadcast_in_dim3A_606 = vector.broadcast %add3A_605 : i32 to vector<16xi32>
            %gather3A_607 = tpu.vector_load_idx %arg4[%add3A_128, %broadcast_in_dim3A_606] : memref<128x128xf32, #tpu.memory_space<vmem>>[vector<16xi32>, vector<16xi32>], vector<16xf32>,
            %ge3A_608 = arith.constant 1.000000e+00 : f32
            %ge3A_609 = vector.broadcast %ge3A_608 : f32 to vector<16xf32>
            %ge3A_610 = arith.cmpf oge, %gather3A_607, %ge3A_609 : vector<16xf32>
            %eq3A_611 = arith.constant 0 : i32
            %eq3A_612 = vector.broadcast %eq3A_611 : i32 to vector<16xi32>
            %eq3A_613 = arith.cmpi eq, %add3A_601, %eq3A_612 : vector<16xi32>
            %and3A_614 = arith.andi %ge3A_610, %eq3A_613 : vector<16xi1>
            %select_n3A_615 = arith.select %and3A_614, %gather3A_607, %select_n3A_581 : vector<16xi1>, vector<16xf32>
            %eq3A_616 = arith.constant 1 : i32
            %eq3A_617 = vector.broadcast %eq3A_616 : i32 to vector<16xi32>
            %eq3A_618 = arith.cmpi eq, %add3A_601, %eq3A_617 : vector<16xi32>
            %and3A_619 = arith.andi %ge3A_610, %eq3A_618 : vector<16xi1>
            %select_n3A_620 = arith.select %and3A_619, %gather3A_607, %select_n3A_586 : vector<16xi1>, vector<16xf32>
            %eq3A_621 = arith.constant 2 : i32
            %eq3A_622 = vector.broadcast %eq3A_621 : i32 to vector<16xi32>
            %eq3A_623 = arith.cmpi eq, %add3A_601, %eq3A_622 : vector<16xi32>
            %and3A_624 = arith.andi %ge3A_610, %eq3A_623 : vector<16xi1>
            %select_n3A_625 = arith.select %and3A_624, %gather3A_607, %select_n3A_591 : vector<16xi1>, vector<16xf32>
            %lt3A_626 = arith.constant 3 : i32
            %lt3A_627 = vector.broadcast %lt3A_626 : i32 to vector<16xi32>
            %lt3A_628 = arith.cmpi slt, %add3A_601, %lt3A_627 : vector<16xi32>
            %and3A_629 = arith.andi %ge3A_610, %lt3A_628 : vector<16xi1>
            %jit3A_630 = arith.constant 1 : i32
            %jit3A_631 = arith.constant 0 : i32
            %broadcast_in_dim3A_632 = vector.broadcast %jit3A_630 : i32 to vector<16xi32>
            %broadcast_in_dim3A_633 = vector.broadcast %jit3A_631 : i32 to vector<16xi32>
            %select_n3A_634 = arith.select %and3A_629, %broadcast_in_dim3A_632, %broadcast_in_dim3A_633 : vector<16xi1>, vector<16xi32>
            %add3A_635 = arith.addi %add3A_601, %select_n3A_634 : vector<16xi32>
            %mul3A_636 = arith.constant 16 : i32
            %mul3A_637 = arith.muli %scan3A_148, %mul3A_636 : i32
            %add3A_638 = arith.constant 14 : i32
            %add3A_639 = arith.addi %mul3A_637, %add3A_638 : i32
            %broadcast_in_dim3A_640 = vector.broadcast %add3A_639 : i32 to vector<16xi32>
            %gather3A_641 = tpu.vector_load_idx %arg4[%add3A_128, %broadcast_in_dim3A_640] : memref<128x128xf32, #tpu.memory_space<vmem>>[vector<16xi32>, vector<16xi32>], vector<16xf32>,
            %ge3A_642 = arith.constant 1.000000e+00 : f32
            %ge3A_643 = vector.broadcast %ge3A_642 : f32 to vector<16xf32>
            %ge3A_644 = arith.cmpf oge, %gather3A_641, %ge3A_643 : vector<16xf32>
            %eq3A_645 = arith.constant 0 : i32
            %eq3A_646 = vector.broadcast %eq3A_645 : i32 to vector<16xi32>
            %eq3A_647 = arith.cmpi eq, %add3A_635, %eq3A_646 : vector<16xi32>
            %and3A_648 = arith.andi %ge3A_644, %eq3A_647 : vector<16xi1>
            %select_n3A_649 = arith.select %and3A_648, %gather3A_641, %select_n3A_615 : vector<16xi1>, vector<16xf32>
            %eq3A_650 = arith.constant 1 : i32
            %eq3A_651 = vector.broadcast %eq3A_650 : i32 to vector<16xi32>
            %eq3A_652 = arith.cmpi eq, %add3A_635, %eq3A_651 : vector<16xi32>
            %and3A_653 = arith.andi %ge3A_644, %eq3A_652 : vector<16xi1>
            %select_n3A_654 = arith.select %and3A_653, %gather3A_641, %select_n3A_620 : vector<16xi1>, vector<16xf32>
            %eq3A_655 = arith.constant 2 : i32
            %eq3A_656 = vector.broadcast %eq3A_655 : i32 to vector<16xi32>
            %eq3A_657 = arith.cmpi eq, %add3A_635, %eq3A_656 : vector<16xi32>
            %and3A_658 = arith.andi %ge3A_644, %eq3A_657 : vector<16xi1>
            %select_n3A_659 = arith.select %and3A_658, %gather3A_641, %select_n3A_625 : vector<16xi1>, vector<16xf32>
            %lt3A_660 = arith.constant 3 : i32
            %lt3A_661 = vector.broadcast %lt3A_660 : i32 to vector<16xi32>
            %lt3A_662 = arith.cmpi slt, %add3A_635, %lt3A_661 : vector<16xi32>
            %and3A_663 = arith.andi %ge3A_644, %lt3A_662 : vector<16xi1>
            %jit3A_664 = arith.constant 1 : i32
            %jit3A_665 = arith.constant 0 : i32
            %broadcast_in_dim3A_666 = vector.broadcast %jit3A_664 : i32 to vector<16xi32>
            %broadcast_in_dim3A_667 = vector.broadcast %jit3A_665 : i32 to vector<16xi32>
            %select_n3A_668 = arith.select %and3A_663, %broadcast_in_dim3A_666, %broadcast_in_dim3A_667 : vector<16xi1>, vector<16xi32>
            %add3A_669 = arith.addi %add3A_635, %select_n3A_668 : vector<16xi32>
            %mul3A_670 = arith.constant 16 : i32
            %mul3A_671 = arith.muli %scan3A_148, %mul3A_670 : i32
            %add3A_672 = arith.constant 15 : i32
            %add3A_673 = arith.addi %mul3A_671, %add3A_672 : i32
            %broadcast_in_dim3A_674 = vector.broadcast %add3A_673 : i32 to vector<16xi32>
            %gather3A_675 = tpu.vector_load_idx %arg4[%add3A_128, %broadcast_in_dim3A_674] : memref<128x128xf32, #tpu.memory_space<vmem>>[vector<16xi32>, vector<16xi32>], vector<16xf32>,
            %ge3A_676 = arith.constant 1.000000e+00 : f32
            %ge3A_677 = vector.broadcast %ge3A_676 : f32 to vector<16xf32>
            %ge3A_678 = arith.cmpf oge, %gather3A_675, %ge3A_677 : vector<16xf32>
            %eq3A_679 = arith.constant 0 : i32
            %eq3A_680 = vector.broadcast %eq3A_679 : i32 to vector<16xi32>
            %eq3A_681 = arith.cmpi eq, %add3A_669, %eq3A_680 : vector<16xi32>
            %and3A_682 = arith.andi %ge3A_678, %eq3A_681 : vector<16xi1>
            %select_n3A_683 = arith.select %and3A_682, %gather3A_675, %select_n3A_649 : vector<16xi1>, vector<16xf32>
            %eq3A_684 = arith.constant 1 : i32
            %eq3A_685 = vector.broadcast %eq3A_684 : i32 to vector<16xi32>
            %eq3A_686 = arith.cmpi eq, %add3A_669, %eq3A_685 : vector<16xi32>
            %and3A_687 = arith.andi %ge3A_678, %eq3A_686 : vector<16xi1>
            %select_n3A_688 = arith.select %and3A_687, %gather3A_675, %select_n3A_654 : vector<16xi1>, vector<16xf32>
            %eq3A_689 = arith.constant 2 : i32
            %eq3A_690 = vector.broadcast %eq3A_689 : i32 to vector<16xi32>
            %eq3A_691 = arith.cmpi eq, %add3A_669, %eq3A_690 : vector<16xi32>
            %and3A_692 = arith.andi %ge3A_678, %eq3A_691 : vector<16xi1>
            %select_n3A_693 = arith.select %and3A_692, %gather3A_675, %select_n3A_659 : vector<16xi1>, vector<16xf32>
            %lt3A_694 = arith.constant 3 : i32
            %lt3A_695 = vector.broadcast %lt3A_694 : i32 to vector<16xi32>
            %lt3A_696 = arith.cmpi slt, %add3A_669, %lt3A_695 : vector<16xi32>
            %and3A_697 = arith.andi %ge3A_678, %lt3A_696 : vector<16xi1>
            %jit3A_698 = arith.constant 1 : i32
            %jit3A_699 = arith.constant 0 : i32
            %broadcast_in_dim3A_700 = vector.broadcast %jit3A_698 : i32 to vector<16xi32>
            %broadcast_in_dim3A_701 = vector.broadcast %jit3A_699 : i32 to vector<16xi32>
            %select_n3A_702 = arith.select %and3A_697, %broadcast_in_dim3A_700, %broadcast_in_dim3A_701 : vector<16xi1>, vector<16xi32>
            %add3A_703 = arith.addi %add3A_669, %select_n3A_702 : vector<16xi32>
            %swap3A_704 = arith.index_cast %mul3A_124 : i32 to index
            %swap3A_705 = tpu.vector_load %arg6[%swap3A_704] {strides = array<i32>} : memref<128xf32, #tpu.memory_space<vmem>>, vector<16xf32>,
            tpu.vector_store %arg6[%swap3A_704], %select_n3A_683 {strides = array<i32>} : memref<128xf32, #tpu.memory_space<vmem>>, vector<16xf32>,
            %swap3A_706 = arith.index_cast %mul3A_124 : i32 to index
            %swap3A_707 = tpu.vector_load %arg7[%swap3A_706] {strides = array<i32>} : memref<128xf32, #tpu.memory_space<vmem>>, vector<16xf32>,
            tpu.vector_store %arg7[%swap3A_706], %select_n3A_688 {strides = array<i32>} : memref<128xf32, #tpu.memory_space<vmem>>, vector<16xf32>,
            %swap3A_708 = arith.index_cast %mul3A_124 : i32 to index
            %swap3A_709 = tpu.vector_load %arg8[%swap3A_708] {strides = array<i32>} : memref<128xf32, #tpu.memory_space<vmem>>, vector<16xf32>,
            tpu.vector_store %arg8[%swap3A_708], %select_n3A_693 {strides = array<i32>} : memref<128xf32, #tpu.memory_space<vmem>>, vector<16xf32>,
            %swap3A_710 = arith.index_cast %mul3A_124 : i32 to index
            %swap3A_711 = tpu.vector_load %arg9[%swap3A_710] {strides = array<i32>} : memref<128xi32, #tpu.memory_space<vmem>>, vector<16xi32>,
            tpu.vector_store %arg9[%swap3A_710], %add3A_703 {strides = array<i32>} : memref<128xi32, #tpu.memory_space<vmem>>, vector<16xi32>,
            %reduce_min3A = arith.constant true
            %reduce_min3A_712 = vector.broadcast %reduce_min3A : i1 to vector<16xi1>
            %reduce_min3A_713 = arith.constant -2147483648 : i32
            %reduce_min3A_714 = vector.broadcast %reduce_min3A_713 : i32 to vector<16xi32>
            %reduce_min3A_715 = arith.xori %add3A_703, %reduce_min3A_714 : vector<16xi32>
            %reduce_min3A_716 = tpu.scan <min>, %reduce_min3A_715 masked %reduce_min3A_712 : vector<16xi32>, vector<16xi1> -> vector<16xi32>
            %reduce_min3A_717 = arith.xori %reduce_min3A_716, %reduce_min3A_714 : vector<16xi32>
            %reduce_min3A_718 = vector.extract %reduce_min3A_717[15] : i32 from vector<16xi32>
            %ge3A_719 = arith.constant 3 : i32
            %ge3A_720 = arith.cmpi sge, %reduce_min3A_718, %ge3A_719 : i32
            %jit3A_721 = arith.constant 1 : i32
            %jit3A_722 = arith.constant 0 : i32
            %select_n3A_723 = arith.select %ge3A_720, %jit3A_721, %jit3A_722 : i32
            %swap3A_724 = arith.constant 0 : i32
            %swap3A_725 = arith.index_cast %swap3A_724 : i32 to index
            %swap3A_726 = memref.load %arg12[%swap3A_725] : memref<1xi32, #tpu.memory_space<smem>>
            memref.store %select_n3A_723, %arg12[%swap3A_725] : memref<1xi32, #tpu.memory_space<smem>>
          } else {
          }
        }
        %scan3A_138 = arith.constant 8 : i32
        %get3A_139 = arith.constant 0 : i32
        %get3A_140 = arith.index_cast %get3A_139 : i32 to index
        %get3A_141 = memref.load %arg11[%get3A_140] : memref<1xi32, #tpu.memory_space<smem>>
        %get3A_142 = arith.constant 0 : i32
        %get3A_143 = arith.index_cast %get3A_142 : i32 to index
        %get3A_144 = memref.load %arg12[%get3A_143] : memref<1xi32, #tpu.memory_space<smem>>
        %and3A = arith.andi %get3A_141, %get3A_144 : i32
        %swap3A_145 = arith.constant 0 : i32
        %swap3A_146 = arith.index_cast %swap3A_145 : i32 to index
        %swap3A_147 = memref.load %arg11[%swap3A_146] : memref<1xi32, #tpu.memory_space<smem>>
        memref.store %and3A, %arg11[%swap3A_146] : memref<1xi32, #tpu.memory_space<smem>>
      }
      %scan3A_105 = arith.constant 4 : i32
      %dma_wait3A_106 = arith.constant 64 : i32
      %dma_wait3A_107 = arith.constant 0 : i32
      %dma_wait3A_108 = tpu.memref_slice %arg4[%dma_wait3A_106, %dma_wait3A_107] : memref<128x128xf32, #tpu.memory_space<vmem>> -> memref<64x128xf32, #tpu.memory_space<vmem>>
      %dma_wait3A_109 = arith.constant 0 : i32
      %dma_wait3A_110 = tpu.memref_slice %arg2[%add3A_15, %dma_wait3A_109] : memref<4096x4096xf32, #tpu.memory_space<hbm>> -> memref<64x128xf32, #tpu.memory_space<hbm>>
      %dma_wait3A_111 = arith.constant 64 : i32
      %dma_wait3A_112 = arith.constant 0 : i32
      %dma_wait3A_113 = tpu.memref_slice %arg4[%dma_wait3A_111, %dma_wait3A_112] : memref<128x128xf32, #tpu.memory_space<vmem>> -> memref<64x128xf32, #tpu.memory_space<vmem>>
      %dma_wait3A_114 = arith.constant 0 : i32
      %dma_wait3A_115 = tpu.memref_slice %arg2[%add3A_15, %dma_wait3A_114] : memref<4096x4096xf32, #tpu.memory_space<hbm>> -> memref<64x128xf32, #tpu.memory_space<hbm>>
      tpu.wait_dma2 semaphore(%arg15 : memref<!tpu.dma_semaphore, #tpu.memory_space<semaphore_mem>>) src(%dma_wait3A_115 : memref<64x128xf32, #tpu.memory_space<hbm>>) dst(%dma_wait3A_113 : memref<64x128xf32, #tpu.memory_space<vmem>>)
      %scan3A_116 = arith.constant 0 : i32
      %scan3A_117 = arith.constant 4 : i32
      %scan3A_118 = arith.constant 4 : i32
      %scan3A_119 = arith.addi %scan3A_117, %scan3A_118 : i32
      %scan3A_120 = arith.constant 1 : i32
      scf.for %scan3A_122 = %scan3A_117 to %scan3A_119 step %scan3A_120  : i32 {
        %mul3A_123 = arith.constant 16 : i32
        %mul3A_124 = arith.muli %scan3A_122, %mul3A_123 : i32
        %mul3A_125 = arith.constant 16 : i32
        %mul3A_126 = arith.muli %scan3A_122, %mul3A_125 : i32
        %add3A_127 = vector.broadcast %mul3A_126 : i32 to vector<16xi32>
        %add3A_128 = arith.addi %add3A_127, %iota3A : vector<16xi32>
        %swap3A_129 = arith.constant 0 : i32
        %swap3A_130 = arith.constant 0 : i32
        %swap3A_131 = arith.index_cast %swap3A_130 : i32 to index
        %swap3A_132 = memref.load %arg12[%swap3A_131] : memref<1xi32, #tpu.memory_space<smem>>
        memref.store %swap3A_129, %arg12[%swap3A_131] : memref<1xi32, #tpu.memory_space<smem>>
        %scan3A_133 = arith.constant 0 : i32
        %scan3A_134 = arith.constant 0 : i32
        %scan3A_135 = arith.constant 8 : i32
        %scan3A_136 = arith.addi %scan3A_134, %scan3A_135 : i32
        %scan3A_137 = arith.constant 1 : i32
        scf.for %scan3A_148 = %scan3A_134 to %scan3A_136 step %scan3A_137  : i32 {
          %get3A_149 = arith.constant 0 : i32
          %get3A_150 = arith.index_cast %get3A_149 : i32 to index
          %get3A_151 = memref.load %arg12[%get3A_150] : memref<1xi32, #tpu.memory_space<smem>>
          %eq3A_152 = arith.constant 0 : i32
          %eq3A_153 = arith.cmpi eq, %get3A_151, %eq3A_152 : i32
          %convert_element_type3A_154 = arith.extui %eq3A_153 : i1 to i32
          %cond3A_155 = arith.constant 0 : i32
          %cond3A_156 = arith.cmpi ne, %convert_element_type3A_154, %cond3A_155 : i32
          scf.if %cond3A_156 {
            %get3A_157 = arith.index_cast %mul3A_124 : i32 to index
            %get3A_158 = tpu.vector_load %arg6[%get3A_157] {strides = array<i32>} : memref<128xf32, #tpu.memory_space<vmem>>, vector<16xf32>,
            %get3A_159 = arith.index_cast %mul3A_124 : i32 to index
            %get3A_160 = tpu.vector_load %arg7[%get3A_159] {strides = array<i32>} : memref<128xf32, #tpu.memory_space<vmem>>, vector<16xf32>,
            %get3A_161 = arith.index_cast %mul3A_124 : i32 to index
            %get3A_162 = tpu.vector_load %arg8[%get3A_161] {strides = array<i32>} : memref<128xf32, #tpu.memory_space<vmem>>, vector<16xf32>,
            %get3A_163 = arith.index_cast %mul3A_124 : i32 to index
            %get3A_164 = tpu.vector_load %arg9[%get3A_163] {strides = array<i32>} : memref<128xi32, #tpu.memory_space<vmem>>, vector<16xi32>,
            %mul3A_165 = arith.constant 16 : i32
            %mul3A_166 = arith.muli %scan3A_148, %mul3A_165 : i32
            %add3A_167 = arith.constant 0 : i32
            %add3A_168 = arith.addi %mul3A_166, %add3A_167 : i32
            %broadcast_in_dim3A_169 = vector.broadcast %add3A_168 : i32 to vector<16xi32>
            %gather3A = tpu.vector_load_idx %arg4[%add3A_128, %broadcast_in_dim3A_169] : memref<128x128xf32, #tpu.memory_space<vmem>>[vector<16xi32>, vector<16xi32>], vector<16xf32>,
            %ge3A = arith.constant 1.000000e+00 : f32
            %ge3A_170 = vector.broadcast %ge3A : f32 to vector<16xf32>
            %ge3A_171 = arith.cmpf oge, %gather3A, %ge3A_170 : vector<16xf32>
            %eq3A_172 = arith.constant 0 : i32
            %eq3A_173 = vector.broadcast %eq3A_172 : i32 to vector<16xi32>
            %eq3A_174 = arith.cmpi eq, %get3A_164, %eq3A_173 : vector<16xi32>
            %and3A_175 = arith.andi %ge3A_171, %eq3A_174 : vector<16xi1>
            %select_n3A = arith.select %and3A_175, %gather3A, %get3A_158 : vector<16xi1>, vector<16xf32>
            %eq3A_176 = arith.constant 1 : i32
            %eq3A_177 = vector.broadcast %eq3A_176 : i32 to vector<16xi32>
            %eq3A_178 = arith.cmpi eq, %get3A_164, %eq3A_177 : vector<16xi32>
            %and3A_179 = arith.andi %ge3A_171, %eq3A_178 : vector<16xi1>
            %select_n3A_180 = arith.select %and3A_179, %gather3A, %get3A_160 : vector<16xi1>, vector<16xf32>
            %eq3A_181 = arith.constant 2 : i32
            %eq3A_182 = vector.broadcast %eq3A_181 : i32 to vector<16xi32>
            %eq3A_183 = arith.cmpi eq, %get3A_164, %eq3A_182 : vector<16xi32>
            %and3A_184 = arith.andi %ge3A_171, %eq3A_183 : vector<16xi1>
            %select_n3A_185 = arith.select %and3A_184, %gather3A, %get3A_162 : vector<16xi1>, vector<16xf32>
            %lt3A = arith.constant 3 : i32
            %lt3A_186 = vector.broadcast %lt3A : i32 to vector<16xi32>
            %lt3A_187 = arith.cmpi slt, %get3A_164, %lt3A_186 : vector<16xi32>
            %and3A_188 = arith.andi %ge3A_171, %lt3A_187 : vector<16xi1>
            %jit3A = arith.constant 1 : i32
            %jit3A_189 = arith.constant 0 : i32
            %broadcast_in_dim3A_190 = vector.broadcast %jit3A : i32 to vector<16xi32>
            %broadcast_in_dim3A_191 = vector.broadcast %jit3A_189 : i32 to vector<16xi32>
            %select_n3A_192 = arith.select %and3A_188, %broadcast_in_dim3A_190, %broadcast_in_dim3A_191 : vector<16xi1>, vector<16xi32>
            %add3A_193 = arith.addi %get3A_164, %select_n3A_192 : vector<16xi32>
            %mul3A_194 = arith.constant 16 : i32
            %mul3A_195 = arith.muli %scan3A_148, %mul3A_194 : i32
            %add3A_196 = arith.constant 1 : i32
            %add3A_197 = arith.addi %mul3A_195, %add3A_196 : i32
            %broadcast_in_dim3A_198 = vector.broadcast %add3A_197 : i32 to vector<16xi32>
            %gather3A_199 = tpu.vector_load_idx %arg4[%add3A_128, %broadcast_in_dim3A_198] : memref<128x128xf32, #tpu.memory_space<vmem>>[vector<16xi32>, vector<16xi32>], vector<16xf32>,
            %ge3A_200 = arith.constant 1.000000e+00 : f32
            %ge3A_201 = vector.broadcast %ge3A_200 : f32 to vector<16xf32>
            %ge3A_202 = arith.cmpf oge, %gather3A_199, %ge3A_201 : vector<16xf32>
            %eq3A_203 = arith.constant 0 : i32
            %eq3A_204 = vector.broadcast %eq3A_203 : i32 to vector<16xi32>
            %eq3A_205 = arith.cmpi eq, %add3A_193, %eq3A_204 : vector<16xi32>
            %and3A_206 = arith.andi %ge3A_202, %eq3A_205 : vector<16xi1>
            %select_n3A_207 = arith.select %and3A_206, %gather3A_199, %select_n3A : vector<16xi1>, vector<16xf32>
            %eq3A_208 = arith.constant 1 : i32
            %eq3A_209 = vector.broadcast %eq3A_208 : i32 to vector<16xi32>
            %eq3A_210 = arith.cmpi eq, %add3A_193, %eq3A_209 : vector<16xi32>
            %and3A_211 = arith.andi %ge3A_202, %eq3A_210 : vector<16xi1>
            %select_n3A_212 = arith.select %and3A_211, %gather3A_199, %select_n3A_180 : vector<16xi1>, vector<16xf32>
            %eq3A_213 = arith.constant 2 : i32
            %eq3A_214 = vector.broadcast %eq3A_213 : i32 to vector<16xi32>
            %eq3A_215 = arith.cmpi eq, %add3A_193, %eq3A_214 : vector<16xi32>
            %and3A_216 = arith.andi %ge3A_202, %eq3A_215 : vector<16xi1>
            %select_n3A_217 = arith.select %and3A_216, %gather3A_199, %select_n3A_185 : vector<16xi1>, vector<16xf32>
            %lt3A_218 = arith.constant 3 : i32
            %lt3A_219 = vector.broadcast %lt3A_218 : i32 to vector<16xi32>
            %lt3A_220 = arith.cmpi slt, %add3A_193, %lt3A_219 : vector<16xi32>
            %and3A_221 = arith.andi %ge3A_202, %lt3A_220 : vector<16xi1>
            %jit3A_222 = arith.constant 1 : i32
            %jit3A_223 = arith.constant 0 : i32
            %broadcast_in_dim3A_224 = vector.broadcast %jit3A_222 : i32 to vector<16xi32>
            %broadcast_in_dim3A_225 = vector.broadcast %jit3A_223 : i32 to vector<16xi32>
            %select_n3A_226 = arith.select %and3A_221, %broadcast_in_dim3A_224, %broadcast_in_dim3A_225 : vector<16xi1>, vector<16xi32>
            %add3A_227 = arith.addi %add3A_193, %select_n3A_226 : vector<16xi32>
            %mul3A_228 = arith.constant 16 : i32
            %mul3A_229 = arith.muli %scan3A_148, %mul3A_228 : i32
            %add3A_230 = arith.constant 2 : i32
            %add3A_231 = arith.addi %mul3A_229, %add3A_230 : i32
            %broadcast_in_dim3A_232 = vector.broadcast %add3A_231 : i32 to vector<16xi32>
            %gather3A_233 = tpu.vector_load_idx %arg4[%add3A_128, %broadcast_in_dim3A_232] : memref<128x128xf32, #tpu.memory_space<vmem>>[vector<16xi32>, vector<16xi32>], vector<16xf32>,
            %ge3A_234 = arith.constant 1.000000e+00 : f32
            %ge3A_235 = vector.broadcast %ge3A_234 : f32 to vector<16xf32>
            %ge3A_236 = arith.cmpf oge, %gather3A_233, %ge3A_235 : vector<16xf32>
            %eq3A_237 = arith.constant 0 : i32
            %eq3A_238 = vector.broadcast %eq3A_237 : i32 to vector<16xi32>
            %eq3A_239 = arith.cmpi eq, %add3A_227, %eq3A_238 : vector<16xi32>
            %and3A_240 = arith.andi %ge3A_236, %eq3A_239 : vector<16xi1>
            %select_n3A_241 = arith.select %and3A_240, %gather3A_233, %select_n3A_207 : vector<16xi1>, vector<16xf32>
            %eq3A_242 = arith.constant 1 : i32
            %eq3A_243 = vector.broadcast %eq3A_242 : i32 to vector<16xi32>
            %eq3A_244 = arith.cmpi eq, %add3A_227, %eq3A_243 : vector<16xi32>
            %and3A_245 = arith.andi %ge3A_236, %eq3A_244 : vector<16xi1>
            %select_n3A_246 = arith.select %and3A_245, %gather3A_233, %select_n3A_212 : vector<16xi1>, vector<16xf32>
            %eq3A_247 = arith.constant 2 : i32
            %eq3A_248 = vector.broadcast %eq3A_247 : i32 to vector<16xi32>
            %eq3A_249 = arith.cmpi eq, %add3A_227, %eq3A_248 : vector<16xi32>
            %and3A_250 = arith.andi %ge3A_236, %eq3A_249 : vector<16xi1>
            %select_n3A_251 = arith.select %and3A_250, %gather3A_233, %select_n3A_217 : vector<16xi1>, vector<16xf32>
            %lt3A_252 = arith.constant 3 : i32
            %lt3A_253 = vector.broadcast %lt3A_252 : i32 to vector<16xi32>
            %lt3A_254 = arith.cmpi slt, %add3A_227, %lt3A_253 : vector<16xi32>
            %and3A_255 = arith.andi %ge3A_236, %lt3A_254 : vector<16xi1>
            %jit3A_256 = arith.constant 1 : i32
            %jit3A_257 = arith.constant 0 : i32
            %broadcast_in_dim3A_258 = vector.broadcast %jit3A_256 : i32 to vector<16xi32>
            %broadcast_in_dim3A_259 = vector.broadcast %jit3A_257 : i32 to vector<16xi32>
            %select_n3A_260 = arith.select %and3A_255, %broadcast_in_dim3A_258, %broadcast_in_dim3A_259 : vector<16xi1>, vector<16xi32>
            %add3A_261 = arith.addi %add3A_227, %select_n3A_260 : vector<16xi32>
            %mul3A_262 = arith.constant 16 : i32
            %mul3A_263 = arith.muli %scan3A_148, %mul3A_262 : i32
            %add3A_264 = arith.constant 3 : i32
            %add3A_265 = arith.addi %mul3A_263, %add3A_264 : i32
            %broadcast_in_dim3A_266 = vector.broadcast %add3A_265 : i32 to vector<16xi32>
            %gather3A_267 = tpu.vector_load_idx %arg4[%add3A_128, %broadcast_in_dim3A_266] : memref<128x128xf32, #tpu.memory_space<vmem>>[vector<16xi32>, vector<16xi32>], vector<16xf32>,
            %ge3A_268 = arith.constant 1.000000e+00 : f32
            %ge3A_269 = vector.broadcast %ge3A_268 : f32 to vector<16xf32>
            %ge3A_270 = arith.cmpf oge, %gather3A_267, %ge3A_269 : vector<16xf32>
            %eq3A_271 = arith.constant 0 : i32
            %eq3A_272 = vector.broadcast %eq3A_271 : i32 to vector<16xi32>
            %eq3A_273 = arith.cmpi eq, %add3A_261, %eq3A_272 : vector<16xi32>
            %and3A_274 = arith.andi %ge3A_270, %eq3A_273 : vector<16xi1>
            %select_n3A_275 = arith.select %and3A_274, %gather3A_267, %select_n3A_241 : vector<16xi1>, vector<16xf32>
            %eq3A_276 = arith.constant 1 : i32
            %eq3A_277 = vector.broadcast %eq3A_276 : i32 to vector<16xi32>
            %eq3A_278 = arith.cmpi eq, %add3A_261, %eq3A_277 : vector<16xi32>
            %and3A_279 = arith.andi %ge3A_270, %eq3A_278 : vector<16xi1>
            %select_n3A_280 = arith.select %and3A_279, %gather3A_267, %select_n3A_246 : vector<16xi1>, vector<16xf32>
            %eq3A_281 = arith.constant 2 : i32
            %eq3A_282 = vector.broadcast %eq3A_281 : i32 to vector<16xi32>
            %eq3A_283 = arith.cmpi eq, %add3A_261, %eq3A_282 : vector<16xi32>
            %and3A_284 = arith.andi %ge3A_270, %eq3A_283 : vector<16xi1>
            %select_n3A_285 = arith.select %and3A_284, %gather3A_267, %select_n3A_251 : vector<16xi1>, vector<16xf32>
            %lt3A_286 = arith.constant 3 : i32
            %lt3A_287 = vector.broadcast %lt3A_286 : i32 to vector<16xi32>
            %lt3A_288 = arith.cmpi slt, %add3A_261, %lt3A_287 : vector<16xi32>
            %and3A_289 = arith.andi %ge3A_270, %lt3A_288 : vector<16xi1>
            %jit3A_290 = arith.constant 1 : i32
            %jit3A_291 = arith.constant 0 : i32
            %broadcast_in_dim3A_292 = vector.broadcast %jit3A_290 : i32 to vector<16xi32>
            %broadcast_in_dim3A_293 = vector.broadcast %jit3A_291 : i32 to vector<16xi32>
            %select_n3A_294 = arith.select %and3A_289, %broadcast_in_dim3A_292, %broadcast_in_dim3A_293 : vector<16xi1>, vector<16xi32>
            %add3A_295 = arith.addi %add3A_261, %select_n3A_294 : vector<16xi32>
            %mul3A_296 = arith.constant 16 : i32
            %mul3A_297 = arith.muli %scan3A_148, %mul3A_296 : i32
            %add3A_298 = arith.constant 4 : i32
            %add3A_299 = arith.addi %mul3A_297, %add3A_298 : i32
            %broadcast_in_dim3A_300 = vector.broadcast %add3A_299 : i32 to vector<16xi32>
            %gather3A_301 = tpu.vector_load_idx %arg4[%add3A_128, %broadcast_in_dim3A_300] : memref<128x128xf32, #tpu.memory_space<vmem>>[vector<16xi32>, vector<16xi32>], vector<16xf32>,
            %ge3A_302 = arith.constant 1.000000e+00 : f32
            %ge3A_303 = vector.broadcast %ge3A_302 : f32 to vector<16xf32>
            %ge3A_304 = arith.cmpf oge, %gather3A_301, %ge3A_303 : vector<16xf32>
            %eq3A_305 = arith.constant 0 : i32
            %eq3A_306 = vector.broadcast %eq3A_305 : i32 to vector<16xi32>
            %eq3A_307 = arith.cmpi eq, %add3A_295, %eq3A_306 : vector<16xi32>
            %and3A_308 = arith.andi %ge3A_304, %eq3A_307 : vector<16xi1>
            %select_n3A_309 = arith.select %and3A_308, %gather3A_301, %select_n3A_275 : vector<16xi1>, vector<16xf32>
            %eq3A_310 = arith.constant 1 : i32
            %eq3A_311 = vector.broadcast %eq3A_310 : i32 to vector<16xi32>
            %eq3A_312 = arith.cmpi eq, %add3A_295, %eq3A_311 : vector<16xi32>
            %and3A_313 = arith.andi %ge3A_304, %eq3A_312 : vector<16xi1>
            %select_n3A_314 = arith.select %and3A_313, %gather3A_301, %select_n3A_280 : vector<16xi1>, vector<16xf32>
            %eq3A_315 = arith.constant 2 : i32
            %eq3A_316 = vector.broadcast %eq3A_315 : i32 to vector<16xi32>
            %eq3A_317 = arith.cmpi eq, %add3A_295, %eq3A_316 : vector<16xi32>
            %and3A_318 = arith.andi %ge3A_304, %eq3A_317 : vector<16xi1>
            %select_n3A_319 = arith.select %and3A_318, %gather3A_301, %select_n3A_285 : vector<16xi1>, vector<16xf32>
            %lt3A_320 = arith.constant 3 : i32
            %lt3A_321 = vector.broadcast %lt3A_320 : i32 to vector<16xi32>
            %lt3A_322 = arith.cmpi slt, %add3A_295, %lt3A_321 : vector<16xi32>
            %and3A_323 = arith.andi %ge3A_304, %lt3A_322 : vector<16xi1>
            %jit3A_324 = arith.constant 1 : i32
            %jit3A_325 = arith.constant 0 : i32
            %broadcast_in_dim3A_326 = vector.broadcast %jit3A_324 : i32 to vector<16xi32>
            %broadcast_in_dim3A_327 = vector.broadcast %jit3A_325 : i32 to vector<16xi32>
            %select_n3A_328 = arith.select %and3A_323, %broadcast_in_dim3A_326, %broadcast_in_dim3A_327 : vector<16xi1>, vector<16xi32>
            %add3A_329 = arith.addi %add3A_295, %select_n3A_328 : vector<16xi32>
            %mul3A_330 = arith.constant 16 : i32
            %mul3A_331 = arith.muli %scan3A_148, %mul3A_330 : i32
            %add3A_332 = arith.constant 5 : i32
            %add3A_333 = arith.addi %mul3A_331, %add3A_332 : i32
            %broadcast_in_dim3A_334 = vector.broadcast %add3A_333 : i32 to vector<16xi32>
            %gather3A_335 = tpu.vector_load_idx %arg4[%add3A_128, %broadcast_in_dim3A_334] : memref<128x128xf32, #tpu.memory_space<vmem>>[vector<16xi32>, vector<16xi32>], vector<16xf32>,
            %ge3A_336 = arith.constant 1.000000e+00 : f32
            %ge3A_337 = vector.broadcast %ge3A_336 : f32 to vector<16xf32>
            %ge3A_338 = arith.cmpf oge, %gather3A_335, %ge3A_337 : vector<16xf32>
            %eq3A_339 = arith.constant 0 : i32
            %eq3A_340 = vector.broadcast %eq3A_339 : i32 to vector<16xi32>
            %eq3A_341 = arith.cmpi eq, %add3A_329, %eq3A_340 : vector<16xi32>
            %and3A_342 = arith.andi %ge3A_338, %eq3A_341 : vector<16xi1>
            %select_n3A_343 = arith.select %and3A_342, %gather3A_335, %select_n3A_309 : vector<16xi1>, vector<16xf32>
            %eq3A_344 = arith.constant 1 : i32
            %eq3A_345 = vector.broadcast %eq3A_344 : i32 to vector<16xi32>
            %eq3A_346 = arith.cmpi eq, %add3A_329, %eq3A_345 : vector<16xi32>
            %and3A_347 = arith.andi %ge3A_338, %eq3A_346 : vector<16xi1>
            %select_n3A_348 = arith.select %and3A_347, %gather3A_335, %select_n3A_314 : vector<16xi1>, vector<16xf32>
            %eq3A_349 = arith.constant 2 : i32
            %eq3A_350 = vector.broadcast %eq3A_349 : i32 to vector<16xi32>
            %eq3A_351 = arith.cmpi eq, %add3A_329, %eq3A_350 : vector<16xi32>
            %and3A_352 = arith.andi %ge3A_338, %eq3A_351 : vector<16xi1>
            %select_n3A_353 = arith.select %and3A_352, %gather3A_335, %select_n3A_319 : vector<16xi1>, vector<16xf32>
            %lt3A_354 = arith.constant 3 : i32
            %lt3A_355 = vector.broadcast %lt3A_354 : i32 to vector<16xi32>
            %lt3A_356 = arith.cmpi slt, %add3A_329, %lt3A_355 : vector<16xi32>
            %and3A_357 = arith.andi %ge3A_338, %lt3A_356 : vector<16xi1>
            %jit3A_358 = arith.constant 1 : i32
            %jit3A_359 = arith.constant 0 : i32
            %broadcast_in_dim3A_360 = vector.broadcast %jit3A_358 : i32 to vector<16xi32>
            %broadcast_in_dim3A_361 = vector.broadcast %jit3A_359 : i32 to vector<16xi32>
            %select_n3A_362 = arith.select %and3A_357, %broadcast_in_dim3A_360, %broadcast_in_dim3A_361 : vector<16xi1>, vector<16xi32>
            %add3A_363 = arith.addi %add3A_329, %select_n3A_362 : vector<16xi32>
            %mul3A_364 = arith.constant 16 : i32
            %mul3A_365 = arith.muli %scan3A_148, %mul3A_364 : i32
            %add3A_366 = arith.constant 6 : i32
            %add3A_367 = arith.addi %mul3A_365, %add3A_366 : i32
            %broadcast_in_dim3A_368 = vector.broadcast %add3A_367 : i32 to vector<16xi32>
            %gather3A_369 = tpu.vector_load_idx %arg4[%add3A_128, %broadcast_in_dim3A_368] : memref<128x128xf32, #tpu.memory_space<vmem>>[vector<16xi32>, vector<16xi32>], vector<16xf32>,
            %ge3A_370 = arith.constant 1.000000e+00 : f32
            %ge3A_371 = vector.broadcast %ge3A_370 : f32 to vector<16xf32>
            %ge3A_372 = arith.cmpf oge, %gather3A_369, %ge3A_371 : vector<16xf32>
            %eq3A_373 = arith.constant 0 : i32
            %eq3A_374 = vector.broadcast %eq3A_373 : i32 to vector<16xi32>
            %eq3A_375 = arith.cmpi eq, %add3A_363, %eq3A_374 : vector<16xi32>
            %and3A_376 = arith.andi %ge3A_372, %eq3A_375 : vector<16xi1>
            %select_n3A_377 = arith.select %and3A_376, %gather3A_369, %select_n3A_343 : vector<16xi1>, vector<16xf32>
            %eq3A_378 = arith.constant 1 : i32
            %eq3A_379 = vector.broadcast %eq3A_378 : i32 to vector<16xi32>
            %eq3A_380 = arith.cmpi eq, %add3A_363, %eq3A_379 : vector<16xi32>
            %and3A_381 = arith.andi %ge3A_372, %eq3A_380 : vector<16xi1>
            %select_n3A_382 = arith.select %and3A_381, %gather3A_369, %select_n3A_348 : vector<16xi1>, vector<16xf32>
            %eq3A_383 = arith.constant 2 : i32
            %eq3A_384 = vector.broadcast %eq3A_383 : i32 to vector<16xi32>
            %eq3A_385 = arith.cmpi eq, %add3A_363, %eq3A_384 : vector<16xi32>
            %and3A_386 = arith.andi %ge3A_372, %eq3A_385 : vector<16xi1>
            %select_n3A_387 = arith.select %and3A_386, %gather3A_369, %select_n3A_353 : vector<16xi1>, vector<16xf32>
            %lt3A_388 = arith.constant 3 : i32
            %lt3A_389 = vector.broadcast %lt3A_388 : i32 to vector<16xi32>
            %lt3A_390 = arith.cmpi slt, %add3A_363, %lt3A_389 : vector<16xi32>
            %and3A_391 = arith.andi %ge3A_372, %lt3A_390 : vector<16xi1>
            %jit3A_392 = arith.constant 1 : i32
            %jit3A_393 = arith.constant 0 : i32
            %broadcast_in_dim3A_394 = vector.broadcast %jit3A_392 : i32 to vector<16xi32>
            %broadcast_in_dim3A_395 = vector.broadcast %jit3A_393 : i32 to vector<16xi32>
            %select_n3A_396 = arith.select %and3A_391, %broadcast_in_dim3A_394, %broadcast_in_dim3A_395 : vector<16xi1>, vector<16xi32>
            %add3A_397 = arith.addi %add3A_363, %select_n3A_396 : vector<16xi32>
            %mul3A_398 = arith.constant 16 : i32
            %mul3A_399 = arith.muli %scan3A_148, %mul3A_398 : i32
            %add3A_400 = arith.constant 7 : i32
            %add3A_401 = arith.addi %mul3A_399, %add3A_400 : i32
            %broadcast_in_dim3A_402 = vector.broadcast %add3A_401 : i32 to vector<16xi32>
            %gather3A_403 = tpu.vector_load_idx %arg4[%add3A_128, %broadcast_in_dim3A_402] : memref<128x128xf32, #tpu.memory_space<vmem>>[vector<16xi32>, vector<16xi32>], vector<16xf32>,
            %ge3A_404 = arith.constant 1.000000e+00 : f32
            %ge3A_405 = vector.broadcast %ge3A_404 : f32 to vector<16xf32>
            %ge3A_406 = arith.cmpf oge, %gather3A_403, %ge3A_405 : vector<16xf32>
            %eq3A_407 = arith.constant 0 : i32
            %eq3A_408 = vector.broadcast %eq3A_407 : i32 to vector<16xi32>
            %eq3A_409 = arith.cmpi eq, %add3A_397, %eq3A_408 : vector<16xi32>
            %and3A_410 = arith.andi %ge3A_406, %eq3A_409 : vector<16xi1>
            %select_n3A_411 = arith.select %and3A_410, %gather3A_403, %select_n3A_377 : vector<16xi1>, vector<16xf32>
            %eq3A_412 = arith.constant 1 : i32
            %eq3A_413 = vector.broadcast %eq3A_412 : i32 to vector<16xi32>
            %eq3A_414 = arith.cmpi eq, %add3A_397, %eq3A_413 : vector<16xi32>
            %and3A_415 = arith.andi %ge3A_406, %eq3A_414 : vector<16xi1>
            %select_n3A_416 = arith.select %and3A_415, %gather3A_403, %select_n3A_382 : vector<16xi1>, vector<16xf32>
            %eq3A_417 = arith.constant 2 : i32
            %eq3A_418 = vector.broadcast %eq3A_417 : i32 to vector<16xi32>
            %eq3A_419 = arith.cmpi eq, %add3A_397, %eq3A_418 : vector<16xi32>
            %and3A_420 = arith.andi %ge3A_406, %eq3A_419 : vector<16xi1>
            %select_n3A_421 = arith.select %and3A_420, %gather3A_403, %select_n3A_387 : vector<16xi1>, vector<16xf32>
            %lt3A_422 = arith.constant 3 : i32
            %lt3A_423 = vector.broadcast %lt3A_422 : i32 to vector<16xi32>
            %lt3A_424 = arith.cmpi slt, %add3A_397, %lt3A_423 : vector<16xi32>
            %and3A_425 = arith.andi %ge3A_406, %lt3A_424 : vector<16xi1>
            %jit3A_426 = arith.constant 1 : i32
            %jit3A_427 = arith.constant 0 : i32
            %broadcast_in_dim3A_428 = vector.broadcast %jit3A_426 : i32 to vector<16xi32>
            %broadcast_in_dim3A_429 = vector.broadcast %jit3A_427 : i32 to vector<16xi32>
            %select_n3A_430 = arith.select %and3A_425, %broadcast_in_dim3A_428, %broadcast_in_dim3A_429 : vector<16xi1>, vector<16xi32>
            %add3A_431 = arith.addi %add3A_397, %select_n3A_430 : vector<16xi32>
            %mul3A_432 = arith.constant 16 : i32
            %mul3A_433 = arith.muli %scan3A_148, %mul3A_432 : i32
            %add3A_434 = arith.constant 8 : i32
            %add3A_435 = arith.addi %mul3A_433, %add3A_434 : i32
            %broadcast_in_dim3A_436 = vector.broadcast %add3A_435 : i32 to vector<16xi32>
            %gather3A_437 = tpu.vector_load_idx %arg4[%add3A_128, %broadcast_in_dim3A_436] : memref<128x128xf32, #tpu.memory_space<vmem>>[vector<16xi32>, vector<16xi32>], vector<16xf32>,
            %ge3A_438 = arith.constant 1.000000e+00 : f32
            %ge3A_439 = vector.broadcast %ge3A_438 : f32 to vector<16xf32>
            %ge3A_440 = arith.cmpf oge, %gather3A_437, %ge3A_439 : vector<16xf32>
            %eq3A_441 = arith.constant 0 : i32
            %eq3A_442 = vector.broadcast %eq3A_441 : i32 to vector<16xi32>
            %eq3A_443 = arith.cmpi eq, %add3A_431, %eq3A_442 : vector<16xi32>
            %and3A_444 = arith.andi %ge3A_440, %eq3A_443 : vector<16xi1>
            %select_n3A_445 = arith.select %and3A_444, %gather3A_437, %select_n3A_411 : vector<16xi1>, vector<16xf32>
            %eq3A_446 = arith.constant 1 : i32
            %eq3A_447 = vector.broadcast %eq3A_446 : i32 to vector<16xi32>
            %eq3A_448 = arith.cmpi eq, %add3A_431, %eq3A_447 : vector<16xi32>
            %and3A_449 = arith.andi %ge3A_440, %eq3A_448 : vector<16xi1>
            %select_n3A_450 = arith.select %and3A_449, %gather3A_437, %select_n3A_416 : vector<16xi1>, vector<16xf32>
            %eq3A_451 = arith.constant 2 : i32
            %eq3A_452 = vector.broadcast %eq3A_451 : i32 to vector<16xi32>
            %eq3A_453 = arith.cmpi eq, %add3A_431, %eq3A_452 : vector<16xi32>
            %and3A_454 = arith.andi %ge3A_440, %eq3A_453 : vector<16xi1>
            %select_n3A_455 = arith.select %and3A_454, %gather3A_437, %select_n3A_421 : vector<16xi1>, vector<16xf32>
            %lt3A_456 = arith.constant 3 : i32
            %lt3A_457 = vector.broadcast %lt3A_456 : i32 to vector<16xi32>
            %lt3A_458 = arith.cmpi slt, %add3A_431, %lt3A_457 : vector<16xi32>
            %and3A_459 = arith.andi %ge3A_440, %lt3A_458 : vector<16xi1>
            %jit3A_460 = arith.constant 1 : i32
            %jit3A_461 = arith.constant 0 : i32
            %broadcast_in_dim3A_462 = vector.broadcast %jit3A_460 : i32 to vector<16xi32>
            %broadcast_in_dim3A_463 = vector.broadcast %jit3A_461 : i32 to vector<16xi32>
            %select_n3A_464 = arith.select %and3A_459, %broadcast_in_dim3A_462, %broadcast_in_dim3A_463 : vector<16xi1>, vector<16xi32>
            %add3A_465 = arith.addi %add3A_431, %select_n3A_464 : vector<16xi32>
            %mul3A_466 = arith.constant 16 : i32
            %mul3A_467 = arith.muli %scan3A_148, %mul3A_466 : i32
            %add3A_468 = arith.constant 9 : i32
            %add3A_469 = arith.addi %mul3A_467, %add3A_468 : i32
            %broadcast_in_dim3A_470 = vector.broadcast %add3A_469 : i32 to vector<16xi32>
            %gather3A_471 = tpu.vector_load_idx %arg4[%add3A_128, %broadcast_in_dim3A_470] : memref<128x128xf32, #tpu.memory_space<vmem>>[vector<16xi32>, vector<16xi32>], vector<16xf32>,
            %ge3A_472 = arith.constant 1.000000e+00 : f32
            %ge3A_473 = vector.broadcast %ge3A_472 : f32 to vector<16xf32>
            %ge3A_474 = arith.cmpf oge, %gather3A_471, %ge3A_473 : vector<16xf32>
            %eq3A_475 = arith.constant 0 : i32
            %eq3A_476 = vector.broadcast %eq3A_475 : i32 to vector<16xi32>
            %eq3A_477 = arith.cmpi eq, %add3A_465, %eq3A_476 : vector<16xi32>
            %and3A_478 = arith.andi %ge3A_474, %eq3A_477 : vector<16xi1>
            %select_n3A_479 = arith.select %and3A_478, %gather3A_471, %select_n3A_445 : vector<16xi1>, vector<16xf32>
            %eq3A_480 = arith.constant 1 : i32
            %eq3A_481 = vector.broadcast %eq3A_480 : i32 to vector<16xi32>
            %eq3A_482 = arith.cmpi eq, %add3A_465, %eq3A_481 : vector<16xi32>
            %and3A_483 = arith.andi %ge3A_474, %eq3A_482 : vector<16xi1>
            %select_n3A_484 = arith.select %and3A_483, %gather3A_471, %select_n3A_450 : vector<16xi1>, vector<16xf32>
            %eq3A_485 = arith.constant 2 : i32
            %eq3A_486 = vector.broadcast %eq3A_485 : i32 to vector<16xi32>
            %eq3A_487 = arith.cmpi eq, %add3A_465, %eq3A_486 : vector<16xi32>
            %and3A_488 = arith.andi %ge3A_474, %eq3A_487 : vector<16xi1>
            %select_n3A_489 = arith.select %and3A_488, %gather3A_471, %select_n3A_455 : vector<16xi1>, vector<16xf32>
            %lt3A_490 = arith.constant 3 : i32
            %lt3A_491 = vector.broadcast %lt3A_490 : i32 to vector<16xi32>
            %lt3A_492 = arith.cmpi slt, %add3A_465, %lt3A_491 : vector<16xi32>
            %and3A_493 = arith.andi %ge3A_474, %lt3A_492 : vector<16xi1>
            %jit3A_494 = arith.constant 1 : i32
            %jit3A_495 = arith.constant 0 : i32
            %broadcast_in_dim3A_496 = vector.broadcast %jit3A_494 : i32 to vector<16xi32>
            %broadcast_in_dim3A_497 = vector.broadcast %jit3A_495 : i32 to vector<16xi32>
            %select_n3A_498 = arith.select %and3A_493, %broadcast_in_dim3A_496, %broadcast_in_dim3A_497 : vector<16xi1>, vector<16xi32>
            %add3A_499 = arith.addi %add3A_465, %select_n3A_498 : vector<16xi32>
            %mul3A_500 = arith.constant 16 : i32
            %mul3A_501 = arith.muli %scan3A_148, %mul3A_500 : i32
            %add3A_502 = arith.constant 10 : i32
            %add3A_503 = arith.addi %mul3A_501, %add3A_502 : i32
            %broadcast_in_dim3A_504 = vector.broadcast %add3A_503 : i32 to vector<16xi32>
            %gather3A_505 = tpu.vector_load_idx %arg4[%add3A_128, %broadcast_in_dim3A_504] : memref<128x128xf32, #tpu.memory_space<vmem>>[vector<16xi32>, vector<16xi32>], vector<16xf32>,
            %ge3A_506 = arith.constant 1.000000e+00 : f32
            %ge3A_507 = vector.broadcast %ge3A_506 : f32 to vector<16xf32>
            %ge3A_508 = arith.cmpf oge, %gather3A_505, %ge3A_507 : vector<16xf32>
            %eq3A_509 = arith.constant 0 : i32
            %eq3A_510 = vector.broadcast %eq3A_509 : i32 to vector<16xi32>
            %eq3A_511 = arith.cmpi eq, %add3A_499, %eq3A_510 : vector<16xi32>
            %and3A_512 = arith.andi %ge3A_508, %eq3A_511 : vector<16xi1>
            %select_n3A_513 = arith.select %and3A_512, %gather3A_505, %select_n3A_479 : vector<16xi1>, vector<16xf32>
            %eq3A_514 = arith.constant 1 : i32
            %eq3A_515 = vector.broadcast %eq3A_514 : i32 to vector<16xi32>
            %eq3A_516 = arith.cmpi eq, %add3A_499, %eq3A_515 : vector<16xi32>
            %and3A_517 = arith.andi %ge3A_508, %eq3A_516 : vector<16xi1>
            %select_n3A_518 = arith.select %and3A_517, %gather3A_505, %select_n3A_484 : vector<16xi1>, vector<16xf32>
            %eq3A_519 = arith.constant 2 : i32
            %eq3A_520 = vector.broadcast %eq3A_519 : i32 to vector<16xi32>
            %eq3A_521 = arith.cmpi eq, %add3A_499, %eq3A_520 : vector<16xi32>
            %and3A_522 = arith.andi %ge3A_508, %eq3A_521 : vector<16xi1>
            %select_n3A_523 = arith.select %and3A_522, %gather3A_505, %select_n3A_489 : vector<16xi1>, vector<16xf32>
            %lt3A_524 = arith.constant 3 : i32
            %lt3A_525 = vector.broadcast %lt3A_524 : i32 to vector<16xi32>
            %lt3A_526 = arith.cmpi slt, %add3A_499, %lt3A_525 : vector<16xi32>
            %and3A_527 = arith.andi %ge3A_508, %lt3A_526 : vector<16xi1>
            %jit3A_528 = arith.constant 1 : i32
            %jit3A_529 = arith.constant 0 : i32
            %broadcast_in_dim3A_530 = vector.broadcast %jit3A_528 : i32 to vector<16xi32>
            %broadcast_in_dim3A_531 = vector.broadcast %jit3A_529 : i32 to vector<16xi32>
            %select_n3A_532 = arith.select %and3A_527, %broadcast_in_dim3A_530, %broadcast_in_dim3A_531 : vector<16xi1>, vector<16xi32>
            %add3A_533 = arith.addi %add3A_499, %select_n3A_532 : vector<16xi32>
            %mul3A_534 = arith.constant 16 : i32
            %mul3A_535 = arith.muli %scan3A_148, %mul3A_534 : i32
            %add3A_536 = arith.constant 11 : i32
            %add3A_537 = arith.addi %mul3A_535, %add3A_536 : i32
            %broadcast_in_dim3A_538 = vector.broadcast %add3A_537 : i32 to vector<16xi32>
            %gather3A_539 = tpu.vector_load_idx %arg4[%add3A_128, %broadcast_in_dim3A_538] : memref<128x128xf32, #tpu.memory_space<vmem>>[vector<16xi32>, vector<16xi32>], vector<16xf32>,
            %ge3A_540 = arith.constant 1.000000e+00 : f32
            %ge3A_541 = vector.broadcast %ge3A_540 : f32 to vector<16xf32>
            %ge3A_542 = arith.cmpf oge, %gather3A_539, %ge3A_541 : vector<16xf32>
            %eq3A_543 = arith.constant 0 : i32
            %eq3A_544 = vector.broadcast %eq3A_543 : i32 to vector<16xi32>
            %eq3A_545 = arith.cmpi eq, %add3A_533, %eq3A_544 : vector<16xi32>
            %and3A_546 = arith.andi %ge3A_542, %eq3A_545 : vector<16xi1>
            %select_n3A_547 = arith.select %and3A_546, %gather3A_539, %select_n3A_513 : vector<16xi1>, vector<16xf32>
            %eq3A_548 = arith.constant 1 : i32
            %eq3A_549 = vector.broadcast %eq3A_548 : i32 to vector<16xi32>
            %eq3A_550 = arith.cmpi eq, %add3A_533, %eq3A_549 : vector<16xi32>
            %and3A_551 = arith.andi %ge3A_542, %eq3A_550 : vector<16xi1>
            %select_n3A_552 = arith.select %and3A_551, %gather3A_539, %select_n3A_518 : vector<16xi1>, vector<16xf32>
            %eq3A_553 = arith.constant 2 : i32
            %eq3A_554 = vector.broadcast %eq3A_553 : i32 to vector<16xi32>
            %eq3A_555 = arith.cmpi eq, %add3A_533, %eq3A_554 : vector<16xi32>
            %and3A_556 = arith.andi %ge3A_542, %eq3A_555 : vector<16xi1>
            %select_n3A_557 = arith.select %and3A_556, %gather3A_539, %select_n3A_523 : vector<16xi1>, vector<16xf32>
            %lt3A_558 = arith.constant 3 : i32
            %lt3A_559 = vector.broadcast %lt3A_558 : i32 to vector<16xi32>
            %lt3A_560 = arith.cmpi slt, %add3A_533, %lt3A_559 : vector<16xi32>
            %and3A_561 = arith.andi %ge3A_542, %lt3A_560 : vector<16xi1>
            %jit3A_562 = arith.constant 1 : i32
            %jit3A_563 = arith.constant 0 : i32
            %broadcast_in_dim3A_564 = vector.broadcast %jit3A_562 : i32 to vector<16xi32>
            %broadcast_in_dim3A_565 = vector.broadcast %jit3A_563 : i32 to vector<16xi32>
            %select_n3A_566 = arith.select %and3A_561, %broadcast_in_dim3A_564, %broadcast_in_dim3A_565 : vector<16xi1>, vector<16xi32>
            %add3A_567 = arith.addi %add3A_533, %select_n3A_566 : vector<16xi32>
            %mul3A_568 = arith.constant 16 : i32
            %mul3A_569 = arith.muli %scan3A_148, %mul3A_568 : i32
            %add3A_570 = arith.constant 12 : i32
            %add3A_571 = arith.addi %mul3A_569, %add3A_570 : i32
            %broadcast_in_dim3A_572 = vector.broadcast %add3A_571 : i32 to vector<16xi32>
            %gather3A_573 = tpu.vector_load_idx %arg4[%add3A_128, %broadcast_in_dim3A_572] : memref<128x128xf32, #tpu.memory_space<vmem>>[vector<16xi32>, vector<16xi32>], vector<16xf32>,
            %ge3A_574 = arith.constant 1.000000e+00 : f32
            %ge3A_575 = vector.broadcast %ge3A_574 : f32 to vector<16xf32>
            %ge3A_576 = arith.cmpf oge, %gather3A_573, %ge3A_575 : vector<16xf32>
            %eq3A_577 = arith.constant 0 : i32
            %eq3A_578 = vector.broadcast %eq3A_577 : i32 to vector<16xi32>
            %eq3A_579 = arith.cmpi eq, %add3A_567, %eq3A_578 : vector<16xi32>
            %and3A_580 = arith.andi %ge3A_576, %eq3A_579 : vector<16xi1>
            %select_n3A_581 = arith.select %and3A_580, %gather3A_573, %select_n3A_547 : vector<16xi1>, vector<16xf32>
            %eq3A_582 = arith.constant 1 : i32
            %eq3A_583 = vector.broadcast %eq3A_582 : i32 to vector<16xi32>
            %eq3A_584 = arith.cmpi eq, %add3A_567, %eq3A_583 : vector<16xi32>
            %and3A_585 = arith.andi %ge3A_576, %eq3A_584 : vector<16xi1>
            %select_n3A_586 = arith.select %and3A_585, %gather3A_573, %select_n3A_552 : vector<16xi1>, vector<16xf32>
            %eq3A_587 = arith.constant 2 : i32
            %eq3A_588 = vector.broadcast %eq3A_587 : i32 to vector<16xi32>
            %eq3A_589 = arith.cmpi eq, %add3A_567, %eq3A_588 : vector<16xi32>
            %and3A_590 = arith.andi %ge3A_576, %eq3A_589 : vector<16xi1>
            %select_n3A_591 = arith.select %and3A_590, %gather3A_573, %select_n3A_557 : vector<16xi1>, vector<16xf32>
            %lt3A_592 = arith.constant 3 : i32
            %lt3A_593 = vector.broadcast %lt3A_592 : i32 to vector<16xi32>
            %lt3A_594 = arith.cmpi slt, %add3A_567, %lt3A_593 : vector<16xi32>
            %and3A_595 = arith.andi %ge3A_576, %lt3A_594 : vector<16xi1>
            %jit3A_596 = arith.constant 1 : i32
            %jit3A_597 = arith.constant 0 : i32
            %broadcast_in_dim3A_598 = vector.broadcast %jit3A_596 : i32 to vector<16xi32>
            %broadcast_in_dim3A_599 = vector.broadcast %jit3A_597 : i32 to vector<16xi32>
            %select_n3A_600 = arith.select %and3A_595, %broadcast_in_dim3A_598, %broadcast_in_dim3A_599 : vector<16xi1>, vector<16xi32>
            %add3A_601 = arith.addi %add3A_567, %select_n3A_600 : vector<16xi32>
            %mul3A_602 = arith.constant 16 : i32
            %mul3A_603 = arith.muli %scan3A_148, %mul3A_602 : i32
            %add3A_604 = arith.constant 13 : i32
            %add3A_605 = arith.addi %mul3A_603, %add3A_604 : i32
            %broadcast_in_dim3A_606 = vector.broadcast %add3A_605 : i32 to vector<16xi32>
            %gather3A_607 = tpu.vector_load_idx %arg4[%add3A_128, %broadcast_in_dim3A_606] : memref<128x128xf32, #tpu.memory_space<vmem>>[vector<16xi32>, vector<16xi32>], vector<16xf32>,
            %ge3A_608 = arith.constant 1.000000e+00 : f32
            %ge3A_609 = vector.broadcast %ge3A_608 : f32 to vector<16xf32>
            %ge3A_610 = arith.cmpf oge, %gather3A_607, %ge3A_609 : vector<16xf32>
            %eq3A_611 = arith.constant 0 : i32
            %eq3A_612 = vector.broadcast %eq3A_611 : i32 to vector<16xi32>
            %eq3A_613 = arith.cmpi eq, %add3A_601, %eq3A_612 : vector<16xi32>
            %and3A_614 = arith.andi %ge3A_610, %eq3A_613 : vector<16xi1>
            %select_n3A_615 = arith.select %and3A_614, %gather3A_607, %select_n3A_581 : vector<16xi1>, vector<16xf32>
            %eq3A_616 = arith.constant 1 : i32
            %eq3A_617 = vector.broadcast %eq3A_616 : i32 to vector<16xi32>
            %eq3A_618 = arith.cmpi eq, %add3A_601, %eq3A_617 : vector<16xi32>
            %and3A_619 = arith.andi %ge3A_610, %eq3A_618 : vector<16xi1>
            %select_n3A_620 = arith.select %and3A_619, %gather3A_607, %select_n3A_586 : vector<16xi1>, vector<16xf32>
            %eq3A_621 = arith.constant 2 : i32
            %eq3A_622 = vector.broadcast %eq3A_621 : i32 to vector<16xi32>
            %eq3A_623 = arith.cmpi eq, %add3A_601, %eq3A_622 : vector<16xi32>
            %and3A_624 = arith.andi %ge3A_610, %eq3A_623 : vector<16xi1>
            %select_n3A_625 = arith.select %and3A_624, %gather3A_607, %select_n3A_591 : vector<16xi1>, vector<16xf32>
            %lt3A_626 = arith.constant 3 : i32
            %lt3A_627 = vector.broadcast %lt3A_626 : i32 to vector<16xi32>
            %lt3A_628 = arith.cmpi slt, %add3A_601, %lt3A_627 : vector<16xi32>
            %and3A_629 = arith.andi %ge3A_610, %lt3A_628 : vector<16xi1>
            %jit3A_630 = arith.constant 1 : i32
            %jit3A_631 = arith.constant 0 : i32
            %broadcast_in_dim3A_632 = vector.broadcast %jit3A_630 : i32 to vector<16xi32>
            %broadcast_in_dim3A_633 = vector.broadcast %jit3A_631 : i32 to vector<16xi32>
            %select_n3A_634 = arith.select %and3A_629, %broadcast_in_dim3A_632, %broadcast_in_dim3A_633 : vector<16xi1>, vector<16xi32>
            %add3A_635 = arith.addi %add3A_601, %select_n3A_634 : vector<16xi32>
            %mul3A_636 = arith.constant 16 : i32
            %mul3A_637 = arith.muli %scan3A_148, %mul3A_636 : i32
            %add3A_638 = arith.constant 14 : i32
            %add3A_639 = arith.addi %mul3A_637, %add3A_638 : i32
            %broadcast_in_dim3A_640 = vector.broadcast %add3A_639 : i32 to vector<16xi32>
            %gather3A_641 = tpu.vector_load_idx %arg4[%add3A_128, %broadcast_in_dim3A_640] : memref<128x128xf32, #tpu.memory_space<vmem>>[vector<16xi32>, vector<16xi32>], vector<16xf32>,
            %ge3A_642 = arith.constant 1.000000e+00 : f32
            %ge3A_643 = vector.broadcast %ge3A_642 : f32 to vector<16xf32>
            %ge3A_644 = arith.cmpf oge, %gather3A_641, %ge3A_643 : vector<16xf32>
            %eq3A_645 = arith.constant 0 : i32
            %eq3A_646 = vector.broadcast %eq3A_645 : i32 to vector<16xi32>
            %eq3A_647 = arith.cmpi eq, %add3A_635, %eq3A_646 : vector<16xi32>
            %and3A_648 = arith.andi %ge3A_644, %eq3A_647 : vector<16xi1>
            %select_n3A_649 = arith.select %and3A_648, %gather3A_641, %select_n3A_615 : vector<16xi1>, vector<16xf32>
            %eq3A_650 = arith.constant 1 : i32
            %eq3A_651 = vector.broadcast %eq3A_650 : i32 to vector<16xi32>
            %eq3A_652 = arith.cmpi eq, %add3A_635, %eq3A_651 : vector<16xi32>
            %and3A_653 = arith.andi %ge3A_644, %eq3A_652 : vector<16xi1>
            %select_n3A_654 = arith.select %and3A_653, %gather3A_641, %select_n3A_620 : vector<16xi1>, vector<16xf32>
            %eq3A_655 = arith.constant 2 : i32
            %eq3A_656 = vector.broadcast %eq3A_655 : i32 to vector<16xi32>
            %eq3A_657 = arith.cmpi eq, %add3A_635, %eq3A_656 : vector<16xi32>
            %and3A_658 = arith.andi %ge3A_644, %eq3A_657 : vector<16xi1>
            %select_n3A_659 = arith.select %and3A_658, %gather3A_641, %select_n3A_625 : vector<16xi1>, vector<16xf32>
            %lt3A_660 = arith.constant 3 : i32
            %lt3A_661 = vector.broadcast %lt3A_660 : i32 to vector<16xi32>
            %lt3A_662 = arith.cmpi slt, %add3A_635, %lt3A_661 : vector<16xi32>
            %and3A_663 = arith.andi %ge3A_644, %lt3A_662 : vector<16xi1>
            %jit3A_664 = arith.constant 1 : i32
            %jit3A_665 = arith.constant 0 : i32
            %broadcast_in_dim3A_666 = vector.broadcast %jit3A_664 : i32 to vector<16xi32>
            %broadcast_in_dim3A_667 = vector.broadcast %jit3A_665 : i32 to vector<16xi32>
            %select_n3A_668 = arith.select %and3A_663, %broadcast_in_dim3A_666, %broadcast_in_dim3A_667 : vector<16xi1>, vector<16xi32>
            %add3A_669 = arith.addi %add3A_635, %select_n3A_668 : vector<16xi32>
            %mul3A_670 = arith.constant 16 : i32
            %mul3A_671 = arith.muli %scan3A_148, %mul3A_670 : i32
            %add3A_672 = arith.constant 15 : i32
            %add3A_673 = arith.addi %mul3A_671, %add3A_672 : i32
            %broadcast_in_dim3A_674 = vector.broadcast %add3A_673 : i32 to vector<16xi32>
            %gather3A_675 = tpu.vector_load_idx %arg4[%add3A_128, %broadcast_in_dim3A_674] : memref<128x128xf32, #tpu.memory_space<vmem>>[vector<16xi32>, vector<16xi32>], vector<16xf32>,
            %ge3A_676 = arith.constant 1.000000e+00 : f32
            %ge3A_677 = vector.broadcast %ge3A_676 : f32 to vector<16xf32>
            %ge3A_678 = arith.cmpf oge, %gather3A_675, %ge3A_677 : vector<16xf32>
            %eq3A_679 = arith.constant 0 : i32
            %eq3A_680 = vector.broadcast %eq3A_679 : i32 to vector<16xi32>
            %eq3A_681 = arith.cmpi eq, %add3A_669, %eq3A_680 : vector<16xi32>
            %and3A_682 = arith.andi %ge3A_678, %eq3A_681 : vector<16xi1>
            %select_n3A_683 = arith.select %and3A_682, %gather3A_675, %select_n3A_649 : vector<16xi1>, vector<16xf32>
            %eq3A_684 = arith.constant 1 : i32
            %eq3A_685 = vector.broadcast %eq3A_684 : i32 to vector<16xi32>
            %eq3A_686 = arith.cmpi eq, %add3A_669, %eq3A_685 : vector<16xi32>
            %and3A_687 = arith.andi %ge3A_678, %eq3A_686 : vector<16xi1>
            %select_n3A_688 = arith.select %and3A_687, %gather3A_675, %select_n3A_654 : vector<16xi1>, vector<16xf32>
            %eq3A_689 = arith.constant 2 : i32
            %eq3A_690 = vector.broadcast %eq3A_689 : i32 to vector<16xi32>
            %eq3A_691 = arith.cmpi eq, %add3A_669, %eq3A_690 : vector<16xi32>
            %and3A_692 = arith.andi %ge3A_678, %eq3A_691 : vector<16xi1>
            %select_n3A_693 = arith.select %and3A_692, %gather3A_675, %select_n3A_659 : vector<16xi1>, vector<16xf32>
            %lt3A_694 = arith.constant 3 : i32
            %lt3A_695 = vector.broadcast %lt3A_694 : i32 to vector<16xi32>
            %lt3A_696 = arith.cmpi slt, %add3A_669, %lt3A_695 : vector<16xi32>
            %and3A_697 = arith.andi %ge3A_678, %lt3A_696 : vector<16xi1>
            %jit3A_698 = arith.constant 1 : i32
            %jit3A_699 = arith.constant 0 : i32
            %broadcast_in_dim3A_700 = vector.broadcast %jit3A_698 : i32 to vector<16xi32>
            %broadcast_in_dim3A_701 = vector.broadcast %jit3A_699 : i32 to vector<16xi32>
            %select_n3A_702 = arith.select %and3A_697, %broadcast_in_dim3A_700, %broadcast_in_dim3A_701 : vector<16xi1>, vector<16xi32>
            %add3A_703 = arith.addi %add3A_669, %select_n3A_702 : vector<16xi32>
            %swap3A_704 = arith.index_cast %mul3A_124 : i32 to index
            %swap3A_705 = tpu.vector_load %arg6[%swap3A_704] {strides = array<i32>} : memref<128xf32, #tpu.memory_space<vmem>>, vector<16xf32>,
            tpu.vector_store %arg6[%swap3A_704], %select_n3A_683 {strides = array<i32>} : memref<128xf32, #tpu.memory_space<vmem>>, vector<16xf32>,
            %swap3A_706 = arith.index_cast %mul3A_124 : i32 to index
            %swap3A_707 = tpu.vector_load %arg7[%swap3A_706] {strides = array<i32>} : memref<128xf32, #tpu.memory_space<vmem>>, vector<16xf32>,
            tpu.vector_store %arg7[%swap3A_706], %select_n3A_688 {strides = array<i32>} : memref<128xf32, #tpu.memory_space<vmem>>, vector<16xf32>,
            %swap3A_708 = arith.index_cast %mul3A_124 : i32 to index
            %swap3A_709 = tpu.vector_load %arg8[%swap3A_708] {strides = array<i32>} : memref<128xf32, #tpu.memory_space<vmem>>, vector<16xf32>,
            tpu.vector_store %arg8[%swap3A_708], %select_n3A_693 {strides = array<i32>} : memref<128xf32, #tpu.memory_space<vmem>>, vector<16xf32>,
            %swap3A_710 = arith.index_cast %mul3A_124 : i32 to index
            %swap3A_711 = tpu.vector_load %arg9[%swap3A_710] {strides = array<i32>} : memref<128xi32, #tpu.memory_space<vmem>>, vector<16xi32>,
            tpu.vector_store %arg9[%swap3A_710], %add3A_703 {strides = array<i32>} : memref<128xi32, #tpu.memory_space<vmem>>, vector<16xi32>,
            %reduce_min3A = arith.constant true
            %reduce_min3A_712 = vector.broadcast %reduce_min3A : i1 to vector<16xi1>
            %reduce_min3A_713 = arith.constant -2147483648 : i32
            %reduce_min3A_714 = vector.broadcast %reduce_min3A_713 : i32 to vector<16xi32>
            %reduce_min3A_715 = arith.xori %add3A_703, %reduce_min3A_714 : vector<16xi32>
            %reduce_min3A_716 = tpu.scan <min>, %reduce_min3A_715 masked %reduce_min3A_712 : vector<16xi32>, vector<16xi1> -> vector<16xi32>
            %reduce_min3A_717 = arith.xori %reduce_min3A_716, %reduce_min3A_714 : vector<16xi32>
            %reduce_min3A_718 = vector.extract %reduce_min3A_717[15] : i32 from vector<16xi32>
            %ge3A_719 = arith.constant 3 : i32
            %ge3A_720 = arith.cmpi sge, %reduce_min3A_718, %ge3A_719 : i32
            %jit3A_721 = arith.constant 1 : i32
            %jit3A_722 = arith.constant 0 : i32
            %select_n3A_723 = arith.select %ge3A_720, %jit3A_721, %jit3A_722 : i32
            %swap3A_724 = arith.constant 0 : i32
            %swap3A_725 = arith.index_cast %swap3A_724 : i32 to index
            %swap3A_726 = memref.load %arg12[%swap3A_725] : memref<1xi32, #tpu.memory_space<smem>>
            memref.store %select_n3A_723, %arg12[%swap3A_725] : memref<1xi32, #tpu.memory_space<smem>>
          } else {
          }
        }
        %scan3A_138 = arith.constant 8 : i32
        %get3A_139 = arith.constant 0 : i32
        %get3A_140 = arith.index_cast %get3A_139 : i32 to index
        %get3A_141 = memref.load %arg11[%get3A_140] : memref<1xi32, #tpu.memory_space<smem>>
        %get3A_142 = arith.constant 0 : i32
        %get3A_143 = arith.index_cast %get3A_142 : i32 to index
        %get3A_144 = memref.load %arg12[%get3A_143] : memref<1xi32, #tpu.memory_space<smem>>
        %and3A = arith.andi %get3A_141, %get3A_144 : i32
        %swap3A_145 = arith.constant 0 : i32
        %swap3A_146 = arith.index_cast %swap3A_145 : i32 to index
        %swap3A_147 = memref.load %arg11[%swap3A_146] : memref<1xi32, #tpu.memory_space<smem>>
        memref.store %and3A, %arg11[%swap3A_146] : memref<1xi32, #tpu.memory_space<smem>>
      }
      %scan3A_121 = arith.constant 4 : i32
    } else {
    }
    %get3A_66 = arith.constant 0 : i32
    %get3A_67 = arith.index_cast %get3A_66 : i32 to index
    %get3A_68 = memref.load %arg11[%get3A_67] : memref<1xi32, #tpu.memory_space<smem>>
    %eq3A_69 = arith.constant 0 : i32
    %eq3A_70 = arith.cmpi eq, %get3A_68, %eq3A_69 : i32
    %convert_element_type3A_71 = arith.extui %eq3A_70 : i1 to i32
    %cond3A_72 = arith.constant 0 : i32
    %cond3A_73 = arith.cmpi ne, %convert_element_type3A_71, %cond3A_72 : i32
    scf.if %cond3A_73 {
      "tpu.region"() ({
        %run_scoped3A = tpu.sem_alloc : memref<!tpu.dma_semaphore, #tpu.memory_space<semaphore_mem>>
        %dma_start3A_96 = arith.constant 128 : i32
        %dma_start3A_97 = tpu.memref_slice %arg2[%mul3A_2, %dma_start3A_96] : memref<4096x4096xf32, #tpu.memory_space<hbm>> -> memref<128x128xf32, #tpu.memory_space<hbm>>
        %dma_start3A_98 = arith.constant 128 : i32
        %dma_start3A_99 = tpu.memref_slice %arg2[%mul3A_2, %dma_start3A_98] : memref<4096x4096xf32, #tpu.memory_space<hbm>> -> memref<128x128xf32, #tpu.memory_space<hbm>>
        tpu.enqueue_dma source(%dma_start3A_99 : memref<128x128xf32, #tpu.memory_space<hbm>>) target(%arg4 : memref<128x128xf32, #tpu.memory_space<vmem>>) target_semaphore(%run_scoped3A : memref<!tpu.dma_semaphore, #tpu.memory_space<semaphore_mem>>)
        %dma_wait3A_100 = arith.constant 128 : i32
        %dma_wait3A_101 = tpu.memref_slice %arg2[%mul3A_2, %dma_wait3A_100] : memref<4096x4096xf32, #tpu.memory_space<hbm>> -> memref<128x128xf32, #tpu.memory_space<hbm>>
        %dma_wait3A_102 = arith.constant 128 : i32
        %dma_wait3A_103 = tpu.memref_slice %arg2[%mul3A_2, %dma_wait3A_102] : memref<4096x4096xf32, #tpu.memory_space<hbm>> -> memref<128x128xf32, #tpu.memory_space<hbm>>
        tpu.wait_dma2 semaphore(%run_scoped3A : memref<!tpu.dma_semaphore, #tpu.memory_space<semaphore_mem>>) src(%dma_wait3A_103 : memref<128x128xf32, #tpu.memory_space<hbm>>) dst(%arg4 : memref<128x128xf32, #tpu.memory_space<vmem>>)
        tpu.yield
      }) : () -> ()
      %swap3A_86 = arith.constant 1 : i32
      %swap3A_87 = arith.constant 0 : i32
      %swap3A_88 = arith.index_cast %swap3A_87 : i32 to index
      %swap3A_89 = memref.load %arg11[%swap3A_88] : memref<1xi32, #tpu.memory_space<smem>>
      memref.store %swap3A_86, %arg11[%swap3A_88] : memref<1xi32, #tpu.memory_space<smem>>
      %scan3A_90 = arith.constant 0 : i32
      %scan3A_91 = arith.constant 0 : i32
      %scan3A_92 = arith.constant 8 : i32
      %scan3A_93 = arith.addi %scan3A_91, %scan3A_92 : i32
      %scan3A_94 = arith.constant 1 : i32
      scf.for %scan3A_96 = %scan3A_91 to %scan3A_93 step %scan3A_94  : i32 {
        %mul3A_97 = arith.constant 16 : i32
        %mul3A_98 = arith.muli %scan3A_96, %mul3A_97 : i32
        %mul3A_99 = arith.constant 16 : i32
        %mul3A_100 = arith.muli %scan3A_96, %mul3A_99 : i32
        %add3A_101 = vector.broadcast %mul3A_100 : i32 to vector<16xi32>
        %add3A_102 = arith.addi %add3A_101, %iota3A : vector<16xi32>
        %get3A_103 = arith.index_cast %mul3A_98 : i32 to index
        %get3A_104 = tpu.vector_load %arg9[%get3A_103] {strides = array<i32>} : memref<128xi32, #tpu.memory_space<vmem>>, vector<16xi32>,
        %reduce_min3A = arith.constant true
        %reduce_min3A_105 = vector.broadcast %reduce_min3A : i1 to vector<16xi1>
        %reduce_min3A_106 = arith.constant -2147483648 : i32
        %reduce_min3A_107 = vector.broadcast %reduce_min3A_106 : i32 to vector<16xi32>
        %reduce_min3A_108 = arith.xori %get3A_104, %reduce_min3A_107 : vector<16xi32>
        %reduce_min3A_109 = tpu.scan <min>, %reduce_min3A_108 masked %reduce_min3A_105 : vector<16xi32>, vector<16xi1> -> vector<16xi32>
        %reduce_min3A_110 = arith.xori %reduce_min3A_109, %reduce_min3A_107 : vector<16xi32>
        %reduce_min3A_111 = vector.extract %reduce_min3A_110[15] : i32 from vector<16xi32>
        %ge3A = arith.constant 3 : i32
        %ge3A_112 = arith.cmpi sge, %reduce_min3A_111, %ge3A : i32
        %jit3A = arith.constant 1 : i32
        %jit3A_113 = arith.constant 0 : i32
        %select_n3A = arith.select %ge3A_112, %jit3A, %jit3A_113 : i32
        %swap3A_114 = arith.constant 0 : i32
        %swap3A_115 = arith.index_cast %swap3A_114 : i32 to index
        %swap3A_116 = memref.load %arg12[%swap3A_115] : memref<1xi32, #tpu.memory_space<smem>>
        memref.store %select_n3A, %arg12[%swap3A_115] : memref<1xi32, #tpu.memory_space<smem>>
        %scan3A_117 = arith.constant 0 : i32
        %scan3A_118 = arith.constant 0 : i32
        %scan3A_119 = arith.constant 8 : i32
        %scan3A_120 = arith.addi %scan3A_118, %scan3A_119 : i32
        %scan3A_121 = arith.constant 1 : i32
        scf.for %scan3A_132 = %scan3A_118 to %scan3A_120 step %scan3A_121  : i32 {
          %get3A_133 = arith.constant 0 : i32
          %get3A_134 = arith.index_cast %get3A_133 : i32 to index
          %get3A_135 = memref.load %arg12[%get3A_134] : memref<1xi32, #tpu.memory_space<smem>>
          %eq3A_136 = arith.constant 0 : i32
          %eq3A_137 = arith.cmpi eq, %get3A_135, %eq3A_136 : i32
          %convert_element_type3A_138 = arith.extui %eq3A_137 : i1 to i32
          %cond3A_139 = arith.constant 0 : i32
          %cond3A_140 = arith.cmpi ne, %convert_element_type3A_138, %cond3A_139 : i32
          scf.if %cond3A_140 {
            %get3A_141 = arith.index_cast %mul3A_98 : i32 to index
            %get3A_142 = tpu.vector_load %arg6[%get3A_141] {strides = array<i32>} : memref<128xf32, #tpu.memory_space<vmem>>, vector<16xf32>,
            %get3A_143 = arith.index_cast %mul3A_98 : i32 to index
            %get3A_144 = tpu.vector_load %arg7[%get3A_143] {strides = array<i32>} : memref<128xf32, #tpu.memory_space<vmem>>, vector<16xf32>,
            %get3A_145 = arith.index_cast %mul3A_98 : i32 to index
            %get3A_146 = tpu.vector_load %arg8[%get3A_145] {strides = array<i32>} : memref<128xf32, #tpu.memory_space<vmem>>, vector<16xf32>,
            %get3A_147 = arith.index_cast %mul3A_98 : i32 to index
            %get3A_148 = tpu.vector_load %arg9[%get3A_147] {strides = array<i32>} : memref<128xi32, #tpu.memory_space<vmem>>, vector<16xi32>,
            %mul3A_149 = arith.constant 16 : i32
            %mul3A_150 = arith.muli %scan3A_132, %mul3A_149 : i32
            %add3A_151 = arith.constant 0 : i32
            %add3A_152 = arith.addi %mul3A_150, %add3A_151 : i32
            %broadcast_in_dim3A_153 = vector.broadcast %add3A_152 : i32 to vector<16xi32>
            %gather3A = tpu.vector_load_idx %arg4[%add3A_102, %broadcast_in_dim3A_153] : memref<128x128xf32, #tpu.memory_space<vmem>>[vector<16xi32>, vector<16xi32>], vector<16xf32>,
            %ge3A_154 = arith.constant 1.000000e+00 : f32
            %ge3A_155 = vector.broadcast %ge3A_154 : f32 to vector<16xf32>
            %ge3A_156 = arith.cmpf oge, %gather3A, %ge3A_155 : vector<16xf32>
            %eq3A_157 = arith.constant 0 : i32
            %eq3A_158 = vector.broadcast %eq3A_157 : i32 to vector<16xi32>
            %eq3A_159 = arith.cmpi eq, %get3A_148, %eq3A_158 : vector<16xi32>
            %and3A_160 = arith.andi %ge3A_156, %eq3A_159 : vector<16xi1>
            %select_n3A_161 = arith.select %and3A_160, %gather3A, %get3A_142 : vector<16xi1>, vector<16xf32>
            %eq3A_162 = arith.constant 1 : i32
            %eq3A_163 = vector.broadcast %eq3A_162 : i32 to vector<16xi32>
            %eq3A_164 = arith.cmpi eq, %get3A_148, %eq3A_163 : vector<16xi32>
            %and3A_165 = arith.andi %ge3A_156, %eq3A_164 : vector<16xi1>
            %select_n3A_166 = arith.select %and3A_165, %gather3A, %get3A_144 : vector<16xi1>, vector<16xf32>
            %eq3A_167 = arith.constant 2 : i32
            %eq3A_168 = vector.broadcast %eq3A_167 : i32 to vector<16xi32>
            %eq3A_169 = arith.cmpi eq, %get3A_148, %eq3A_168 : vector<16xi32>
            %and3A_170 = arith.andi %ge3A_156, %eq3A_169 : vector<16xi1>
            %select_n3A_171 = arith.select %and3A_170, %gather3A, %get3A_146 : vector<16xi1>, vector<16xf32>
            %lt3A = arith.constant 3 : i32
            %lt3A_172 = vector.broadcast %lt3A : i32 to vector<16xi32>
            %lt3A_173 = arith.cmpi slt, %get3A_148, %lt3A_172 : vector<16xi32>
            %and3A_174 = arith.andi %ge3A_156, %lt3A_173 : vector<16xi1>
            %jit3A_175 = arith.constant 1 : i32
            %jit3A_176 = arith.constant 0 : i32
            %broadcast_in_dim3A_177 = vector.broadcast %jit3A_175 : i32 to vector<16xi32>
            %broadcast_in_dim3A_178 = vector.broadcast %jit3A_176 : i32 to vector<16xi32>
            %select_n3A_179 = arith.select %and3A_174, %broadcast_in_dim3A_177, %broadcast_in_dim3A_178 : vector<16xi1>, vector<16xi32>
            %add3A_180 = arith.addi %get3A_148, %select_n3A_179 : vector<16xi32>
            %mul3A_181 = arith.constant 16 : i32
            %mul3A_182 = arith.muli %scan3A_132, %mul3A_181 : i32
            %add3A_183 = arith.constant 1 : i32
            %add3A_184 = arith.addi %mul3A_182, %add3A_183 : i32
            %broadcast_in_dim3A_185 = vector.broadcast %add3A_184 : i32 to vector<16xi32>
            %gather3A_186 = tpu.vector_load_idx %arg4[%add3A_102, %broadcast_in_dim3A_185] : memref<128x128xf32, #tpu.memory_space<vmem>>[vector<16xi32>, vector<16xi32>], vector<16xf32>,
            %ge3A_187 = arith.constant 1.000000e+00 : f32
            %ge3A_188 = vector.broadcast %ge3A_187 : f32 to vector<16xf32>
            %ge3A_189 = arith.cmpf oge, %gather3A_186, %ge3A_188 : vector<16xf32>
            %eq3A_190 = arith.constant 0 : i32
            %eq3A_191 = vector.broadcast %eq3A_190 : i32 to vector<16xi32>
            %eq3A_192 = arith.cmpi eq, %add3A_180, %eq3A_191 : vector<16xi32>
            %and3A_193 = arith.andi %ge3A_189, %eq3A_192 : vector<16xi1>
            %select_n3A_194 = arith.select %and3A_193, %gather3A_186, %select_n3A_161 : vector<16xi1>, vector<16xf32>
            %eq3A_195 = arith.constant 1 : i32
            %eq3A_196 = vector.broadcast %eq3A_195 : i32 to vector<16xi32>
            %eq3A_197 = arith.cmpi eq, %add3A_180, %eq3A_196 : vector<16xi32>
            %and3A_198 = arith.andi %ge3A_189, %eq3A_197 : vector<16xi1>
            %select_n3A_199 = arith.select %and3A_198, %gather3A_186, %select_n3A_166 : vector<16xi1>, vector<16xf32>
            %eq3A_200 = arith.constant 2 : i32
            %eq3A_201 = vector.broadcast %eq3A_200 : i32 to vector<16xi32>
            %eq3A_202 = arith.cmpi eq, %add3A_180, %eq3A_201 : vector<16xi32>
            %and3A_203 = arith.andi %ge3A_189, %eq3A_202 : vector<16xi1>
            %select_n3A_204 = arith.select %and3A_203, %gather3A_186, %select_n3A_171 : vector<16xi1>, vector<16xf32>
            %lt3A_205 = arith.constant 3 : i32
            %lt3A_206 = vector.broadcast %lt3A_205 : i32 to vector<16xi32>
            %lt3A_207 = arith.cmpi slt, %add3A_180, %lt3A_206 : vector<16xi32>
            %and3A_208 = arith.andi %ge3A_189, %lt3A_207 : vector<16xi1>
            %jit3A_209 = arith.constant 1 : i32
            %jit3A_210 = arith.constant 0 : i32
            %broadcast_in_dim3A_211 = vector.broadcast %jit3A_209 : i32 to vector<16xi32>
            %broadcast_in_dim3A_212 = vector.broadcast %jit3A_210 : i32 to vector<16xi32>
            %select_n3A_213 = arith.select %and3A_208, %broadcast_in_dim3A_211, %broadcast_in_dim3A_212 : vector<16xi1>, vector<16xi32>
            %add3A_214 = arith.addi %add3A_180, %select_n3A_213 : vector<16xi32>
            %mul3A_215 = arith.constant 16 : i32
            %mul3A_216 = arith.muli %scan3A_132, %mul3A_215 : i32
            %add3A_217 = arith.constant 2 : i32
            %add3A_218 = arith.addi %mul3A_216, %add3A_217 : i32
            %broadcast_in_dim3A_219 = vector.broadcast %add3A_218 : i32 to vector<16xi32>
            %gather3A_220 = tpu.vector_load_idx %arg4[%add3A_102, %broadcast_in_dim3A_219] : memref<128x128xf32, #tpu.memory_space<vmem>>[vector<16xi32>, vector<16xi32>], vector<16xf32>,
            %ge3A_221 = arith.constant 1.000000e+00 : f32
            %ge3A_222 = vector.broadcast %ge3A_221 : f32 to vector<16xf32>
            %ge3A_223 = arith.cmpf oge, %gather3A_220, %ge3A_222 : vector<16xf32>
            %eq3A_224 = arith.constant 0 : i32
            %eq3A_225 = vector.broadcast %eq3A_224 : i32 to vector<16xi32>
            %eq3A_226 = arith.cmpi eq, %add3A_214, %eq3A_225 : vector<16xi32>
            %and3A_227 = arith.andi %ge3A_223, %eq3A_226 : vector<16xi1>
            %select_n3A_228 = arith.select %and3A_227, %gather3A_220, %select_n3A_194 : vector<16xi1>, vector<16xf32>
            %eq3A_229 = arith.constant 1 : i32
            %eq3A_230 = vector.broadcast %eq3A_229 : i32 to vector<16xi32>
            %eq3A_231 = arith.cmpi eq, %add3A_214, %eq3A_230 : vector<16xi32>
            %and3A_232 = arith.andi %ge3A_223, %eq3A_231 : vector<16xi1>
            %select_n3A_233 = arith.select %and3A_232, %gather3A_220, %select_n3A_199 : vector<16xi1>, vector<16xf32>
            %eq3A_234 = arith.constant 2 : i32
            %eq3A_235 = vector.broadcast %eq3A_234 : i32 to vector<16xi32>
            %eq3A_236 = arith.cmpi eq, %add3A_214, %eq3A_235 : vector<16xi32>
            %and3A_237 = arith.andi %ge3A_223, %eq3A_236 : vector<16xi1>
            %select_n3A_238 = arith.select %and3A_237, %gather3A_220, %select_n3A_204 : vector<16xi1>, vector<16xf32>
            %lt3A_239 = arith.constant 3 : i32
            %lt3A_240 = vector.broadcast %lt3A_239 : i32 to vector<16xi32>
            %lt3A_241 = arith.cmpi slt, %add3A_214, %lt3A_240 : vector<16xi32>
            %and3A_242 = arith.andi %ge3A_223, %lt3A_241 : vector<16xi1>
            %jit3A_243 = arith.constant 1 : i32
            %jit3A_244 = arith.constant 0 : i32
            %broadcast_in_dim3A_245 = vector.broadcast %jit3A_243 : i32 to vector<16xi32>
            %broadcast_in_dim3A_246 = vector.broadcast %jit3A_244 : i32 to vector<16xi32>
            %select_n3A_247 = arith.select %and3A_242, %broadcast_in_dim3A_245, %broadcast_in_dim3A_246 : vector<16xi1>, vector<16xi32>
            %add3A_248 = arith.addi %add3A_214, %select_n3A_247 : vector<16xi32>
            %mul3A_249 = arith.constant 16 : i32
            %mul3A_250 = arith.muli %scan3A_132, %mul3A_249 : i32
            %add3A_251 = arith.constant 3 : i32
            %add3A_252 = arith.addi %mul3A_250, %add3A_251 : i32
            %broadcast_in_dim3A_253 = vector.broadcast %add3A_252 : i32 to vector<16xi32>
            %gather3A_254 = tpu.vector_load_idx %arg4[%add3A_102, %broadcast_in_dim3A_253] : memref<128x128xf32, #tpu.memory_space<vmem>>[vector<16xi32>, vector<16xi32>], vector<16xf32>,
            %ge3A_255 = arith.constant 1.000000e+00 : f32
            %ge3A_256 = vector.broadcast %ge3A_255 : f32 to vector<16xf32>
            %ge3A_257 = arith.cmpf oge, %gather3A_254, %ge3A_256 : vector<16xf32>
            %eq3A_258 = arith.constant 0 : i32
            %eq3A_259 = vector.broadcast %eq3A_258 : i32 to vector<16xi32>
            %eq3A_260 = arith.cmpi eq, %add3A_248, %eq3A_259 : vector<16xi32>
            %and3A_261 = arith.andi %ge3A_257, %eq3A_260 : vector<16xi1>
            %select_n3A_262 = arith.select %and3A_261, %gather3A_254, %select_n3A_228 : vector<16xi1>, vector<16xf32>
            %eq3A_263 = arith.constant 1 : i32
            %eq3A_264 = vector.broadcast %eq3A_263 : i32 to vector<16xi32>
            %eq3A_265 = arith.cmpi eq, %add3A_248, %eq3A_264 : vector<16xi32>
            %and3A_266 = arith.andi %ge3A_257, %eq3A_265 : vector<16xi1>
            %select_n3A_267 = arith.select %and3A_266, %gather3A_254, %select_n3A_233 : vector<16xi1>, vector<16xf32>
            %eq3A_268 = arith.constant 2 : i32
            %eq3A_269 = vector.broadcast %eq3A_268 : i32 to vector<16xi32>
            %eq3A_270 = arith.cmpi eq, %add3A_248, %eq3A_269 : vector<16xi32>
            %and3A_271 = arith.andi %ge3A_257, %eq3A_270 : vector<16xi1>
            %select_n3A_272 = arith.select %and3A_271, %gather3A_254, %select_n3A_238 : vector<16xi1>, vector<16xf32>
            %lt3A_273 = arith.constant 3 : i32
            %lt3A_274 = vector.broadcast %lt3A_273 : i32 to vector<16xi32>
            %lt3A_275 = arith.cmpi slt, %add3A_248, %lt3A_274 : vector<16xi32>
            %and3A_276 = arith.andi %ge3A_257, %lt3A_275 : vector<16xi1>
            %jit3A_277 = arith.constant 1 : i32
            %jit3A_278 = arith.constant 0 : i32
            %broadcast_in_dim3A_279 = vector.broadcast %jit3A_277 : i32 to vector<16xi32>
            %broadcast_in_dim3A_280 = vector.broadcast %jit3A_278 : i32 to vector<16xi32>
            %select_n3A_281 = arith.select %and3A_276, %broadcast_in_dim3A_279, %broadcast_in_dim3A_280 : vector<16xi1>, vector<16xi32>
            %add3A_282 = arith.addi %add3A_248, %select_n3A_281 : vector<16xi32>
            %mul3A_283 = arith.constant 16 : i32
            %mul3A_284 = arith.muli %scan3A_132, %mul3A_283 : i32
            %add3A_285 = arith.constant 4 : i32
            %add3A_286 = arith.addi %mul3A_284, %add3A_285 : i32
            %broadcast_in_dim3A_287 = vector.broadcast %add3A_286 : i32 to vector<16xi32>
            %gather3A_288 = tpu.vector_load_idx %arg4[%add3A_102, %broadcast_in_dim3A_287] : memref<128x128xf32, #tpu.memory_space<vmem>>[vector<16xi32>, vector<16xi32>], vector<16xf32>,
            %ge3A_289 = arith.constant 1.000000e+00 : f32
            %ge3A_290 = vector.broadcast %ge3A_289 : f32 to vector<16xf32>
            %ge3A_291 = arith.cmpf oge, %gather3A_288, %ge3A_290 : vector<16xf32>
            %eq3A_292 = arith.constant 0 : i32
            %eq3A_293 = vector.broadcast %eq3A_292 : i32 to vector<16xi32>
            %eq3A_294 = arith.cmpi eq, %add3A_282, %eq3A_293 : vector<16xi32>
            %and3A_295 = arith.andi %ge3A_291, %eq3A_294 : vector<16xi1>
            %select_n3A_296 = arith.select %and3A_295, %gather3A_288, %select_n3A_262 : vector<16xi1>, vector<16xf32>
            %eq3A_297 = arith.constant 1 : i32
            %eq3A_298 = vector.broadcast %eq3A_297 : i32 to vector<16xi32>
            %eq3A_299 = arith.cmpi eq, %add3A_282, %eq3A_298 : vector<16xi32>
            %and3A_300 = arith.andi %ge3A_291, %eq3A_299 : vector<16xi1>
            %select_n3A_301 = arith.select %and3A_300, %gather3A_288, %select_n3A_267 : vector<16xi1>, vector<16xf32>
            %eq3A_302 = arith.constant 2 : i32
            %eq3A_303 = vector.broadcast %eq3A_302 : i32 to vector<16xi32>
            %eq3A_304 = arith.cmpi eq, %add3A_282, %eq3A_303 : vector<16xi32>
            %and3A_305 = arith.andi %ge3A_291, %eq3A_304 : vector<16xi1>
            %select_n3A_306 = arith.select %and3A_305, %gather3A_288, %select_n3A_272 : vector<16xi1>, vector<16xf32>
            %lt3A_307 = arith.constant 3 : i32
            %lt3A_308 = vector.broadcast %lt3A_307 : i32 to vector<16xi32>
            %lt3A_309 = arith.cmpi slt, %add3A_282, %lt3A_308 : vector<16xi32>
            %and3A_310 = arith.andi %ge3A_291, %lt3A_309 : vector<16xi1>
            %jit3A_311 = arith.constant 1 : i32
            %jit3A_312 = arith.constant 0 : i32
            %broadcast_in_dim3A_313 = vector.broadcast %jit3A_311 : i32 to vector<16xi32>
            %broadcast_in_dim3A_314 = vector.broadcast %jit3A_312 : i32 to vector<16xi32>
            %select_n3A_315 = arith.select %and3A_310, %broadcast_in_dim3A_313, %broadcast_in_dim3A_314 : vector<16xi1>, vector<16xi32>
            %add3A_316 = arith.addi %add3A_282, %select_n3A_315 : vector<16xi32>
            %mul3A_317 = arith.constant 16 : i32
            %mul3A_318 = arith.muli %scan3A_132, %mul3A_317 : i32
            %add3A_319 = arith.constant 5 : i32
            %add3A_320 = arith.addi %mul3A_318, %add3A_319 : i32
            %broadcast_in_dim3A_321 = vector.broadcast %add3A_320 : i32 to vector<16xi32>
            %gather3A_322 = tpu.vector_load_idx %arg4[%add3A_102, %broadcast_in_dim3A_321] : memref<128x128xf32, #tpu.memory_space<vmem>>[vector<16xi32>, vector<16xi32>], vector<16xf32>,
            %ge3A_323 = arith.constant 1.000000e+00 : f32
            %ge3A_324 = vector.broadcast %ge3A_323 : f32 to vector<16xf32>
            %ge3A_325 = arith.cmpf oge, %gather3A_322, %ge3A_324 : vector<16xf32>
            %eq3A_326 = arith.constant 0 : i32
            %eq3A_327 = vector.broadcast %eq3A_326 : i32 to vector<16xi32>
            %eq3A_328 = arith.cmpi eq, %add3A_316, %eq3A_327 : vector<16xi32>
            %and3A_329 = arith.andi %ge3A_325, %eq3A_328 : vector<16xi1>
            %select_n3A_330 = arith.select %and3A_329, %gather3A_322, %select_n3A_296 : vector<16xi1>, vector<16xf32>
            %eq3A_331 = arith.constant 1 : i32
            %eq3A_332 = vector.broadcast %eq3A_331 : i32 to vector<16xi32>
            %eq3A_333 = arith.cmpi eq, %add3A_316, %eq3A_332 : vector<16xi32>
            %and3A_334 = arith.andi %ge3A_325, %eq3A_333 : vector<16xi1>
            %select_n3A_335 = arith.select %and3A_334, %gather3A_322, %select_n3A_301 : vector<16xi1>, vector<16xf32>
            %eq3A_336 = arith.constant 2 : i32
            %eq3A_337 = vector.broadcast %eq3A_336 : i32 to vector<16xi32>
            %eq3A_338 = arith.cmpi eq, %add3A_316, %eq3A_337 : vector<16xi32>
            %and3A_339 = arith.andi %ge3A_325, %eq3A_338 : vector<16xi1>
            %select_n3A_340 = arith.select %and3A_339, %gather3A_322, %select_n3A_306 : vector<16xi1>, vector<16xf32>
            %lt3A_341 = arith.constant 3 : i32
            %lt3A_342 = vector.broadcast %lt3A_341 : i32 to vector<16xi32>
            %lt3A_343 = arith.cmpi slt, %add3A_316, %lt3A_342 : vector<16xi32>
            %and3A_344 = arith.andi %ge3A_325, %lt3A_343 : vector<16xi1>
            %jit3A_345 = arith.constant 1 : i32
            %jit3A_346 = arith.constant 0 : i32
            %broadcast_in_dim3A_347 = vector.broadcast %jit3A_345 : i32 to vector<16xi32>
            %broadcast_in_dim3A_348 = vector.broadcast %jit3A_346 : i32 to vector<16xi32>
            %select_n3A_349 = arith.select %and3A_344, %broadcast_in_dim3A_347, %broadcast_in_dim3A_348 : vector<16xi1>, vector<16xi32>
            %add3A_350 = arith.addi %add3A_316, %select_n3A_349 : vector<16xi32>
            %mul3A_351 = arith.constant 16 : i32
            %mul3A_352 = arith.muli %scan3A_132, %mul3A_351 : i32
            %add3A_353 = arith.constant 6 : i32
            %add3A_354 = arith.addi %mul3A_352, %add3A_353 : i32
            %broadcast_in_dim3A_355 = vector.broadcast %add3A_354 : i32 to vector<16xi32>
            %gather3A_356 = tpu.vector_load_idx %arg4[%add3A_102, %broadcast_in_dim3A_355] : memref<128x128xf32, #tpu.memory_space<vmem>>[vector<16xi32>, vector<16xi32>], vector<16xf32>,
            %ge3A_357 = arith.constant 1.000000e+00 : f32
            %ge3A_358 = vector.broadcast %ge3A_357 : f32 to vector<16xf32>
            %ge3A_359 = arith.cmpf oge, %gather3A_356, %ge3A_358 : vector<16xf32>
            %eq3A_360 = arith.constant 0 : i32
            %eq3A_361 = vector.broadcast %eq3A_360 : i32 to vector<16xi32>
            %eq3A_362 = arith.cmpi eq, %add3A_350, %eq3A_361 : vector<16xi32>
            %and3A_363 = arith.andi %ge3A_359, %eq3A_362 : vector<16xi1>
            %select_n3A_364 = arith.select %and3A_363, %gather3A_356, %select_n3A_330 : vector<16xi1>, vector<16xf32>
            %eq3A_365 = arith.constant 1 : i32
            %eq3A_366 = vector.broadcast %eq3A_365 : i32 to vector<16xi32>
            %eq3A_367 = arith.cmpi eq, %add3A_350, %eq3A_366 : vector<16xi32>
            %and3A_368 = arith.andi %ge3A_359, %eq3A_367 : vector<16xi1>
            %select_n3A_369 = arith.select %and3A_368, %gather3A_356, %select_n3A_335 : vector<16xi1>, vector<16xf32>
            %eq3A_370 = arith.constant 2 : i32
            %eq3A_371 = vector.broadcast %eq3A_370 : i32 to vector<16xi32>
            %eq3A_372 = arith.cmpi eq, %add3A_350, %eq3A_371 : vector<16xi32>
            %and3A_373 = arith.andi %ge3A_359, %eq3A_372 : vector<16xi1>
            %select_n3A_374 = arith.select %and3A_373, %gather3A_356, %select_n3A_340 : vector<16xi1>, vector<16xf32>
            %lt3A_375 = arith.constant 3 : i32
            %lt3A_376 = vector.broadcast %lt3A_375 : i32 to vector<16xi32>
            %lt3A_377 = arith.cmpi slt, %add3A_350, %lt3A_376 : vector<16xi32>
            %and3A_378 = arith.andi %ge3A_359, %lt3A_377 : vector<16xi1>
            %jit3A_379 = arith.constant 1 : i32
            %jit3A_380 = arith.constant 0 : i32
            %broadcast_in_dim3A_381 = vector.broadcast %jit3A_379 : i32 to vector<16xi32>
            %broadcast_in_dim3A_382 = vector.broadcast %jit3A_380 : i32 to vector<16xi32>
            %select_n3A_383 = arith.select %and3A_378, %broadcast_in_dim3A_381, %broadcast_in_dim3A_382 : vector<16xi1>, vector<16xi32>
            %add3A_384 = arith.addi %add3A_350, %select_n3A_383 : vector<16xi32>
            %mul3A_385 = arith.constant 16 : i32
            %mul3A_386 = arith.muli %scan3A_132, %mul3A_385 : i32
            %add3A_387 = arith.constant 7 : i32
            %add3A_388 = arith.addi %mul3A_386, %add3A_387 : i32
            %broadcast_in_dim3A_389 = vector.broadcast %add3A_388 : i32 to vector<16xi32>
            %gather3A_390 = tpu.vector_load_idx %arg4[%add3A_102, %broadcast_in_dim3A_389] : memref<128x128xf32, #tpu.memory_space<vmem>>[vector<16xi32>, vector<16xi32>], vector<16xf32>,
            %ge3A_391 = arith.constant 1.000000e+00 : f32
            %ge3A_392 = vector.broadcast %ge3A_391 : f32 to vector<16xf32>
            %ge3A_393 = arith.cmpf oge, %gather3A_390, %ge3A_392 : vector<16xf32>
            %eq3A_394 = arith.constant 0 : i32
            %eq3A_395 = vector.broadcast %eq3A_394 : i32 to vector<16xi32>
            %eq3A_396 = arith.cmpi eq, %add3A_384, %eq3A_395 : vector<16xi32>
            %and3A_397 = arith.andi %ge3A_393, %eq3A_396 : vector<16xi1>
            %select_n3A_398 = arith.select %and3A_397, %gather3A_390, %select_n3A_364 : vector<16xi1>, vector<16xf32>
            %eq3A_399 = arith.constant 1 : i32
            %eq3A_400 = vector.broadcast %eq3A_399 : i32 to vector<16xi32>
            %eq3A_401 = arith.cmpi eq, %add3A_384, %eq3A_400 : vector<16xi32>
            %and3A_402 = arith.andi %ge3A_393, %eq3A_401 : vector<16xi1>
            %select_n3A_403 = arith.select %and3A_402, %gather3A_390, %select_n3A_369 : vector<16xi1>, vector<16xf32>
            %eq3A_404 = arith.constant 2 : i32
            %eq3A_405 = vector.broadcast %eq3A_404 : i32 to vector<16xi32>
            %eq3A_406 = arith.cmpi eq, %add3A_384, %eq3A_405 : vector<16xi32>
            %and3A_407 = arith.andi %ge3A_393, %eq3A_406 : vector<16xi1>
            %select_n3A_408 = arith.select %and3A_407, %gather3A_390, %select_n3A_374 : vector<16xi1>, vector<16xf32>
            %lt3A_409 = arith.constant 3 : i32
            %lt3A_410 = vector.broadcast %lt3A_409 : i32 to vector<16xi32>
            %lt3A_411 = arith.cmpi slt, %add3A_384, %lt3A_410 : vector<16xi32>
            %and3A_412 = arith.andi %ge3A_393, %lt3A_411 : vector<16xi1>
            %jit3A_413 = arith.constant 1 : i32
            %jit3A_414 = arith.constant 0 : i32
            %broadcast_in_dim3A_415 = vector.broadcast %jit3A_413 : i32 to vector<16xi32>
            %broadcast_in_dim3A_416 = vector.broadcast %jit3A_414 : i32 to vector<16xi32>
            %select_n3A_417 = arith.select %and3A_412, %broadcast_in_dim3A_415, %broadcast_in_dim3A_416 : vector<16xi1>, vector<16xi32>
            %add3A_418 = arith.addi %add3A_384, %select_n3A_417 : vector<16xi32>
            %mul3A_419 = arith.constant 16 : i32
            %mul3A_420 = arith.muli %scan3A_132, %mul3A_419 : i32
            %add3A_421 = arith.constant 8 : i32
            %add3A_422 = arith.addi %mul3A_420, %add3A_421 : i32
            %broadcast_in_dim3A_423 = vector.broadcast %add3A_422 : i32 to vector<16xi32>
            %gather3A_424 = tpu.vector_load_idx %arg4[%add3A_102, %broadcast_in_dim3A_423] : memref<128x128xf32, #tpu.memory_space<vmem>>[vector<16xi32>, vector<16xi32>], vector<16xf32>,
            %ge3A_425 = arith.constant 1.000000e+00 : f32
            %ge3A_426 = vector.broadcast %ge3A_425 : f32 to vector<16xf32>
            %ge3A_427 = arith.cmpf oge, %gather3A_424, %ge3A_426 : vector<16xf32>
            %eq3A_428 = arith.constant 0 : i32
            %eq3A_429 = vector.broadcast %eq3A_428 : i32 to vector<16xi32>
            %eq3A_430 = arith.cmpi eq, %add3A_418, %eq3A_429 : vector<16xi32>
            %and3A_431 = arith.andi %ge3A_427, %eq3A_430 : vector<16xi1>
            %select_n3A_432 = arith.select %and3A_431, %gather3A_424, %select_n3A_398 : vector<16xi1>, vector<16xf32>
            %eq3A_433 = arith.constant 1 : i32
            %eq3A_434 = vector.broadcast %eq3A_433 : i32 to vector<16xi32>
            %eq3A_435 = arith.cmpi eq, %add3A_418, %eq3A_434 : vector<16xi32>
            %and3A_436 = arith.andi %ge3A_427, %eq3A_435 : vector<16xi1>
            %select_n3A_437 = arith.select %and3A_436, %gather3A_424, %select_n3A_403 : vector<16xi1>, vector<16xf32>
            %eq3A_438 = arith.constant 2 : i32
            %eq3A_439 = vector.broadcast %eq3A_438 : i32 to vector<16xi32>
            %eq3A_440 = arith.cmpi eq, %add3A_418, %eq3A_439 : vector<16xi32>
            %and3A_441 = arith.andi %ge3A_427, %eq3A_440 : vector<16xi1>
            %select_n3A_442 = arith.select %and3A_441, %gather3A_424, %select_n3A_408 : vector<16xi1>, vector<16xf32>
            %lt3A_443 = arith.constant 3 : i32
            %lt3A_444 = vector.broadcast %lt3A_443 : i32 to vector<16xi32>
            %lt3A_445 = arith.cmpi slt, %add3A_418, %lt3A_444 : vector<16xi32>
            %and3A_446 = arith.andi %ge3A_427, %lt3A_445 : vector<16xi1>
            %jit3A_447 = arith.constant 1 : i32
            %jit3A_448 = arith.constant 0 : i32
            %broadcast_in_dim3A_449 = vector.broadcast %jit3A_447 : i32 to vector<16xi32>
            %broadcast_in_dim3A_450 = vector.broadcast %jit3A_448 : i32 to vector<16xi32>
            %select_n3A_451 = arith.select %and3A_446, %broadcast_in_dim3A_449, %broadcast_in_dim3A_450 : vector<16xi1>, vector<16xi32>
            %add3A_452 = arith.addi %add3A_418, %select_n3A_451 : vector<16xi32>
            %mul3A_453 = arith.constant 16 : i32
            %mul3A_454 = arith.muli %scan3A_132, %mul3A_453 : i32
            %add3A_455 = arith.constant 9 : i32
            %add3A_456 = arith.addi %mul3A_454, %add3A_455 : i32
            %broadcast_in_dim3A_457 = vector.broadcast %add3A_456 : i32 to vector<16xi32>
            %gather3A_458 = tpu.vector_load_idx %arg4[%add3A_102, %broadcast_in_dim3A_457] : memref<128x128xf32, #tpu.memory_space<vmem>>[vector<16xi32>, vector<16xi32>], vector<16xf32>,
            %ge3A_459 = arith.constant 1.000000e+00 : f32
            %ge3A_460 = vector.broadcast %ge3A_459 : f32 to vector<16xf32>
            %ge3A_461 = arith.cmpf oge, %gather3A_458, %ge3A_460 : vector<16xf32>
            %eq3A_462 = arith.constant 0 : i32
            %eq3A_463 = vector.broadcast %eq3A_462 : i32 to vector<16xi32>
            %eq3A_464 = arith.cmpi eq, %add3A_452, %eq3A_463 : vector<16xi32>
            %and3A_465 = arith.andi %ge3A_461, %eq3A_464 : vector<16xi1>
            %select_n3A_466 = arith.select %and3A_465, %gather3A_458, %select_n3A_432 : vector<16xi1>, vector<16xf32>
            %eq3A_467 = arith.constant 1 : i32
            %eq3A_468 = vector.broadcast %eq3A_467 : i32 to vector<16xi32>
            %eq3A_469 = arith.cmpi eq, %add3A_452, %eq3A_468 : vector<16xi32>
            %and3A_470 = arith.andi %ge3A_461, %eq3A_469 : vector<16xi1>
            %select_n3A_471 = arith.select %and3A_470, %gather3A_458, %select_n3A_437 : vector<16xi1>, vector<16xf32>
            %eq3A_472 = arith.constant 2 : i32
            %eq3A_473 = vector.broadcast %eq3A_472 : i32 to vector<16xi32>
            %eq3A_474 = arith.cmpi eq, %add3A_452, %eq3A_473 : vector<16xi32>
            %and3A_475 = arith.andi %ge3A_461, %eq3A_474 : vector<16xi1>
            %select_n3A_476 = arith.select %and3A_475, %gather3A_458, %select_n3A_442 : vector<16xi1>, vector<16xf32>
            %lt3A_477 = arith.constant 3 : i32
            %lt3A_478 = vector.broadcast %lt3A_477 : i32 to vector<16xi32>
            %lt3A_479 = arith.cmpi slt, %add3A_452, %lt3A_478 : vector<16xi32>
            %and3A_480 = arith.andi %ge3A_461, %lt3A_479 : vector<16xi1>
            %jit3A_481 = arith.constant 1 : i32
            %jit3A_482 = arith.constant 0 : i32
            %broadcast_in_dim3A_483 = vector.broadcast %jit3A_481 : i32 to vector<16xi32>
            %broadcast_in_dim3A_484 = vector.broadcast %jit3A_482 : i32 to vector<16xi32>
            %select_n3A_485 = arith.select %and3A_480, %broadcast_in_dim3A_483, %broadcast_in_dim3A_484 : vector<16xi1>, vector<16xi32>
            %add3A_486 = arith.addi %add3A_452, %select_n3A_485 : vector<16xi32>
            %mul3A_487 = arith.constant 16 : i32
            %mul3A_488 = arith.muli %scan3A_132, %mul3A_487 : i32
            %add3A_489 = arith.constant 10 : i32
            %add3A_490 = arith.addi %mul3A_488, %add3A_489 : i32
            %broadcast_in_dim3A_491 = vector.broadcast %add3A_490 : i32 to vector<16xi32>
            %gather3A_492 = tpu.vector_load_idx %arg4[%add3A_102, %broadcast_in_dim3A_491] : memref<128x128xf32, #tpu.memory_space<vmem>>[vector<16xi32>, vector<16xi32>], vector<16xf32>,
            %ge3A_493 = arith.constant 1.000000e+00 : f32
            %ge3A_494 = vector.broadcast %ge3A_493 : f32 to vector<16xf32>
            %ge3A_495 = arith.cmpf oge, %gather3A_492, %ge3A_494 : vector<16xf32>
            %eq3A_496 = arith.constant 0 : i32
            %eq3A_497 = vector.broadcast %eq3A_496 : i32 to vector<16xi32>
            %eq3A_498 = arith.cmpi eq, %add3A_486, %eq3A_497 : vector<16xi32>
            %and3A_499 = arith.andi %ge3A_495, %eq3A_498 : vector<16xi1>
            %select_n3A_500 = arith.select %and3A_499, %gather3A_492, %select_n3A_466 : vector<16xi1>, vector<16xf32>
            %eq3A_501 = arith.constant 1 : i32
            %eq3A_502 = vector.broadcast %eq3A_501 : i32 to vector<16xi32>
            %eq3A_503 = arith.cmpi eq, %add3A_486, %eq3A_502 : vector<16xi32>
            %and3A_504 = arith.andi %ge3A_495, %eq3A_503 : vector<16xi1>
            %select_n3A_505 = arith.select %and3A_504, %gather3A_492, %select_n3A_471 : vector<16xi1>, vector<16xf32>
            %eq3A_506 = arith.constant 2 : i32
            %eq3A_507 = vector.broadcast %eq3A_506 : i32 to vector<16xi32>
            %eq3A_508 = arith.cmpi eq, %add3A_486, %eq3A_507 : vector<16xi32>
            %and3A_509 = arith.andi %ge3A_495, %eq3A_508 : vector<16xi1>
            %select_n3A_510 = arith.select %and3A_509, %gather3A_492, %select_n3A_476 : vector<16xi1>, vector<16xf32>
            %lt3A_511 = arith.constant 3 : i32
            %lt3A_512 = vector.broadcast %lt3A_511 : i32 to vector<16xi32>
            %lt3A_513 = arith.cmpi slt, %add3A_486, %lt3A_512 : vector<16xi32>
            %and3A_514 = arith.andi %ge3A_495, %lt3A_513 : vector<16xi1>
            %jit3A_515 = arith.constant 1 : i32
            %jit3A_516 = arith.constant 0 : i32
            %broadcast_in_dim3A_517 = vector.broadcast %jit3A_515 : i32 to vector<16xi32>
            %broadcast_in_dim3A_518 = vector.broadcast %jit3A_516 : i32 to vector<16xi32>
            %select_n3A_519 = arith.select %and3A_514, %broadcast_in_dim3A_517, %broadcast_in_dim3A_518 : vector<16xi1>, vector<16xi32>
            %add3A_520 = arith.addi %add3A_486, %select_n3A_519 : vector<16xi32>
            %mul3A_521 = arith.constant 16 : i32
            %mul3A_522 = arith.muli %scan3A_132, %mul3A_521 : i32
            %add3A_523 = arith.constant 11 : i32
            %add3A_524 = arith.addi %mul3A_522, %add3A_523 : i32
            %broadcast_in_dim3A_525 = vector.broadcast %add3A_524 : i32 to vector<16xi32>
            %gather3A_526 = tpu.vector_load_idx %arg4[%add3A_102, %broadcast_in_dim3A_525] : memref<128x128xf32, #tpu.memory_space<vmem>>[vector<16xi32>, vector<16xi32>], vector<16xf32>,
            %ge3A_527 = arith.constant 1.000000e+00 : f32
            %ge3A_528 = vector.broadcast %ge3A_527 : f32 to vector<16xf32>
            %ge3A_529 = arith.cmpf oge, %gather3A_526, %ge3A_528 : vector<16xf32>
            %eq3A_530 = arith.constant 0 : i32
            %eq3A_531 = vector.broadcast %eq3A_530 : i32 to vector<16xi32>
            %eq3A_532 = arith.cmpi eq, %add3A_520, %eq3A_531 : vector<16xi32>
            %and3A_533 = arith.andi %ge3A_529, %eq3A_532 : vector<16xi1>
            %select_n3A_534 = arith.select %and3A_533, %gather3A_526, %select_n3A_500 : vector<16xi1>, vector<16xf32>
            %eq3A_535 = arith.constant 1 : i32
            %eq3A_536 = vector.broadcast %eq3A_535 : i32 to vector<16xi32>
            %eq3A_537 = arith.cmpi eq, %add3A_520, %eq3A_536 : vector<16xi32>
            %and3A_538 = arith.andi %ge3A_529, %eq3A_537 : vector<16xi1>
            %select_n3A_539 = arith.select %and3A_538, %gather3A_526, %select_n3A_505 : vector<16xi1>, vector<16xf32>
            %eq3A_540 = arith.constant 2 : i32
            %eq3A_541 = vector.broadcast %eq3A_540 : i32 to vector<16xi32>
            %eq3A_542 = arith.cmpi eq, %add3A_520, %eq3A_541 : vector<16xi32>
            %and3A_543 = arith.andi %ge3A_529, %eq3A_542 : vector<16xi1>
            %select_n3A_544 = arith.select %and3A_543, %gather3A_526, %select_n3A_510 : vector<16xi1>, vector<16xf32>
            %lt3A_545 = arith.constant 3 : i32
            %lt3A_546 = vector.broadcast %lt3A_545 : i32 to vector<16xi32>
            %lt3A_547 = arith.cmpi slt, %add3A_520, %lt3A_546 : vector<16xi32>
            %and3A_548 = arith.andi %ge3A_529, %lt3A_547 : vector<16xi1>
            %jit3A_549 = arith.constant 1 : i32
            %jit3A_550 = arith.constant 0 : i32
            %broadcast_in_dim3A_551 = vector.broadcast %jit3A_549 : i32 to vector<16xi32>
            %broadcast_in_dim3A_552 = vector.broadcast %jit3A_550 : i32 to vector<16xi32>
            %select_n3A_553 = arith.select %and3A_548, %broadcast_in_dim3A_551, %broadcast_in_dim3A_552 : vector<16xi1>, vector<16xi32>
            %add3A_554 = arith.addi %add3A_520, %select_n3A_553 : vector<16xi32>
            %mul3A_555 = arith.constant 16 : i32
            %mul3A_556 = arith.muli %scan3A_132, %mul3A_555 : i32
            %add3A_557 = arith.constant 12 : i32
            %add3A_558 = arith.addi %mul3A_556, %add3A_557 : i32
            %broadcast_in_dim3A_559 = vector.broadcast %add3A_558 : i32 to vector<16xi32>
            %gather3A_560 = tpu.vector_load_idx %arg4[%add3A_102, %broadcast_in_dim3A_559] : memref<128x128xf32, #tpu.memory_space<vmem>>[vector<16xi32>, vector<16xi32>], vector<16xf32>,
            %ge3A_561 = arith.constant 1.000000e+00 : f32
            %ge3A_562 = vector.broadcast %ge3A_561 : f32 to vector<16xf32>
            %ge3A_563 = arith.cmpf oge, %gather3A_560, %ge3A_562 : vector<16xf32>
            %eq3A_564 = arith.constant 0 : i32
            %eq3A_565 = vector.broadcast %eq3A_564 : i32 to vector<16xi32>
            %eq3A_566 = arith.cmpi eq, %add3A_554, %eq3A_565 : vector<16xi32>
            %and3A_567 = arith.andi %ge3A_563, %eq3A_566 : vector<16xi1>
            %select_n3A_568 = arith.select %and3A_567, %gather3A_560, %select_n3A_534 : vector<16xi1>, vector<16xf32>
            %eq3A_569 = arith.constant 1 : i32
            %eq3A_570 = vector.broadcast %eq3A_569 : i32 to vector<16xi32>
            %eq3A_571 = arith.cmpi eq, %add3A_554, %eq3A_570 : vector<16xi32>
            %and3A_572 = arith.andi %ge3A_563, %eq3A_571 : vector<16xi1>
            %select_n3A_573 = arith.select %and3A_572, %gather3A_560, %select_n3A_539 : vector<16xi1>, vector<16xf32>
            %eq3A_574 = arith.constant 2 : i32
            %eq3A_575 = vector.broadcast %eq3A_574 : i32 to vector<16xi32>
            %eq3A_576 = arith.cmpi eq, %add3A_554, %eq3A_575 : vector<16xi32>
            %and3A_577 = arith.andi %ge3A_563, %eq3A_576 : vector<16xi1>
            %select_n3A_578 = arith.select %and3A_577, %gather3A_560, %select_n3A_544 : vector<16xi1>, vector<16xf32>
            %lt3A_579 = arith.constant 3 : i32
            %lt3A_580 = vector.broadcast %lt3A_579 : i32 to vector<16xi32>
            %lt3A_581 = arith.cmpi slt, %add3A_554, %lt3A_580 : vector<16xi32>
            %and3A_582 = arith.andi %ge3A_563, %lt3A_581 : vector<16xi1>
            %jit3A_583 = arith.constant 1 : i32
            %jit3A_584 = arith.constant 0 : i32
            %broadcast_in_dim3A_585 = vector.broadcast %jit3A_583 : i32 to vector<16xi32>
            %broadcast_in_dim3A_586 = vector.broadcast %jit3A_584 : i32 to vector<16xi32>
            %select_n3A_587 = arith.select %and3A_582, %broadcast_in_dim3A_585, %broadcast_in_dim3A_586 : vector<16xi1>, vector<16xi32>
            %add3A_588 = arith.addi %add3A_554, %select_n3A_587 : vector<16xi32>
            %mul3A_589 = arith.constant 16 : i32
            %mul3A_590 = arith.muli %scan3A_132, %mul3A_589 : i32
            %add3A_591 = arith.constant 13 : i32
            %add3A_592 = arith.addi %mul3A_590, %add3A_591 : i32
            %broadcast_in_dim3A_593 = vector.broadcast %add3A_592 : i32 to vector<16xi32>
            %gather3A_594 = tpu.vector_load_idx %arg4[%add3A_102, %broadcast_in_dim3A_593] : memref<128x128xf32, #tpu.memory_space<vmem>>[vector<16xi32>, vector<16xi32>], vector<16xf32>,
            %ge3A_595 = arith.constant 1.000000e+00 : f32
            %ge3A_596 = vector.broadcast %ge3A_595 : f32 to vector<16xf32>
            %ge3A_597 = arith.cmpf oge, %gather3A_594, %ge3A_596 : vector<16xf32>
            %eq3A_598 = arith.constant 0 : i32
            %eq3A_599 = vector.broadcast %eq3A_598 : i32 to vector<16xi32>
            %eq3A_600 = arith.cmpi eq, %add3A_588, %eq3A_599 : vector<16xi32>
            %and3A_601 = arith.andi %ge3A_597, %eq3A_600 : vector<16xi1>
            %select_n3A_602 = arith.select %and3A_601, %gather3A_594, %select_n3A_568 : vector<16xi1>, vector<16xf32>
            %eq3A_603 = arith.constant 1 : i32
            %eq3A_604 = vector.broadcast %eq3A_603 : i32 to vector<16xi32>
            %eq3A_605 = arith.cmpi eq, %add3A_588, %eq3A_604 : vector<16xi32>
            %and3A_606 = arith.andi %ge3A_597, %eq3A_605 : vector<16xi1>
            %select_n3A_607 = arith.select %and3A_606, %gather3A_594, %select_n3A_573 : vector<16xi1>, vector<16xf32>
            %eq3A_608 = arith.constant 2 : i32
            %eq3A_609 = vector.broadcast %eq3A_608 : i32 to vector<16xi32>
            %eq3A_610 = arith.cmpi eq, %add3A_588, %eq3A_609 : vector<16xi32>
            %and3A_611 = arith.andi %ge3A_597, %eq3A_610 : vector<16xi1>
            %select_n3A_612 = arith.select %and3A_611, %gather3A_594, %select_n3A_578 : vector<16xi1>, vector<16xf32>
            %lt3A_613 = arith.constant 3 : i32
            %lt3A_614 = vector.broadcast %lt3A_613 : i32 to vector<16xi32>
            %lt3A_615 = arith.cmpi slt, %add3A_588, %lt3A_614 : vector<16xi32>
            %and3A_616 = arith.andi %ge3A_597, %lt3A_615 : vector<16xi1>
            %jit3A_617 = arith.constant 1 : i32
            %jit3A_618 = arith.constant 0 : i32
            %broadcast_in_dim3A_619 = vector.broadcast %jit3A_617 : i32 to vector<16xi32>
            %broadcast_in_dim3A_620 = vector.broadcast %jit3A_618 : i32 to vector<16xi32>
            %select_n3A_621 = arith.select %and3A_616, %broadcast_in_dim3A_619, %broadcast_in_dim3A_620 : vector<16xi1>, vector<16xi32>
            %add3A_622 = arith.addi %add3A_588, %select_n3A_621 : vector<16xi32>
            %mul3A_623 = arith.constant 16 : i32
            %mul3A_624 = arith.muli %scan3A_132, %mul3A_623 : i32
            %add3A_625 = arith.constant 14 : i32
            %add3A_626 = arith.addi %mul3A_624, %add3A_625 : i32
            %broadcast_in_dim3A_627 = vector.broadcast %add3A_626 : i32 to vector<16xi32>
            %gather3A_628 = tpu.vector_load_idx %arg4[%add3A_102, %broadcast_in_dim3A_627] : memref<128x128xf32, #tpu.memory_space<vmem>>[vector<16xi32>, vector<16xi32>], vector<16xf32>,
            %ge3A_629 = arith.constant 1.000000e+00 : f32
            %ge3A_630 = vector.broadcast %ge3A_629 : f32 to vector<16xf32>
            %ge3A_631 = arith.cmpf oge, %gather3A_628, %ge3A_630 : vector<16xf32>
            %eq3A_632 = arith.constant 0 : i32
            %eq3A_633 = vector.broadcast %eq3A_632 : i32 to vector<16xi32>
            %eq3A_634 = arith.cmpi eq, %add3A_622, %eq3A_633 : vector<16xi32>
            %and3A_635 = arith.andi %ge3A_631, %eq3A_634 : vector<16xi1>
            %select_n3A_636 = arith.select %and3A_635, %gather3A_628, %select_n3A_602 : vector<16xi1>, vector<16xf32>
            %eq3A_637 = arith.constant 1 : i32
            %eq3A_638 = vector.broadcast %eq3A_637 : i32 to vector<16xi32>
            %eq3A_639 = arith.cmpi eq, %add3A_622, %eq3A_638 : vector<16xi32>
            %and3A_640 = arith.andi %ge3A_631, %eq3A_639 : vector<16xi1>
            %select_n3A_641 = arith.select %and3A_640, %gather3A_628, %select_n3A_607 : vector<16xi1>, vector<16xf32>
            %eq3A_642 = arith.constant 2 : i32
            %eq3A_643 = vector.broadcast %eq3A_642 : i32 to vector<16xi32>
            %eq3A_644 = arith.cmpi eq, %add3A_622, %eq3A_643 : vector<16xi32>
            %and3A_645 = arith.andi %ge3A_631, %eq3A_644 : vector<16xi1>
            %select_n3A_646 = arith.select %and3A_645, %gather3A_628, %select_n3A_612 : vector<16xi1>, vector<16xf32>
            %lt3A_647 = arith.constant 3 : i32
            %lt3A_648 = vector.broadcast %lt3A_647 : i32 to vector<16xi32>
            %lt3A_649 = arith.cmpi slt, %add3A_622, %lt3A_648 : vector<16xi32>
            %and3A_650 = arith.andi %ge3A_631, %lt3A_649 : vector<16xi1>
            %jit3A_651 = arith.constant 1 : i32
            %jit3A_652 = arith.constant 0 : i32
            %broadcast_in_dim3A_653 = vector.broadcast %jit3A_651 : i32 to vector<16xi32>
            %broadcast_in_dim3A_654 = vector.broadcast %jit3A_652 : i32 to vector<16xi32>
            %select_n3A_655 = arith.select %and3A_650, %broadcast_in_dim3A_653, %broadcast_in_dim3A_654 : vector<16xi1>, vector<16xi32>
            %add3A_656 = arith.addi %add3A_622, %select_n3A_655 : vector<16xi32>
            %mul3A_657 = arith.constant 16 : i32
            %mul3A_658 = arith.muli %scan3A_132, %mul3A_657 : i32
            %add3A_659 = arith.constant 15 : i32
            %add3A_660 = arith.addi %mul3A_658, %add3A_659 : i32
            %broadcast_in_dim3A_661 = vector.broadcast %add3A_660 : i32 to vector<16xi32>
            %gather3A_662 = tpu.vector_load_idx %arg4[%add3A_102, %broadcast_in_dim3A_661] : memref<128x128xf32, #tpu.memory_space<vmem>>[vector<16xi32>, vector<16xi32>], vector<16xf32>,
            %ge3A_663 = arith.constant 1.000000e+00 : f32
            %ge3A_664 = vector.broadcast %ge3A_663 : f32 to vector<16xf32>
            %ge3A_665 = arith.cmpf oge, %gather3A_662, %ge3A_664 : vector<16xf32>
            %eq3A_666 = arith.constant 0 : i32
            %eq3A_667 = vector.broadcast %eq3A_666 : i32 to vector<16xi32>
            %eq3A_668 = arith.cmpi eq, %add3A_656, %eq3A_667 : vector<16xi32>
            %and3A_669 = arith.andi %ge3A_665, %eq3A_668 : vector<16xi1>
            %select_n3A_670 = arith.select %and3A_669, %gather3A_662, %select_n3A_636 : vector<16xi1>, vector<16xf32>
            %eq3A_671 = arith.constant 1 : i32
            %eq3A_672 = vector.broadcast %eq3A_671 : i32 to vector<16xi32>
            %eq3A_673 = arith.cmpi eq, %add3A_656, %eq3A_672 : vector<16xi32>
            %and3A_674 = arith.andi %ge3A_665, %eq3A_673 : vector<16xi1>
            %select_n3A_675 = arith.select %and3A_674, %gather3A_662, %select_n3A_641 : vector<16xi1>, vector<16xf32>
            %eq3A_676 = arith.constant 2 : i32
            %eq3A_677 = vector.broadcast %eq3A_676 : i32 to vector<16xi32>
            %eq3A_678 = arith.cmpi eq, %add3A_656, %eq3A_677 : vector<16xi32>
            %and3A_679 = arith.andi %ge3A_665, %eq3A_678 : vector<16xi1>
            %select_n3A_680 = arith.select %and3A_679, %gather3A_662, %select_n3A_646 : vector<16xi1>, vector<16xf32>
            %lt3A_681 = arith.constant 3 : i32
            %lt3A_682 = vector.broadcast %lt3A_681 : i32 to vector<16xi32>
            %lt3A_683 = arith.cmpi slt, %add3A_656, %lt3A_682 : vector<16xi32>
            %and3A_684 = arith.andi %ge3A_665, %lt3A_683 : vector<16xi1>
            %jit3A_685 = arith.constant 1 : i32
            %jit3A_686 = arith.constant 0 : i32
            %broadcast_in_dim3A_687 = vector.broadcast %jit3A_685 : i32 to vector<16xi32>
            %broadcast_in_dim3A_688 = vector.broadcast %jit3A_686 : i32 to vector<16xi32>
            %select_n3A_689 = arith.select %and3A_684, %broadcast_in_dim3A_687, %broadcast_in_dim3A_688 : vector<16xi1>, vector<16xi32>
            %add3A_690 = arith.addi %add3A_656, %select_n3A_689 : vector<16xi32>
            %swap3A_691 = arith.index_cast %mul3A_98 : i32 to index
            %swap3A_692 = tpu.vector_load %arg6[%swap3A_691] {strides = array<i32>} : memref<128xf32, #tpu.memory_space<vmem>>, vector<16xf32>,
            tpu.vector_store %arg6[%swap3A_691], %select_n3A_670 {strides = array<i32>} : memref<128xf32, #tpu.memory_space<vmem>>, vector<16xf32>,
            %swap3A_693 = arith.index_cast %mul3A_98 : i32 to index
            %swap3A_694 = tpu.vector_load %arg7[%swap3A_693] {strides = array<i32>} : memref<128xf32, #tpu.memory_space<vmem>>, vector<16xf32>,
            tpu.vector_store %arg7[%swap3A_693], %select_n3A_675 {strides = array<i32>} : memref<128xf32, #tpu.memory_space<vmem>>, vector<16xf32>,
            %swap3A_695 = arith.index_cast %mul3A_98 : i32 to index
            %swap3A_696 = tpu.vector_load %arg8[%swap3A_695] {strides = array<i32>} : memref<128xf32, #tpu.memory_space<vmem>>, vector<16xf32>,
            tpu.vector_store %arg8[%swap3A_695], %select_n3A_680 {strides = array<i32>} : memref<128xf32, #tpu.memory_space<vmem>>, vector<16xf32>,
            %swap3A_697 = arith.index_cast %mul3A_98 : i32 to index
            %swap3A_698 = tpu.vector_load %arg9[%swap3A_697] {strides = array<i32>} : memref<128xi32, #tpu.memory_space<vmem>>, vector<16xi32>,
            tpu.vector_store %arg9[%swap3A_697], %add3A_690 {strides = array<i32>} : memref<128xi32, #tpu.memory_space<vmem>>, vector<16xi32>,
            %reduce_min3A_699 = arith.constant true
            %reduce_min3A_700 = vector.broadcast %reduce_min3A_699 : i1 to vector<16xi1>
            %reduce_min3A_701 = arith.constant -2147483648 : i32
            %reduce_min3A_702 = vector.broadcast %reduce_min3A_701 : i32 to vector<16xi32>
            %reduce_min3A_703 = arith.xori %add3A_690, %reduce_min3A_702 : vector<16xi32>
            %reduce_min3A_704 = tpu.scan <min>, %reduce_min3A_703 masked %reduce_min3A_700 : vector<16xi32>, vector<16xi1> -> vector<16xi32>
            %reduce_min3A_705 = arith.xori %reduce_min3A_704, %reduce_min3A_702 : vector<16xi32>
            %reduce_min3A_706 = vector.extract %reduce_min3A_705[15] : i32 from vector<16xi32>
            %ge3A_707 = arith.constant 3 : i32
            %ge3A_708 = arith.cmpi sge, %reduce_min3A_706, %ge3A_707 : i32
            %jit3A_709 = arith.constant 1 : i32
            %jit3A_710 = arith.constant 0 : i32
            %select_n3A_711 = arith.select %ge3A_708, %jit3A_709, %jit3A_710 : i32
            %swap3A_712 = arith.constant 0 : i32
            %swap3A_713 = arith.index_cast %swap3A_712 : i32 to index
            %swap3A_714 = memref.load %arg12[%swap3A_713] : memref<1xi32, #tpu.memory_space<smem>>
            memref.store %select_n3A_711, %arg12[%swap3A_713] : memref<1xi32, #tpu.memory_space<smem>>
          } else {
          }
        }
        %scan3A_122 = arith.constant 8 : i32
        %get3A_123 = arith.constant 0 : i32
        %get3A_124 = arith.index_cast %get3A_123 : i32 to index
        %get3A_125 = memref.load %arg11[%get3A_124] : memref<1xi32, #tpu.memory_space<smem>>
        %get3A_126 = arith.constant 0 : i32
        %get3A_127 = arith.index_cast %get3A_126 : i32 to index
        %get3A_128 = memref.load %arg12[%get3A_127] : memref<1xi32, #tpu.memory_space<smem>>
        %and3A = arith.andi %get3A_125, %get3A_128 : i32
        %swap3A_129 = arith.constant 0 : i32
        %swap3A_130 = arith.index_cast %swap3A_129 : i32 to index
        %swap3A_131 = memref.load %arg11[%swap3A_130] : memref<1xi32, #tpu.memory_space<smem>>
        memref.store %and3A, %arg11[%swap3A_130] : memref<1xi32, #tpu.memory_space<smem>>
      }
      %scan3A_95 = arith.constant 8 : i32
    } else {
    }
    %dma_wait3A = tpu.memref_slice %arg2[%mul3A_2, %mul3A_2] : memref<4096x4096xf32, #tpu.memory_space<hbm>> -> memref<128x128xf32, #tpu.memory_space<hbm>>
    %dma_wait3A_74 = tpu.memref_slice %arg2[%mul3A_2, %mul3A_2] : memref<4096x4096xf32, #tpu.memory_space<hbm>> -> memref<128x128xf32, #tpu.memory_space<hbm>>
    tpu.wait_dma2 semaphore(%arg13 : memref<!tpu.dma_semaphore, #tpu.memory_space<semaphore_mem>>) src(%dma_wait3A_74 : memref<128x128xf32, #tpu.memory_space<hbm>>) dst(%arg5 : memref<128x128xf32, #tpu.memory_space<vmem>>)
    %broadcast_in_dim3A_75 = arith.constant 0x7FC00000 : f32
    %broadcast_in_dim3A_76 = vector.broadcast %broadcast_in_dim3A_75 : f32 to vector<16xf32>
    %broadcast_in_dim3A_77 = arith.constant 0.000000e+00 : f32
    %broadcast_in_dim3A_78 = vector.broadcast %broadcast_in_dim3A_77 : f32 to vector<16xf32>
    %scan3A = arith.constant 0 : i32
    %scan3A_79 = arith.constant 8 : i32
    %scan3A_80 = arith.addi %scan3A, %scan3A_79 : i32
    %scan3A_81 = arith.constant 1 : i32
    %scan3A_82 = scf.for %scan3A_86 = %scan3A to %scan3A_80 step %scan3A_81 iter_args(%scan3A_87 = %broadcast_in_dim3A_78) -> (vector<16xf32>)  : i32 {
      %mul3A_88 = arith.constant 16 : i32
      %mul3A_89 = arith.muli %scan3A_86, %mul3A_88 : i32
      %get3A_90 = arith.index_cast %mul3A_89 : i32 to index
      %get3A_91 = tpu.vector_load %arg6[%get3A_90] {strides = array<i32>} : memref<128xf32, #tpu.memory_space<vmem>>, vector<16xf32>,
      %get3A_92 = arith.index_cast %mul3A_89 : i32 to index
      %get3A_93 = tpu.vector_load %arg7[%get3A_92] {strides = array<i32>} : memref<128xf32, #tpu.memory_space<vmem>>, vector<16xf32>,
      %get3A_94 = arith.index_cast %mul3A_89 : i32 to index
      %get3A_95 = tpu.vector_load %arg8[%get3A_94] {strides = array<i32>} : memref<128xf32, #tpu.memory_space<vmem>>, vector<16xf32>,
      %mul3A_96 = arith.constant 16 : i32
      %mul3A_97 = arith.muli %scan3A_86, %mul3A_96 : i32
      %add3A_98 = vector.broadcast %mul3A_97 : i32 to vector<16xi32>
      %add3A_99 = arith.addi %add3A_98, %iota3A : vector<16xi32>
      %mul3A_100 = arith.constant 16 : i32
      %mul3A_101 = arith.muli %scan3A_86, %mul3A_100 : i32
      %add3A_102 = vector.broadcast %mul3A_101 : i32 to vector<16xi32>
      %add3A_103 = arith.addi %add3A_102, %iota3A : vector<16xi32>
      %gather3A = tpu.vector_load_idx %arg5[%add3A_99, %add3A_103] : memref<128x128xf32, #tpu.memory_space<vmem>>[vector<16xi32>, vector<16xi32>], vector<16xf32>,
      %sub3A = arith.subf %get3A_91, %gather3A : vector<16xf32>
      %add3A_104 = arith.constant 8.000000e-01 : f32
      %add3A_105 = vector.broadcast %add3A_104 : f32 to vector<16xf32>
      %add3A_106 = arith.addf %sub3A, %add3A_105 : vector<16xf32>
      %max3A = arith.constant 0.000000e+00 : f32
      %max3A_107 = vector.broadcast %max3A : f32 to vector<16xf32>
      %max3A_108 = arith.maximumf %add3A_106, %max3A_107 : vector<16xf32>
      %sub3A_109 = arith.subf %get3A_93, %gather3A : vector<16xf32>
      %add3A_110 = arith.constant 8.000000e-01 : f32
      %add3A_111 = vector.broadcast %add3A_110 : f32 to vector<16xf32>
      %add3A_112 = arith.addf %sub3A_109, %add3A_111 : vector<16xf32>
      %max3A_113 = arith.constant 0.000000e+00 : f32
      %max3A_114 = vector.broadcast %max3A_113 : f32 to vector<16xf32>
      %max3A_115 = arith.maximumf %add3A_112, %max3A_114 : vector<16xf32>
      %sub3A_116 = arith.subf %get3A_95, %gather3A : vector<16xf32>
      %add3A_117 = arith.constant 8.000000e-01 : f32
      %add3A_118 = vector.broadcast %add3A_117 : f32 to vector<16xf32>
      %add3A_119 = arith.addf %sub3A_116, %add3A_118 : vector<16xf32>
      %max3A_120 = arith.constant 0.000000e+00 : f32
      %max3A_121 = vector.broadcast %max3A_120 : f32 to vector<16xf32>
      %max3A_122 = arith.maximumf %add3A_119, %max3A_121 : vector<16xf32>
      %ne3A = arith.constant 0.000000e+00 : f32
      %ne3A_123 = vector.broadcast %ne3A : f32 to vector<16xf32>
      %ne3A_124 = arith.cmpf one, %max3A_108, %ne3A_123 : vector<16xf32>
      %div3A = arith.constant 1.000000e-01 : f32
      %div3A_125 = vector.broadcast %div3A : f32 to vector<16xf32>
      %div3A_126 = arith.divf %get3A_91, %div3A_125 : vector<16xf32>
      %jit3A = arith.constant 0.000000e+00 : f32
      %broadcast_in_dim3A_127 = vector.broadcast %jit3A : f32 to vector<16xf32>
      %select_n3A = arith.select %ne3A_124, %div3A_126, %broadcast_in_dim3A_127 : vector<16xi1>, vector<16xf32>
      %ne3A_128 = arith.constant 0.000000e+00 : f32
      %ne3A_129 = vector.broadcast %ne3A_128 : f32 to vector<16xf32>
      %ne3A_130 = arith.cmpf one, %max3A_115, %ne3A_129 : vector<16xf32>
      %div3A_131 = arith.constant 1.000000e-01 : f32
      %div3A_132 = vector.broadcast %div3A_131 : f32 to vector<16xf32>
      %div3A_133 = arith.divf %get3A_93, %div3A_132 : vector<16xf32>
      %jit3A_134 = arith.constant 0.000000e+00 : f32
      %broadcast_in_dim3A_135 = vector.broadcast %jit3A_134 : f32 to vector<16xf32>
      %select_n3A_136 = arith.select %ne3A_130, %div3A_133, %broadcast_in_dim3A_135 : vector<16xi1>, vector<16xf32>
      %ne3A_137 = arith.constant 0.000000e+00 : f32
      %ne3A_138 = vector.broadcast %ne3A_137 : f32 to vector<16xf32>
      %ne3A_139 = arith.cmpf one, %max3A_122, %ne3A_138 : vector<16xf32>
      %div3A_140 = arith.constant 1.000000e-01 : f32
      %div3A_141 = vector.broadcast %div3A_140 : f32 to vector<16xf32>
      %div3A_142 = arith.divf %get3A_95, %div3A_141 : vector<16xf32>
      %jit3A_143 = arith.constant 0.000000e+00 : f32
      %broadcast_in_dim3A_144 = vector.broadcast %jit3A_143 : f32 to vector<16xf32>
      %select_n3A_145 = arith.select %ne3A_139, %div3A_142, %broadcast_in_dim3A_144 : vector<16xi1>, vector<16xf32>
      %max3A_146 = arith.maximumf %select_n3A, %select_n3A_136 : vector<16xf32>
      %max3A_147 = arith.maximumf %max3A_146, %select_n3A_145 : vector<16xf32>
      %sub3A_148 = arith.subf %select_n3A, %max3A_147 : vector<16xf32>
      %exp3A = math.exp %sub3A_148 : vector<16xf32>
      %sub3A_149 = arith.subf %select_n3A_136, %max3A_147 : vector<16xf32>
      %exp3A_150 = math.exp %sub3A_149 : vector<16xf32>
      %sub3A_151 = arith.subf %select_n3A_145, %max3A_147 : vector<16xf32>
      %exp3A_152 = math.exp %sub3A_151 : vector<16xf32>
      %add3A_153 = arith.addf %exp3A, %exp3A_150 : vector<16xf32>
      %add3A_154 = arith.addf %add3A_153, %exp3A_152 : vector<16xf32>
      %mul3A_155 = arith.mulf %max3A_108, %exp3A : vector<16xf32>
      %mul3A_156 = arith.mulf %max3A_115, %exp3A_150 : vector<16xf32>
      %add3A_157 = arith.addf %mul3A_155, %mul3A_156 : vector<16xf32>
      %mul3A_158 = arith.mulf %max3A_122, %exp3A_152 : vector<16xf32>
      %add3A_159 = arith.addf %add3A_157, %mul3A_158 : vector<16xf32>
      %div3A_160 = arith.divf %add3A_159, %add3A_154 : vector<16xf32>
      %get3A_161 = arith.index_cast %mul3A_89 : i32 to index
      %get3A_162 = tpu.vector_load %arg9[%get3A_161] {strides = array<i32>} : memref<128xi32, #tpu.memory_space<vmem>>, vector<16xi32>,
      %ge3A = arith.constant 3 : i32
      %ge3A_163 = vector.broadcast %ge3A : i32 to vector<16xi32>
      %ge3A_164 = arith.cmpi sge, %get3A_162, %ge3A_163 : vector<16xi32>
      %select_n3A_165 = arith.select %ge3A_164, %div3A_160, %broadcast_in_dim3A_76 : vector<16xi1>, vector<16xf32>
      %add3A_166 = arith.addf %scan3A_87, %select_n3A_165 : vector<16xf32>
      scf.yield %add3A_166 : vector<16xf32>
    }
    %scan3A_83 = arith.constant 8 : i32
    %swap3A_84 = arith.constant 0 : index
    %swap3A_85 = tpu.vector_load %arg10[%swap3A_84] {strides = array<i32>} : memref<16xf32, #tpu.memory_space<vmem>>, vector<16xf32>,
    tpu.vector_store %arg10[%swap3A_84], %scan3A_82 {strides = array<i32>} : memref<16xf32, #tpu.memory_space<vmem>>, vector<16xf32>,
    "tpu.region"() ({
      %run_scoped3A = tpu.sem_alloc : memref<!tpu.dma_semaphore, #tpu.memory_space<semaphore_mem>>
      %dma_start3A_86 = arith.constant 0 : i32
      %dma_start3A_87 = tpu.memref_slice %arg3[%add3A, %dma_start3A_86] : memref<32x16xf32, #tpu.memory_space<hbm>> -> memref<1x16xf32, #tpu.memory_space<hbm>>
      %dma_start3A_88 = tpu.memref_squeeze %dma_start3A_87 : memref<1x16xf32, #tpu.memory_space<hbm>> -> memref<16xf32, #tpu.memory_space<hbm>>
      %dma_start3A_89 = arith.constant 0 : i32
      %dma_start3A_90 = tpu.memref_slice %arg3[%add3A, %dma_start3A_89] : memref<32x16xf32, #tpu.memory_space<hbm>> -> memref<1x16xf32, #tpu.memory_space<hbm>>
      %dma_start3A_91 = tpu.memref_squeeze %dma_start3A_90 : memref<1x16xf32, #tpu.memory_space<hbm>> -> memref<16xf32, #tpu.memory_space<hbm>>
      tpu.enqueue_dma source(%arg10 : memref<16xf32, #tpu.memory_space<vmem>>) target(%dma_start3A_91 : memref<16xf32, #tpu.memory_space<hbm>>) target_semaphore(%run_scoped3A : memref<!tpu.dma_semaphore, #tpu.memory_space<semaphore_mem>>)
      %dma_wait3A_92 = arith.constant 0 : i32
      %dma_wait3A_93 = tpu.memref_slice %arg3[%add3A, %dma_wait3A_92] : memref<32x16xf32, #tpu.memory_space<hbm>> -> memref<1x16xf32, #tpu.memory_space<hbm>>
      %dma_wait3A_94 = tpu.memref_squeeze %dma_wait3A_93 : memref<1x16xf32, #tpu.memory_space<hbm>> -> memref<16xf32, #tpu.memory_space<hbm>>
      %dma_wait3A_95 = arith.constant 0 : i32
      %dma_wait3A_96 = tpu.memref_slice %arg3[%add3A, %dma_wait3A_95] : memref<32x16xf32, #tpu.memory_space<hbm>> -> memref<1x16xf32, #tpu.memory_space<hbm>>
      %dma_wait3A_97 = tpu.memref_squeeze %dma_wait3A_96 : memref<1x16xf32, #tpu.memory_space<hbm>> -> memref<16xf32, #tpu.memory_space<hbm>>
      tpu.wait_dma2 semaphore(%run_scoped3A : memref<!tpu.dma_semaphore, #tpu.memory_space<semaphore_mem>>) src(%arg10 : memref<16xf32, #tpu.memory_space<vmem>>) dst(%dma_wait3A_97 : memref<16xf32, #tpu.memory_space<hbm>>)
      tpu.yield
    }) : () -> ()
    return
  }
}

module attributes {stable_mosaic.version = 14 : i64} {
  func.func @_full_kernel(%arg0: i32, %arg1: memref<256x4096xf32, #tpu.memory_space<vmem>>, %arg2: memref<1x1xf32, #tpu.memory_space<vmem>>) attributes {dimension_semantics = [#tpu.dimension_semantics<arbitrary>], iteration_bounds = array<i64: 16>, scalar_prefetch = 0 : i64, scratch_operands = 0 : i64, tpu.core_type = #tpu.core_type<tc>, window_params = [{transform_indices = @transform_0, window_bounds = array<i64: 256, 4096>}, {pipeline_mode = #tpu.pipeline_mode<synchronous>, transform_indices = @transform_1, window_bounds = array<i64: 1, 1>}]} {
    %get3A = arith.constant 0 : index
    %get3A_0 = arith.constant 0 : index
    %get3A_1 = vector.load %arg1[%get3A, %get3A_0] : memref<256x4096xf32, #tpu.memory_space<vmem>>, vector<256x4096xf32>
    %iota3A = tpu.iota {dimensions = array<i32: 1>} : vector<256x4096xi32>
    %mul3A = arith.constant 256 : i32
    %mul3A_2 = arith.muli %arg0, %mul3A : i32
    %iota3A_3 = tpu.iota {dimensions = array<i32: 0>} : vector<256x4096xi32>
    %add3A = vector.broadcast %mul3A_2 : i32 to vector<256x4096xi32>
    %add3A_4 = arith.addi %add3A, %iota3A_3 : vector<256x4096xi32>
    %eq3A = arith.cmpi eq, %iota3A, %add3A_4 : vector<256x4096xi32>
    %jit3A = arith.constant 0.000000e+00 : f32
    %broadcast_in_dim3A = vector.broadcast %jit3A : f32 to vector<256x4096xf32>
    %select_n3A = arith.select %eq3A, %get3A_1, %broadcast_in_dim3A : vector<256x4096xi1>, vector<256x4096xf32>
    %reduce_sum3A = arith.constant dense<0.000000e+00> : vector<256xf32>
    %reduce_sum3A_5 = vector.multi_reduction <add>, %select_n3A, %reduce_sum3A [1] : vector<256x4096xf32> to vector<256xf32>
    %min3A = arith.constant 1.000000e+00 : f32
    %min3A_6 = vector.broadcast %min3A : f32 to vector<256x4096xf32>
    %min3A_7 = arith.minimumf %get3A_1, %min3A_6 : vector<256x4096xf32>
    %reduce_max3A = arith.constant dense<0xFF800000> : vector<256xf32>
    %reduce_max3A_8 = vector.multi_reduction <maximumf>, %min3A_7, %reduce_max3A [1] : vector<256x4096xf32> to vector<256xf32>
    %broadcast_in_dim3A_9 = vector.shape_cast %reduce_max3A_8 : vector<256xf32> to vector<256x1xf32>
    %eq3A_10 = vector.broadcast %broadcast_in_dim3A_9 : vector<256x1xf32> to vector<256x4096xf32>
    %eq3A_11 = arith.cmpf oeq, %min3A_7, %eq3A_10 : vector<256x4096xf32>
    %jit3A_12 = arith.constant 4096 : i32
    %broadcast_in_dim3A_13 = vector.broadcast %jit3A_12 : i32 to vector<256x4096xi32>
    %select_n3A_14 = arith.select %eq3A_11, %iota3A, %broadcast_in_dim3A_13 : vector<256x4096xi1>, vector<256x4096xi32>
    %reduce_min3A = arith.constant dense<2147483647> : vector<256xi32>
    %reduce_min3A_15 = vector.multi_reduction <minsi>, %select_n3A_14, %reduce_min3A [1] : vector<256x4096xi32> to vector<256xi32>
    %broadcast_in_dim3A_16 = vector.shape_cast %reduce_min3A_15 : vector<256xi32> to vector<256x1xi32>
    %eq3A_17 = vector.broadcast %broadcast_in_dim3A_16 : vector<256x1xi32> to vector<256x4096xi32>
    %eq3A_18 = arith.cmpi eq, %iota3A, %eq3A_17 : vector<256x4096xi32>
    %jit3A_19 = arith.constant 0.000000e+00 : f32
    %broadcast_in_dim3A_20 = vector.broadcast %jit3A_19 : f32 to vector<256x4096xf32>
    %select_n3A_21 = arith.select %eq3A_18, %get3A_1, %broadcast_in_dim3A_20 : vector<256x4096xi1>, vector<256x4096xf32>
    %reduce_sum3A_22 = arith.constant dense<0.000000e+00> : vector<256xf32>
    %reduce_sum3A_23 = vector.multi_reduction <add>, %select_n3A_21, %reduce_sum3A_22 [1] : vector<256x4096xf32> to vector<256xf32>
    %jit3A_24 = arith.constant 0xFF800000 : f32
    %broadcast_in_dim3A_25 = vector.broadcast %jit3A_24 : f32 to vector<256x4096xf32>
    %select_n3A_26 = arith.select %eq3A_18, %broadcast_in_dim3A_25, %min3A_7 : vector<256x4096xi1>, vector<256x4096xf32>
    %reduce_max3A_27 = arith.constant dense<0xFF800000> : vector<256xf32>
    %reduce_max3A_28 = vector.multi_reduction <maximumf>, %select_n3A_26, %reduce_max3A_27 [1] : vector<256x4096xf32> to vector<256xf32>
    %broadcast_in_dim3A_29 = vector.shape_cast %reduce_max3A_28 : vector<256xf32> to vector<256x1xf32>
    %eq3A_30 = vector.broadcast %broadcast_in_dim3A_29 : vector<256x1xf32> to vector<256x4096xf32>
    %eq3A_31 = arith.cmpf oeq, %select_n3A_26, %eq3A_30 : vector<256x4096xf32>
    %jit3A_32 = arith.constant 4096 : i32
    %broadcast_in_dim3A_33 = vector.broadcast %jit3A_32 : i32 to vector<256x4096xi32>
    %select_n3A_34 = arith.select %eq3A_31, %iota3A, %broadcast_in_dim3A_33 : vector<256x4096xi1>, vector<256x4096xi32>
    %reduce_min3A_35 = arith.constant dense<2147483647> : vector<256xi32>
    %reduce_min3A_36 = vector.multi_reduction <minsi>, %select_n3A_34, %reduce_min3A_35 [1] : vector<256x4096xi32> to vector<256xi32>
    %broadcast_in_dim3A_37 = vector.shape_cast %reduce_min3A_36 : vector<256xi32> to vector<256x1xi32>
    %eq3A_38 = vector.broadcast %broadcast_in_dim3A_37 : vector<256x1xi32> to vector<256x4096xi32>
    %eq3A_39 = arith.cmpi eq, %iota3A, %eq3A_38 : vector<256x4096xi32>
    %jit3A_40 = arith.constant 0.000000e+00 : f32
    %broadcast_in_dim3A_41 = vector.broadcast %jit3A_40 : f32 to vector<256x4096xf32>
    %select_n3A_42 = arith.select %eq3A_39, %get3A_1, %broadcast_in_dim3A_41 : vector<256x4096xi1>, vector<256x4096xf32>
    %reduce_sum3A_43 = arith.constant dense<0.000000e+00> : vector<256xf32>
    %reduce_sum3A_44 = vector.multi_reduction <add>, %select_n3A_42, %reduce_sum3A_43 [1] : vector<256x4096xf32> to vector<256xf32>
    %jit3A_45 = arith.constant 0xFF800000 : f32
    %broadcast_in_dim3A_46 = vector.broadcast %jit3A_45 : f32 to vector<256x4096xf32>
    %select_n3A_47 = arith.select %eq3A_39, %broadcast_in_dim3A_46, %select_n3A_26 : vector<256x4096xi1>, vector<256x4096xf32>
    %reduce_max3A_48 = arith.constant dense<0xFF800000> : vector<256xf32>
    %reduce_max3A_49 = vector.multi_reduction <maximumf>, %select_n3A_47, %reduce_max3A_48 [1] : vector<256x4096xf32> to vector<256xf32>
    %broadcast_in_dim3A_50 = vector.shape_cast %reduce_max3A_49 : vector<256xf32> to vector<256x1xf32>
    %eq3A_51 = vector.broadcast %broadcast_in_dim3A_50 : vector<256x1xf32> to vector<256x4096xf32>
    %eq3A_52 = arith.cmpf oeq, %select_n3A_47, %eq3A_51 : vector<256x4096xf32>
    %jit3A_53 = arith.constant 4096 : i32
    %broadcast_in_dim3A_54 = vector.broadcast %jit3A_53 : i32 to vector<256x4096xi32>
    %select_n3A_55 = arith.select %eq3A_52, %iota3A, %broadcast_in_dim3A_54 : vector<256x4096xi1>, vector<256x4096xi32>
    %reduce_min3A_56 = arith.constant dense<2147483647> : vector<256xi32>
    %reduce_min3A_57 = vector.multi_reduction <minsi>, %select_n3A_55, %reduce_min3A_56 [1] : vector<256x4096xi32> to vector<256xi32>
    %broadcast_in_dim3A_58 = vector.shape_cast %reduce_min3A_57 : vector<256xi32> to vector<256x1xi32>
    %eq3A_59 = vector.broadcast %broadcast_in_dim3A_58 : vector<256x1xi32> to vector<256x4096xi32>
    %eq3A_60 = arith.cmpi eq, %iota3A, %eq3A_59 : vector<256x4096xi32>
    %jit3A_61 = arith.constant 0.000000e+00 : f32
    %broadcast_in_dim3A_62 = vector.broadcast %jit3A_61 : f32 to vector<256x4096xf32>
    %select_n3A_63 = arith.select %eq3A_60, %get3A_1, %broadcast_in_dim3A_62 : vector<256x4096xi1>, vector<256x4096xf32>
    %reduce_sum3A_64 = arith.constant dense<0.000000e+00> : vector<256xf32>
    %reduce_sum3A_65 = vector.multi_reduction <add>, %select_n3A_63, %reduce_sum3A_64 [1] : vector<256x4096xf32> to vector<256xf32>
    %stack3A = vector.shape_cast %reduce_sum3A_23 : vector<256xf32> to vector<256x1xf32>
    %stack3A_66 = vector.shape_cast %reduce_sum3A_44 : vector<256xf32> to vector<256x1xf32>
    %stack3A_67 = vector.shape_cast %reduce_sum3A_65 : vector<256xf32> to vector<256x1xf32>
    %stack3A_68 = tpu.concatenate %stack3A, %stack3A_66, %stack3A_67 in 1 : vector<256x1xf32>, vector<256x1xf32>, vector<256x1xf32> -> vector<256x3xf32>
    %broadcast_in_dim3A_69 = vector.shape_cast %reduce_sum3A_5 : vector<256xf32> to vector<256x1xf32>
    %sub3A = vector.broadcast %broadcast_in_dim3A_69 : vector<256x1xf32> to vector<256x3xf32>
    %sub3A_70 = arith.subf %stack3A_68, %sub3A : vector<256x3xf32>
    %add3A_71 = arith.constant 8.000000e-01 : f32
    %add3A_72 = vector.broadcast %add3A_71 : f32 to vector<256x3xf32>
    %add3A_73 = arith.addf %sub3A_70, %add3A_72 : vector<256x3xf32>
    %max3A = arith.constant 0.000000e+00 : f32
    %max3A_74 = vector.broadcast %max3A : f32 to vector<256x3xf32>
    %max3A_75 = arith.maximumf %add3A_73, %max3A_74 : vector<256x3xf32>
    %ne3A = arith.constant 0.000000e+00 : f32
    %ne3A_76 = vector.broadcast %ne3A : f32 to vector<256x3xf32>
    %ne3A_77 = arith.cmpf one, %max3A_75, %ne3A_76 : vector<256x3xf32>
    %convert_element_type3A = arith.extui %ne3A_77 : vector<256x3xi1> to vector<256x3xi32>
    %convert_element_type3A_78 = arith.sitofp %convert_element_type3A : vector<256x3xi32> to vector<256x3xf32>
    %div3A = arith.constant 1.000000e-01 : f32
    %div3A_79 = vector.broadcast %div3A : f32 to vector<256x3xf32>
    %div3A_80 = arith.divf %stack3A_68, %div3A_79 : vector<256x3xf32>
    %mul3A_81 = arith.mulf %div3A_80, %convert_element_type3A_78 : vector<256x3xf32>
    %reduce_max3A_82 = arith.constant dense<0xFF800000> : vector<256xf32>
    %reduce_max3A_83 = vector.multi_reduction <maximumf>, %mul3A_81, %reduce_max3A_82 [1] : vector<256x3xf32> to vector<256xf32>
    %broadcast_in_dim3A_84 = vector.shape_cast %reduce_max3A_83 : vector<256xf32> to vector<256x1xf32>
    %sub3A_85 = vector.broadcast %broadcast_in_dim3A_84 : vector<256x1xf32> to vector<256x3xf32>
    %sub3A_86 = arith.subf %mul3A_81, %sub3A_85 : vector<256x3xf32>
    %exp3A = math.exp %sub3A_86 : vector<256x3xf32>
    %reduce_sum3A_87 = arith.constant dense<0.000000e+00> : vector<256xf32>
    %reduce_sum3A_88 = vector.multi_reduction <add>, %exp3A, %reduce_sum3A_87 [1] : vector<256x3xf32> to vector<256xf32>
    %broadcast_in_dim3A_89 = vector.shape_cast %reduce_sum3A_88 : vector<256xf32> to vector<256x1xf32>
    %div3A_90 = vector.broadcast %broadcast_in_dim3A_89 : vector<256x1xf32> to vector<256x3xf32>
    %div3A_91 = arith.divf %exp3A, %div3A_90 : vector<256x3xf32>
    %mul3A_92 = arith.mulf %max3A_75, %div3A_91 : vector<256x3xf32>
    %reduce_sum3A_93 = vector.shape_cast %mul3A_92 : vector<256x3xf32> to vector<1x256x3xf32>
    %reduce_sum3A_94 = arith.constant dense<0.000000e+00> : vector<1xf32>
    %reduce_sum3A_95 = vector.multi_reduction <add>, %reduce_sum3A_93, %reduce_sum3A_94 [1, 2] : vector<1x256x3xf32> to vector<1xf32>
    %reduce_sum3A_96 = vector.shape_cast %reduce_sum3A_95 : vector<1xf32> to vector<1x1x1xf32>
    %reduce_sum3A_97 = vector.extract %reduce_sum3A_96[0, 0, 0] : f32 from vector<1x1x1xf32>
    %div3A_98 = arith.constant 1.228800e+04 : f32
    %div3A_99 = arith.divf %reduce_sum3A_97, %div3A_98 : f32
    %reshape3A = vector.broadcast %div3A_99 : f32 to vector<1x1xf32>
    %eq3A_100 = arith.constant 0 : i32
    %eq3A_101 = arith.cmpi eq, %arg0, %eq3A_100 : i32
    %convert_element_type3A_102 = arith.extui %eq3A_101 : i1 to i32
    %cond3A = arith.constant 0 : i32
    %cond3A_103 = arith.cmpi ne, %convert_element_type3A_102, %cond3A : i32
    scf.if %cond3A_103 {
      %broadcast_in_dim3A_110 = arith.constant 0.000000e+00 : f32
      %broadcast_in_dim3A_111 = vector.broadcast %broadcast_in_dim3A_110 : f32 to vector<1x1xf32>
      %swap3A_112 = arith.constant 0 : index
      %swap3A_113 = arith.constant 0 : index
      %swap3A_114 = vector.load %arg2[%swap3A_112, %swap3A_113] : memref<1x1xf32, #tpu.memory_space<vmem>>, vector<1x1xf32>
      tpu.vector_store %arg2[%swap3A_112, %swap3A_113], %broadcast_in_dim3A_111 {strides = array<i32>} : memref<1x1xf32, #tpu.memory_space<vmem>>, vector<1x1xf32>,
    } else {
    }
    %get3A_104 = arith.constant 0 : index
    %get3A_105 = arith.constant 0 : index
    %get3A_106 = vector.load %arg2[%get3A_104, %get3A_105] : memref<1x1xf32, #tpu.memory_space<vmem>>, vector<1x1xf32>
    %add3A_107 = arith.addf %get3A_106, %reshape3A : vector<1x1xf32>
    %swap3A = arith.constant 0 : index
    %swap3A_108 = arith.constant 0 : index
    %swap3A_109 = vector.load %arg2[%swap3A, %swap3A_108] : memref<1x1xf32, #tpu.memory_space<vmem>>, vector<1x1xf32>
    tpu.vector_store %arg2[%swap3A, %swap3A_108], %add3A_107 {strides = array<i32>} : memref<1x1xf32, #tpu.memory_space<vmem>>, vector<1x1xf32>,
    return
  }
  func.func @transform_0(%arg0: i32) -> (i32, i32) {
    %c0_i32 = arith.constant 0 : i32
    %c0_i32_0 = arith.constant 0 : i32
    return %arg0, %c0_i32 : i32, i32
  }
  func.func @transform_1(%arg0: i32) -> (i32, i32) {
    %c0_i32 = arith.constant 0 : i32
    %c0_i32_0 = arith.constant 0 : i32
    %c0_i32_1 = arith.constant 0 : i32
    return %c0_i32, %c0_i32_0 : i32, i32
  }
}

</mosaic_0001>

<sc_bundles>
// kernel: kernel.3.cloned.1.call-start
scs
__scs_entry_jumppad:
0x0: {  	(pc) =	sbr.rel $0x88, $3  }
0x1: {  	(tag) =	ssettag $0x0;
	lr =	simm.s32 $0x1  }
0x2: {  	[smem:$0x3FA0] =	sst lr;
	_ =	strace $0xD0000000  }
0x3: {  	_ = 	snop  }
0x4: {  	_ = 	snop  }
0x5: {  	_ = 	snop  }
0x6: {  	_ = 	snop  }
0x7: {  	_ = 	snop  }
__scs_overlays_trampoline_lowered:
0x8: {  	[smem:$0x3FAF] =	sst s0  }
0x9: {  	[smem:$0x3FB0] =	sst s1  }
0xa: {  	[smem:$0x3FB1] =	sst s2  }
0xb: {  	[smem:$0x3FB2] =	sst s3  }
0xc: {  	[smem:$0x3FB3] =	sst s4  }
0xd: {  	[smem:$0x3FB4] =	sst s5  }
0xe: {  	[smem:$0x3FB5] =	sst s6  }
0xf: {  	[smem:$0x3FB6] =	sst s7  }
0x10: {  	[smem:$0x3FB7] =	sst s8  }
0x11: {  	[smem:$0x3FB8] =	sst s9;
	s0 =	simm.s32 @!p0 $0x0  }
0x12: {  	s1 =	sld [smem:$0x3F9E];
	s0 =	simm.s32 @p0 $0x1  }
0x13: {  	[smem:$0x3FB9] =	sst s0;
	s0 =	simm.s32 @!p1 $0x0  }
0x14: {  	s2 =	sld [smem:$0x3F9D];
	s0 =	simm.s32 @p1 $0x1  }
0x15: {  	[smem:$0x3FBA] =	sst s0;
	s0 =	simm.s32 @!p2 $0x0  }
0x16: {  	s3 =	sld [smem:$0x3FDB];
	s0 =	simm.s32 @p2 $0x1  }
0x17: {  	s4 =	simm.s32 $0x1BF5;
	[smem:$0x3FBC] =	sst s0  }
0x18: {  	s0 =	sld [smem:$0x3F9F];
	_ =	swait.ge [sflag:s4], $0x0  }
0x19: {  	s7 =	sld [smem:$0x3FA0]  }
0x1a: {  	s8 =	sadd.s32 $0xFFFFE003, lr  }
0x1b: {  	s9 =	sadd.s32 $0xFFFFFEF7, lr;
	s5 =	simm.s32 $0xFFFFFFFF;
	p2 =	slt.u32 s8, $0xFFFFF086  }
0x1c: {  	p1 =	slt.u32 s9, $0xF7A;
	s5 =	simm.s32 @!p2 $0x0  }
0x1d: {  	s5 =	simm.s32 @p1 $0x1;
	p0 =	seq.s32 s7, s2  }
0x1e: {  	s7 =	smul.u32 @!p0 $0xF7A, s2;
	p2 =	seq.s32 @!p0 s5, $0x0  }
0x1f: {  	s9 =	smul.u32 $0xF7A, s1;
	s8 =	simm.s32 @!p0 $0x1BF5;
	p2 =	por !p2, p0  }
0x20: {  	[sflag:s8] =	ssyncset.s32 @!p0 $0xFFFFF086;
	s6 =	sadd.s32 @!p0 s3, s7;
	s7 =	simm.s32 @!p0 $0x108  }
0x21: {  	s3 =	sadd.s32 s3, s9;
	s6 =	sadd.s32 @!p0 $0x88, s6;
	s7 =	simm.s32 @p2 $0x1082  }
0x22: {  	[simem:s7], [sflag:s8] =	dma.local @!p0 [hbm:s6], $0xF7A  }
0x23: {  	s9 =	sor.u32 $0xD0000000, s2;
	s6 =	simm.s32 $0x108;
	_ =	swait.ge @!p0 [sflag:s8], $0x0  }
0x24: {  	s3 =	sadd.s32 $0x88, s3;
	s6 =	simm.s32 @!p1 $0x1082;
	[sflag:s4] =	ssyncset.s32 $0xFFFFF086  }
0x25: {  	[simem:s6], [sflag:s4] =	dma.local [hbm:s3], $0xF7A  }
0x26: {  	[smem:$0x3FA0] =	sst s1;
	(tag) =	ssettag s2;
	_ =	strace s9  }
0x27: {  	s1 =	sld [smem:$0x3FB0]  }
0x28: {  	s2 =	sld [smem:$0x3FB1]  }
0x29: {  	s4 =	sld [smem:$0x3FB3]  }
0x2a: {  	p0 =	seq.s32 s5, $0x0;
	s5 =	sld [smem:$0x3FB4]  }
0x2b: {  	s6 =	sld [smem:$0x3FB5]  }
0x2c: {  	s7 =	sld [smem:$0x3FB6]  }
0x2d: {  	s3 =	simm.s32 $0x108;
	s8 =	sld [smem:$0x3FB7]  }
0x2e: {  	s3 =	simm.s32 @!p0 $0x1082;
	s9 =	sld [smem:$0x3FB8]  }
0x2f: {  	lr =	sadd.s32 s0, s3;
	s0 =	sld [smem:$0x3FAF]  }
0x30: {  	s3 =	sld [smem:$0x3FB2]  }
0x31: {  	[smem:$0x3FBB] =	sst s10  }
0x32: {  	s10 =	sld [smem:$0x3FB9];
	_ =	sdelay $0x3  }
0x33: {  	p0 =	seq.s32 s10, $0x1;
	s10 =	sld [smem:$0x3FBB];
	_ =	sdelay $0x3  }
0x34: {  	[smem:$0x3FBB] =	sst s10  }
0x35: {  	s10 =	sld [smem:$0x3FBA];
	_ =	sdelay $0x3  }
0x36: {  	p1 =	seq.s32 s10, $0x1;
	s10 =	sld [smem:$0x3FBB];
	_ =	sdelay $0x3  }
0x37: {  	[smem:$0x3FBB] =	sst s10  }
0x38: {  	s10 =	sld [smem:$0x3FBC]  }
0x39: {  	_ = 	snop;
	(pc) =	sbr.ind lr, $3  }
0x3a: {  	_ = 	snop  }
0x3b: {  	_ = 	snop  }
0x3c: {  	p2 =	seq.s32 s10, $0x1;
	s10 =	sld [smem:$0x3FBB]  }
0x3d: {  	_ =	shalt  }
0x3e: {  	_ =	shalt  }
0x3f: {  	_ =	shalt  }
0x40: {  	_ =	shalt  }
0x41: {  	_ =	shalt  }
0x42: {  	_ =	shalt  }
0x43: {  	_ =	shalt  }
0x44: {  	_ =	shalt  }
0x45: {  	_ =	shalt  }
0x46: {  	_ =	shalt  }
0x47: {  	_ =	shalt  }
0x48: {  	_ =	shalt  }
0x49: {  	_ =	shalt  }
0x4a: {  	_ =	shalt  }
0x4b: {  	_ =	shalt  }
0x4c: {  	_ =	shalt  }
0x4d: {  	_ =	shalt  }
0x4e: {  	_ =	shalt  }
0x4f: {  	_ =	shalt  }
0x50: {  	_ =	shalt  }
0x51: {  	_ =	shalt  }
0x52: {  	_ =	shalt  }
0x53: {  	_ =	shalt  }
0x54: {  	_ =	shalt  }
0x55: {  	_ =	shalt  }
0x56: {  	_ =	shalt  }
0x57: {  	_ =	shalt  }
0x58: {  	_ =	shalt  }
0x59: {  	_ =	shalt  }
0x5a: {  	_ =	shalt  }
0x5b: {  	_ =	shalt  }
0x5c: {  	_ =	shalt  }
0x5d: {  	_ =	shalt  }
0x5e: {  	_ =	shalt  }
0x5f: {  	_ =	shalt  }
0x60: {  	_ =	shalt  }
0x61: {  	_ =	shalt  }
0x62: {  	_ =	shalt  }
0x63: {  	_ =	shalt  }
0x64: {  	_ =	shalt  }
0x65: {  	_ =	shalt  }
0x66: {  	_ =	shalt  }
0x67: {  	_ =	shalt  }
0x68: {  	_ =	shalt  }
0x69: {  	_ =	shalt  }
0x6a: {  	_ =	shalt  }
0x6b: {  	_ =	shalt  }
0x6c: {  	_ =	shalt  }
0x6d: {  	_ =	shalt  }
0x6e: {  	_ =	shalt  }
0x6f: {  	_ =	shalt  }
0x70: {  	_ =	shalt  }
0x71: {  	_ =	shalt  }
0x72: {  	_ =	shalt  }
0x73: {  	_ =	shalt  }
0x74: {  	_ =	shalt  }
0x75: {  	_ =	shalt  }
0x76: {  	_ =	shalt  }
0x77: {  	_ =	shalt  }
0x78: {  	_ =	shalt  }
0x79: {  	_ =	shalt  }
0x7a: {  	_ =	shalt  }
0x7b: {  	_ =	shalt  }
0x7c: {  	_ =	shalt  }
0x7d: {  	_ =	shalt  }
0x7e: {  	_ =	shalt  }
0x7f: {  	_ =	shalt  }
0x80: {  	_ =	shalt  }
0x81: {  	_ =	shalt  }
0x82: {  	_ =	shalt  }
0x83: {  	_ =	shalt  }
0x84: {  	_ =	shalt  }
0x85: {  	_ =	shalt  }
0x86: {  	_ =	shalt  }
0x87: {  	_ =	shalt  }
.Lfunc_end0:
.L_simem_size_0:
called_computation_lowered:
.L_overlay_start_0:
0x88: {  	s2 =	sld [smem:$0x3FD9]  }
0x89: {  	s3 =	sld [smem:$0x3FFE];
	_ =	sdelay $0x1  }
0x8a: {  	s1 =	srdreg.scid  }
0x8b: {  	s0 =	sand.u32 $0x1, s1  }
0x8c: {  	s17 =	sshll.u32 s0, $0xA;
	s2 =	sadd.s32 s3, s2  }
0x8d: {  	s2 =	sadd.s32 s2, s17  }
0x8e: {  	[smem:$0x3FC7] =	sst s2  }
0x8f: {  	_ = 	snop  }
0x90: {  	s2 =	sld [smem:$0x3FC9];
	(tm) =	ssettm $0x1  }
0x91: {  	s18 =	sld [smem:$0x3FFB];
	_ =	sdelay $0x3  }
0x92: {  	_ =	strace s18  }
0x93: {  	s3 =	sld [smem:$0x3FFC];
	_ =	sdelay $0x3  }
0x94: {  	_ =	strace s3  }
0x95: {  	s3 =	sld [smem:$0x3FFD];
	_ =	sdelay $0x3  }
0x96: {  	_ =	strace s3  }
0x97: {  	_ =	strace $0x8FFFFFFF  }
0x98: {  	s19 =	sld [smem:$0x3FDB];
	_ =	sdelay $0x1  }
0x99: {  	s4 =	simm.s32 $_scs_section_size  }
0x9a: {  	s5 =	simm.s32 $_size__tile_overlayer_lowered;
	s6 =	simm.s32 $_tile_overlayer_lowered  }
0x9b: {  	s22 =	simm.s32 $0x1BFF;
	s21 =	sshll.u32 s6, $0x1;
	s3 =	sadd.s32 s4, s19  }
0x9c: {  	s7 =	simm.s32 $0x0;
	s20 =	sshll.u32 s5, $0x1;
	s5 =	sadd.s32 s21, s3  }
0x9d: {  	[timem:s7], [sflag:s22] =	dma.local [hbm:s5], s20  }
0x9e: {  	_ =	swait.ge [sflag:s22], s20  }
0x9f: {  	s4 =	ssub.s32 $0x0, s20;
	[sflag:s22] =	ssyncset.done $0x0  }
0xa0: {  	[sflag:s22] =	ssyncadd.s32 s4;
	_ =	sdelay $0x1  }
0xa1: {  	s23 =	simm.s32 $0x1B8B  }
0xa2: {  	_ =	swait.ge [sflag:s23], $0x1  }
0xa3: {  	[sflag:s23] =	ssyncset.done $0x0  }
0xa4: {  	s25 =	simm.s32 $0x1B8E;
	s24 =	sld [smem:$0x3FFE];
	[sflag:s23] =	ssyncadd.s32 $0xFFFFFFFF  }
0xa5: {  	s26 =	simm.s32 $execute0_lowered;
	[smem:$0x3FD2] =	sst s25  }
0xa6: {  	s5 =	sshll.u32 s26, $0x1;
	_ =	strace $0x80000046;
	[dreg:$0x1] =	wrdreg $0xFFFFFFFF  }
0xa7: {  	s28 =	simm.s32 $_size_execute0_lowered;
	s3 =	sadd.s32 s3, s5;
	[dreg:$0x0] =	wrdreg $0x0  }
0xa8: {  	s5 =	sshll.u32 s28, $0x1;
	[dreg:$0x2] =	wrdreg s3  }
0xa9: {  	[dreg:$0x3] =	wrdreg s5  }
0xaa: {  	[dreg:$0x4] =	wrdreg $0xC0  }
0xab: {  	_ =	task [dreg:s7], $0x5FFFF  }
0xac: {  	[dreg:$0x1] =	wrdreg $0xFFFFFFFF  }
0xad: {  	[dreg:$0x0] =	wrdreg $0x60  }
0xae: {  	[dreg:$0x2] =	wrdreg s2  }
0xaf: {  	[dreg:$0x3] =	wrdreg s24  }
0xb0: {  	[dreg:$0x4] =	wrdreg $0x9  }
0xb1: {  	_ =	task.clear_ibuf [dreg:s7], $0x5FFFF;
	_ =	strace $0x90000046  }
0xb2: {  	s29 =	simm.s32 $0x9;
	_ =	strace $0x80000048  }
0xb3: {  	_ =	swait.ge [sflag:s29], $0x1  }
0xb4: {  	[sflag:s29] =	ssyncadd.s32 $0xFFFFFFFF  }
0xb5: {  	_ =	strace $0x90000048  }
0xb6: {  	_ =	sfence  }
0xb7: {  	s30 =	sld [smem:$0x0];
	_ =	sdelay $0x2  }
0xb8: {  	s31 =	sshll.u32 s1, $0xD;
	s1 =	sshrl.u32 s1, $0x2  }
0xb9: {  	s3 =	sand.u32 $0x4000, s31;
	s1 =	sadd.s32 s1, s30  }
0xba: {  	s0 =	sor.u32 s3, s0;
	s1 =	sshll.u32 s1, $0x11  }
0xbb: {  	s0 =	sor.u32 s1, s0  }
0xbc: {  	s0 =	sadd.s32 $0x8F2B, s0  }
0xbd: {  	[sflag:s0] =	ssyncadd.remote.s32 $0x1  }
0xbe: {  	_ =	sfence.sel $0xFFFF  }
0xbf: {  	[dreg:$0x0] =	wrdreg $0xFFFFFFFF;
	(pc) =	sbr.abs _section_cstart, $3  }
0xc0: {  	[dreg:$0x1] =	wrdreg $0xFFFFFFFF  }
0xc1: {  	_ =	task.clear_ibuf [dreg:s7], $0x2FFFF;
	_ =	strace $0x9FFFFFFF  }
0xc2: {  	(tm) =	ssettm $0x7FFFFFFF  }
0xc3: {  	_ =	shalt  }
tec
execute0_lowered:
.L_overlay_start_1:
0x0: {  	(tag) =	ssettag $0x1  }
0x1: {  	s5 =	rddreg [dreg:$0x0]  }
0x2: {  	s3 =	rddreg [dreg:$0x1];
	s2 =	simm.s32 $0x0  }
0x3: {  	[smem:$0x7FF] =	sst s2  }
0x4: {  	s0 =	rddreg [dreg:$0x2];
	v0 =	vimm.f32 $1.000000010e-01;
	_ =	strace $0x80000047  }
0x5: {  	s4 =	srdreg.scid;
	(erf) = vrcp.f32 v0  }
0x6: {  	s1 =	stileid.u32;
	s10 =	simm.s32 $0x8000;
	s11 =	simm.s32 $0x2000  }
0x7: {  	s12 =	simm.s32 $0x4000;
	s13 =	simm.s32 $0x1;
	s14 =	simm.s32 $0x2  }
0x8: {  	s15 =	simm.s32 $0x3;
	s4 =	sand.u32 $0x1, s4;
	s6 =	sshll.u32 s1, $0x1  }
0x9: {  	s16 =	simm.s32 $0x4;
	s17 =	simm.s32 $0x8200;
	s6 =	sor.u32 s4, s6  }
0xa: {  	s18 =	simm.s32 $0x0;
	s4 =	ssub.s32 $0x2, s4;
	s7 =	sshll.u32 s6, $0x4  }
0xb: {  	s8 =	sshrl.u32 s4, $0x1;
	s9 =	sshll.u32 s6, $0x10;
	s6 =	smul.u32 $0x10080, s6  }
0xc: {  	s7 =	sadd.s32 s7, s3;
	s8 =	ssub.s32 s4, s8;
	s3 =	sadd.s32 s5, s9  }
0xd: {  	v0 =	vlaneseq.u32;
	s9 =	simm.s32 $0x400;
	s4 =	sadd.s32 $0x8000, s3;
	s5 =	sadd.s32 s5, s6  }
0xe: {  	v2 =	vimm.s32 $0x0;
	v3 =	vmul.u32 $0x80, v0;
	s6 =	sadd.s32 $0x80, s3;
	s7 =	sadd.s32 $0x400, s7;
	s8 =	smax.u32 s8, $0x1;
	v1 =	vpop (erf)  }
.LBB2_1:
0xf: {  	[tilespmem:s2], [sflag:$0x2] =	stream.strided.gather [hbm4b:s3+s9], $0x2000, s10, s9, $0x38;
	[tilespmem:$0x8280] =	vst v63  }
0x10: {  	_ = 	snop  }
0x11: {  	[tilespmem:s11], [sflag:$0x3] =	stream.strided.gather [hbm4b:s4+s9], $0x2000, s10, s9, $0x38;
	[tilespmem:$0x8280] =	vst v63  }
0x12: {  	_ = 	snop  }
0x13: {  	[tilespmem:s12], [sflag:$0x1] =	stream.strided.gather [hbm4b:s5+s9], $0x4000, s10, s9, $0x38;
	[tilespmem:$0x8280] =	vst v63  }
0x14: {  	[tilespmem:$0x8180] =	vst v2  }
0x15: {  	[tilespmem:$0x8190] =	vst v2  }
0x16: {  	[tilespmem:$0x81A0] =	vst v2  }
0x17: {  	[tilespmem:$0x81B0] =	vst v2  }
0x18: {  	[tilespmem:$0x81C0] =	vst v2  }
0x19: {  	[tilespmem:$0x81D0] =	vst v2  }
.Ltmp0:
0x1a: {  	[tilespmem:$0x81E0] =	vst v2;
	(pc) =	sbr.rel .LBB2_2-.Ltmp0, $4  }
0x1b: {  	[smem:$0x0] =	sst s13;
	[tilespmem:$0x81F0] =	vst v2  }
0x1c: {  	_ =	swait.ge [sflag:s14], $0x2000  }
0x1d: {  	[sflag:s14] =	ssyncset.done $0x0  }
0x1e: {  	s19 =	simm.s32 $0x0;
	[sflag:s14] =	ssyncadd.s32 $0xFFFFE000  }
.LBB2_6:
0x1f: {  	s19 =	sadd.s32 $0x1, s19  }
0x20: {  	p0 =	sne.s32 s19, $0x4  }
.Ltmp1:
0x21: {  	s20 =	sld [smem:$0x0];
	(pc) =	sbr.rel @!p0 .LBB2_7-.Ltmp1, $3  }
0x22: {  	_ =	sdelay $0x1  }
0x23: {  	s20 =	sand.u32 s20, s22  }
0x24: {  	[smem:$0x0] =	sst s20  }
.LBB2_2:
.Ltmp2:
0x25: {  	(pc) =	sbr.rel .LBB2_3-.Ltmp2, $4  }
0x26: {  	s20 =	sshll.u32 s19, $0x4  }
0x27: {  	v4 =	vmov s20  }
0x28: {  	s22 =	simm.s32 $0x0;
	v4 =	vshll.u32 v4, $0x7  }
0x29: {  	s21 =	simm.s32 $0xF;
	[smem:$0x80] =	sst s22;
	v4 =	vor.u32 v3, v4  }
.LBB2_5:
0x2a: {  	s21 =	sadd.s32 $0x10, s21  }
0x2b: {  	p0 =	sne.s32 s21, $0x8F  }
.Ltmp3:
0x2c: {  	_ = 	snop;
	(pc) =	sbr.rel @!p0 .LBB2_6-.Ltmp3, $1  }
0x2d: {  	_ =	sdelay $0x3  }
.LBB2_3:
0x2e: {  	p0 =	sne.s32 s22, $0x0  }
.Ltmp4:
0x2f: {  	_ = 	snop;
	(pc) =	sbr.rel @p0 .LBB2_5-.Ltmp4, $2  }
0x30: {  	_ =	sdelay $0x2  }
0x31: {  	s22 =	simm.s32 $0x1  }
0x32: {  	s22 =	sadd.s32 $0xFFFFFFF1, s21  }
0x33: {  	v5 =	vmov s22  }
0x34: {  	v5 =	vand.u32 $0x70, v5  }
0x35: {  	s24 =	sadd.s32 $0xFFFFFFF2, s21;
	v5 =	vbroadcast v5, $0x0  }
0x36: {  	s25 =	sadd.s32 $0xFFFFFFF3, s21;
	v6 =	vmov s24  }
0x37: {  	v10 =	vmov s25;
	v6 =	vand.u32 $0x71, v6;
	v5 =	vor.u32 v4, v5  }
0x38: {  	v10 =	vand.u32 $0x72, v10;
	v6 =	vbroadcast v6, $0x0  }
0x39: {  	v10 =	vbroadcast v10, $0x0  }
0x3a: {  	v6 =	vor.u32 v4, v6  }
0x3b: {  	v7 =	vld [tilespmem:s20+$0x8180];
	v10 =	vor.u32 v4, v10  }
0x3c: {  	s26 =	sadd.s32 $0xFFFFFFF4, s21;
	v5 =	vld.idx.msk [tilespmem:v5+s2+$0x0], $0xffff  }
0x3d: {  	s28 =	sadd.s32 $0xFFFFFFF5, s21;
	v12 =	vmov s26  }
0x3e: {  	v8 =	vld [tilespmem:s20+$0x8000];
	s29 =	sadd.s32 $0xFFFFFFF6, s21;
	s30 =	sadd.s32 $0xFFFFFFF7, s21;
	v40 =	vmov s28;
	v12 =	vand.u32 $0x73, v12  }
0x3f: {  	v14 =	vmov s29;
	v43 =	vmov s30;
	v12 =	vbroadcast v12, $0x0;
	v6 =	vld.idx.msk [tilespmem:v6+s2+$0x0], $0xffff  }
0x40: {  	v42 =	vand.u32 $0x75, v14;
	vm1 =	veq.s32 v7, $0x0;
	vm2 =	veq.s32 v7, $0x1;
	v10 =	vld.idx.msk [tilespmem:v10+s2+$0x0], $0xffff  }
0x41: {  	v9 =	vld [tilespmem:s20+$0x8080];
	v39 =	vor.u32 v4, v12;
	v12 =	vand.u32 $0x74, v40;
	vm0 =	vge.f32 v5, $1.000000000e+00  }
0x42: {  	v11 =	vld [tilespmem:s20+$0x8100];
	vm8 =	vlt.s32 v7, $0x3;
	v12 =	vbroadcast v12, $0x0;
	vm1 =	vmand vm1, vm0  }
0x43: {  	vm9 =	veq.s32 v7, $0x2;
	v8 =	vsel vm1, v5, v8;
	vm1 =	vmand vm8, vm0  }
0x44: {  	v12 =	vor.u32 v4, v12;
	vm10 =	vge.f32 v6, $1.000000000e+00;
	v13 =	vsel vm1, $0x1, v2  }
0x45: {  	vm15 =	vge.f32 v10, $1.000000000e+00;
	vm2 =	vmand vm2, vm0;
	v7 =	vadd.s32 v13, v7  }
0x46: {  	v9 =	vsel vm2, v5, v9;
	vm0 =	vmand vm9, vm0;
	vm13 =	vlt.s32 v7, $0x3  }
0x47: {  	v5 =	vsel vm0, v5, v11;
	v13 =	vbroadcast v42, $0x0;
	vm2 =	vmand vm10, vm13  }
0x48: {  	vm11 =	veq.s32 v7, $0x0;
	vm12 =	veq.s32 v7, $0x1;
	v41 =	vsel vm2, $0x1, v2  }
0x49: {  	v11 =	vld.idx.msk [tilespmem:v39+s2+$0x0], $0xffff;
	vm14 =	veq.s32 v7, $0x2;
	vm1 =	vmand vm10, vm11;
	v7 =	vadd.s32 v41, v7  }
0x4a: {  	v8 =	vsel vm1, v6, v8;
	vm1 =	vmand vm10, vm12;
	vm6 =	vlt.s32 v7, $0x3  }
0x4b: {  	v9 =	vsel vm1, v6, v9;
	vm1 =	vmand vm10, vm14;
	vm2 =	vmand vm15, vm6  }
0x4c: {  	s31 =	sadd.s32 $0xFFFFFFF8, s21;
	v13 =	vor.u32 v4, v13;
	v6 =	vsel vm1, v6, v5;
	v5 =	vsel vm2, $0x1, v2  }
0x4d: {  	v16 =	vmov s31;
	v12 =	vld.idx.msk [tilespmem:v12+s2+$0x0], $0xffff;
	v15 =	vadd.s32 v5, v7;
	v5 =	vand.u32 $0x76, v43  }
0x4e: {  	s23 =	sadd.s32 $0xFFFFFFF9, s21;
	vm2 =	vge.f32 v11, $1.000000000e+00;
	vm3 =	vlt.s32 v15, $0x3;
	v5 =	vbroadcast v5, $0x0  }
0x4f: {  	v48 =	vmov s23;
	s24 =	sadd.s32 $0xFFFFFFFA, s21;
	v47 =	vand.u32 $0x77, v16;
	vm3 =	vmand vm2, vm3  }
0x50: {  	v49 =	vmov s24;
	v45 =	vsel vm3, $0x1, v2;
	v5 =	vor.u32 v4, v5  }
0x51: {  	vm7 =	veq.s32 v7, $0x0;
	vm8 =	veq.s32 v7, $0x1;
	v46 =	vld.idx.msk [tilespmem:v13+s2+$0x0], $0xffff;
	v17 =	vadd.s32 v45, v15  }
0x52: {  	vm6 =	vge.f32 v12, $1.000000000e+00;
	v13 =	vbroadcast v47, $0x0;
	vm9 =	vlt.s32 v17, $0x3  }
0x53: {  	vm10 =	veq.s32 v7, $0x2;
	vm1 =	vmand vm15, vm7;
	vm3 =	vmand vm6, vm9  }
0x54: {  	v44 =	vsel vm1, v10, v8;
	v13 =	vor.u32 v4, v13;
	v7 =	vsel vm3, $0x1, v2  }
0x55: {  	vm1 =	vmand vm15, vm8;
	v18 =	vadd.s32 v7, v17;
	v5 =	vld.idx.msk [tilespmem:v5+s2+$0x0], $0xffff;
	v7 =	vand.u32 $0x78, v48  }
0x56: {  	vm3 =	vge.f32 v46, $1.000000000e+00;
	vm11 =	vlt.s32 v18, $0x3;
	v7 =	vbroadcast v7, $0x0  }
0x57: {  	vm0 =	vmand vm15, vm10;
	v9 =	vsel vm1, v10, v9;
	vm1 =	vmand vm3, vm11  }
0x58: {  	s25 =	sadd.s32 $0xFFFFFFFB, s21;
	v10 =	vsel vm0, v10, v6;
	v6 =	vsel vm1, $0x1, v2;
	v7 =	vor.u32 v4, v7  }
0x59: {  	v20 =	vmov s25;
	v50 =	vand.u32 $0x79, v49;
	v19 =	vadd.s32 v6, v18;
	v6 =	vld.idx.msk [tilespmem:v13+s2+$0x0], $0xffff  }
0x5a: {  	s26 =	sadd.s32 $0xFFFFFFFC, s21;
	s28 =	sadd.s32 $0xFFFFFFFD, s21;
	v13 =	vbroadcast v50, $0x0;
	vm0 =	vge.f32 v5, $1.000000000e+00;
	vm4 =	vlt.s32 v19, $0x3  }
0x5b: {  	v21 =	vmov s26;
	v22 =	vmov s28;
	vm4 =	vmand vm0, vm4  }
0x5c: {  	v20 =	vand.u32 $0x7A, v20;
	v13 =	vor.u32 v4, v13;
	v51 =	vsel vm4, $0x1, v2  }
0x5d: {  	v21 =	vand.u32 $0x7B, v21;
	v20 =	vbroadcast v20, $0x0;
	v16 =	vadd.s32 v51, v19;
	v7 =	vld.idx.msk [tilespmem:v7+s2+$0x0], $0xffff  }
0x5e: {  	v21 =	vbroadcast v21, $0x0;
	vm1 =	vge.f32 v6, $1.000000000e+00;
	vm5 =	vlt.s32 v16, $0x3  }
0x5f: {  	v20 =	vor.u32 v4, v20;
	vm12 =	veq.s32 v15, $0x0;
	vm5 =	vmand vm1, vm5  }
0x60: {  	vm14 =	veq.s32 v15, $0x1;
	vm8 =	veq.s32 v15, $0x2;
	v52 =	vsel vm5, $0x1, v2  }
0x61: {  	vm13 =	vmand vm2, vm12;
	vm15 =	vmand vm2, vm14;
	v13 =	vld.idx.msk [tilespmem:v13+s2+$0x0], $0xffff;
	v15 =	vadd.s32 v52, v16  }
0x62: {  	vm4 =	vmand vm2, vm8;
	vm2 =	vge.f32 v7, $1.000000000e+00;
	vm9 =	vlt.s32 v15, $0x3  }
0x63: {  	v26 =	vmov s21;
	v22 =	vand.u32 $0x7C, v22;
	vm5 =	vmand vm2, vm9  }
0x64: {  	v21 =	vor.u32 v4, v21;
	v14 =	vsel vm13, v11, v44;
	v53 =	vsel vm5, $0x1, v2  }
0x65: {  	v20 =	vld.idx.msk [tilespmem:v20+s2+$0x0], $0xffff;
	v9 =	vsel vm15, v11, v9;
	v10 =	vsel vm4, v11, v10;
	v11 =	vadd.s32 v53, v15  }
0x66: {  	s29 =	sadd.s32 $0xFFFFFFFE, s21;
	s30 =	sadd.s32 $0xFFFFFFFF, s21;
	v22 =	vbroadcast v22, $0x0;
	vm4 =	vge.f32 v13, $1.000000000e+00;
	vm7 =	vlt.s32 v11, $0x3  }
0x67: {  	v24 =	vmov s29;
	v25 =	vmov s30;
	vm7 =	vmand vm4, vm7  }
0x68: {  	v24 =	vand.u32 $0x7D, v24;
	v22 =	vor.u32 v4, v22;
	v23 =	vsel vm7, $0x1, v2  }
0x69: {  	v25 =	vand.u32 $0x7E, v25;
	v24 =	vbroadcast v24, $0x0;
	v21 =	vld.idx.msk [tilespmem:v21+s2+$0x0], $0xffff;
	v23 =	vadd.s32 v23, v11  }
0x6a: {  	v25 =	vbroadcast v25, $0x0;
	vm5 =	vge.f32 v20, $1.000000000e+00;
	vm8 =	vlt.s32 v23, $0x3  }
0x6b: {  	v24 =	vor.u32 v4, v24;
	vm10 =	veq.s32 v17, $0x0;
	vm8 =	vmand vm5, vm8  }
0x6c: {  	vm12 =	veq.s32 v17, $0x1;
	vm14 =	veq.s32 v17, $0x2;
	v54 =	vsel vm8, $0x1, v2  }
0x6d: {  	v22 =	vld.idx.msk [tilespmem:v22+s2+$0x0], $0xffff;
	vm13 =	vmand vm6, vm12;
	vm11 =	vmand vm6, vm10;
	v17 =	vadd.s32 v54, v23  }
0x6e: {  	vm7 =	vmand vm6, vm14;
	vm6 =	vge.f32 v21, $1.000000000e+00;
	vm15 =	vlt.s32 v17, $0x3  }
0x6f: {  	v26 =	vand.u32 $0x7F, v26;
	v14 =	vsel vm11, v12, v14;
	vm11 =	vmand vm6, vm15  }
0x70: {  	v26 =	vbroadcast v26, $0x0;
	v25 =	vor.u32 v4, v25;
	v55 =	vsel vm11, $0x1, v2  }
0x71: {  	v24 =	vld.idx.msk [tilespmem:v24+s2+$0x0], $0xffff;
	v9 =	vsel vm13, v12, v9;
	v10 =	vsel vm7, v12, v10;
	v12 =	vadd.s32 v55, v17  }
0x72: {  	vm9 =	veq.s32 v18, $0x0;
	vm7 =	vge.f32 v22, $1.000000000e+00;
	vm10 =	vlt.s32 v12, $0x3  }
0x73: {  	v26 =	vor.u32 v4, v26;
	vm9 =	vmand vm3, vm9;
	vm10 =	vmand vm7, vm10  }
0x74: {  	vm12 =	veq.s32 v18, $0x1;
	v14 =	vsel vm9, v46, v14;
	v56 =	vsel vm10, $0x1, v2  }
0x75: {  	v25 =	vld.idx.msk [tilespmem:v25+s2+$0x0], $0xffff;
	vm8 =	vmand vm3, vm12;
	vm11 =	veq.s32 v18, $0x2;
	v18 =	vadd.s32 v56, v12  }
0x76: {  	vm13 =	vmand vm3, vm11;
	vm3 =	vge.f32 v24, $1.000000000e+00;
	vm14 =	vlt.s32 v18, $0x3  }
0x77: {  	vm12 =	veq.s32 v19, $0x1;
	vm15 =	veq.s32 v19, $0x0;
	vm9 =	vmand vm3, vm14  }
0x78: {  	v9 =	vsel vm8, v46, v9;
	vm8 =	vmand vm0, vm15;
	v57 =	vsel vm9, $0x1, v2  }
0x79: {  	v26 =	vld.idx.msk [tilespmem:v26+s2+$0x0], $0xffff;
	vm15 =	veq.s32 v19, $0x2;
	v8 =	vsel vm13, v46, v10;
	v10 =	vadd.s32 v57, v18  }
0x7a: {  	v14 =	vsel vm8, v5, v14;
	vm8 =	vge.f32 v25, $1.000000000e+00;
	vm14 =	vlt.s32 v10, $0x3  }
0x7b: {  	vm13 =	vmand vm0, vm12;
	vm12 =	veq.s32 v16, $0x0;
	vm9 =	vmand vm8, vm14  }
0x7c: {  	vm0 =	vmand vm0, vm15;
	v9 =	vsel vm13, v5, v9;
	v58 =	vsel vm9, $0x1, v2  }
0x7d: {  	vm13 =	vmand vm1, vm12;
	v5 =	vsel vm0, v5, v8;
	v60 =	vadd.s32 v58, v10  }
0x7e: {  	vm0 =	vge.f32 v26, $1.000000000e+00;
	vm12 =	veq.s32 v16, $0x2;
	vm15 =	vlt.s32 v60, $0x3  }
0x7f: {  	v59 =	vsel vm13, v6, v14;
	vm14 =	veq.s32 v16, $0x1;
	vm10 =	vmand vm0, vm15  }
0x80: {  	vm9 =	vmand vm1, vm14;
	vm1 =	vmand vm1, vm12;
	v61 =	vsel vm10, $0x1, v2  }
0x81: {  	v9 =	vsel vm9, v6, v9;
	v5 =	vsel vm1, v6, v5;
	v6 =	vadd.s32 v61, v60  }
0x82: {  	v16 =	vxor.u32 $0x80000000, v6  }
0x83: {  	vm11 =	veq.s32 v23, $0x1;
	vm13 =	veq.s32 v15, $0x0;
	vm14 =	veq.s32 v15, $0x1;
	(xrf0) =	vmin.scan.msk.u32 $0xffff, v16  }
0x84: {  	vm12 =	veq.s32 v11, $0x0;
	vm1 =	vmand vm2, vm13;
	vm9 =	vmand vm2, vm14  }
0x85: {  	vm13 =	vmand vm4, vm12;
	vm14 =	veq.s32 v11, $0x1;
	vm12 =	vmand vm5, vm11  }
0x86: {  	vm11 =	veq.s32 v12, $0x1;
	v8 =	vsel vm1, v7, v59;
	vm15 =	veq.s32 v15, $0x2  }
0x87: {  	v9 =	vsel vm9, v7, v9;
	vm9 =	veq.s32 v23, $0x0;
	vm1 =	vmand vm2, vm15  }
0x88: {  	vm15 =	veq.s32 v11, $0x2;
	vm2 =	vmand vm4, vm14;
	vm10 =	vmand vm5, vm9  }
0x89: {  	vm14 =	veq.s32 v17, $0x0;
	vm9 =	veq.s32 v17, $0x2;
	v5 =	vsel vm1, v7, v5;
	v63, _, _ =	vpop (xrf0)  }
0x8a: {  	v7 =	vsel vm13, v13, v8;
	v62 =	vsel vm2, v13, v9;
	(v2sf) =	vpush v63, $0xF  }
0x8b: {  	vm1 =	vmand vm4, vm15;
	vm13 =	veq.s32 v23, $0x2;
	vm15 =	veq.s32 v17, $0x1  }
0x8c: {  	v5 =	vsel vm1, v13, v5;
	v7 =	vsel vm10, v20, v7;
	v8 =	vsel vm12, v20, v62  }
0x8d: {  	vm2 =	vmand vm5, vm13;
	vm1 =	vmand vm6, vm14;
	vm5 =	vmand vm6, vm15  }
0x8e: {  	vm10 =	veq.s32 v12, $0x0;
	vm12 =	vmand vm7, vm11;
	vm13 =	veq.s32 v12, $0x2  }
0x8f: {  	vm14 =	veq.s32 v18, $0x0;
	vm15 =	veq.s32 v18, $0x1;
	v5 =	vsel vm2, v20, v5  }
0x90: {  	v7 =	vsel vm1, v21, v7;
	v8 =	vsel vm5, v21, v8;
	vm2 =	vmand vm6, vm9  }
0x91: {  	vm1 =	vmand vm7, vm10;
	vm6 =	vmand vm3, vm15;
	vm9 =	veq.s32 v10, $0x0  }
0x92: {  	vm10 =	veq.s32 v10, $0x1;
	vm15 =	veq.s32 v60, $0x2;
	v5 =	vsel vm2, v21, v5  }
0x93: {  	v7 =	vsel vm1, v22, v7;
	v8 =	vsel vm12, v22, v8;
	vm2 =	vmand vm7, vm13  }
0x94: {  	vm1 =	vmand vm3, vm14;
	vm7 =	veq.s32 v18, $0x2;
	vm11 =	vmand vm8, vm10  }
0x95: {  	vm12 =	veq.s32 v10, $0x2;
	vm13 =	veq.s32 v60, $0x0;
	vm14 =	veq.s32 v60, $0x1  }
0x96: {  	v5 =	vsel vm2, v22, v5;
	v7 =	vsel vm1, v24, v7;
	v8 =	vsel vm6, v24, v8  }
0x97: {  	vm2 =	vmand vm3, vm7;
	vm1 =	vmand vm8, vm9;
	vm3 =	vmand vm0, vm14  }
.Ltmp5:
0x98: {  	v5 =	vsel vm2, v24, v5;
	v7 =	vsel vm1, v25, v7;
	vm1 =	vmand vm0, vm13;
	(pc) =	sbr.rel .LBB2_5-.Ltmp5, $4  }
0x99: {  	[tilespmem:s20+$0x8180] =	vst v6;
	v8 =	vsel vm11, v25, v8;
	vm2 =	vmand vm8, vm12;
	v7 =	vsel vm1, v26, v7;
	s31 =	spop (v2sf)  }
0x9a: {  	s22 =	simm.s32 $0x1;
	vm0 =	vmand vm0, vm15;
	v5 =	vsel vm2, v25, v5;
	v8 =	vsel vm3, v26, v8;
	[tilespmem:s20+$0x8000] =	vst v7;
	p0 =	sgt.u32 s31, $0x80000002  }
0x9b: {  	v5 =	vsel vm0, v26, v5;
	[tilespmem:s20+$0x8080] =	vst v8;
	s22 =	simm.s32 @!p0 $0x0  }
0x9c: {  	[tilespmem:s20+$0x8100] =	vst v5;
	[smem:$0x80] =	sst s22  }
.LBB2_7:
.Ltmp6:
0x9d: {  	(pc) =	sbr.rel .LBB2_8-.Ltmp6, $4  }
0x9e: {  	_ = 	snop  }
0x9f: {  	_ =	swait.ge [sflag:s15], $0x2000  }
0xa0: {  	[sflag:s15] =	ssyncset.done $0x0  }
0xa1: {  	s19 =	simm.s32 $0x4;
	[sflag:s15] =	ssyncadd.s32 $0xFFFFE000  }
.LBB2_12:
0xa2: {  	s19 =	sadd.s32 $0x1, s19  }
0xa3: {  	p0 =	sne.s32 s19, $0x8  }
.Ltmp7:
0xa4: {  	s20 =	sld [smem:$0x0];
	(pc) =	sbr.rel @!p0 .LBB2_13-.Ltmp7, $3  }
0xa5: {  	_ =	sdelay $0x1  }
0xa6: {  	s20 =	sand.u32 s20, s22  }
0xa7: {  	[smem:$0x0] =	sst s20  }
.LBB2_8:
.Ltmp8:
0xa8: {  	(pc) =	sbr.rel .LBB2_9-.Ltmp8, $4  }
0xa9: {  	s20 =	sshll.u32 s19, $0x4  }
0xaa: {  	v4 =	vmov s20  }
0xab: {  	s22 =	simm.s32 $0x0;
	v4 =	vshll.u32 v4, $0x7  }
0xac: {  	s21 =	simm.s32 $0xF;
	[smem:$0x80] =	sst s22;
	v4 =	vor.u32 v3, v4  }
.LBB2_11:
0xad: {  	s21 =	sadd.s32 $0x10, s21  }
0xae: {  	p0 =	sne.s32 s21, $0x8F  }
.Ltmp9:
0xaf: {  	_ = 	snop;
	(pc) =	sbr.rel @!p0 .LBB2_12-.Ltmp9, $1  }
0xb0: {  	_ =	sdelay $0x3  }
.LBB2_9:
0xb1: {  	p0 =	sne.s32 s22, $0x0  }
.Ltmp10:
0xb2: {  	_ = 	snop;
	(pc) =	sbr.rel @p0 .LBB2_11-.Ltmp10, $2  }
0xb3: {  	_ =	sdelay $0x2  }
0xb4: {  	s22 =	simm.s32 $0x1  }
0xb5: {  	s22 =	sadd.s32 $0xFFFFFFF1, s21  }
0xb6: {  	v5 =	vmov s22  }
0xb7: {  	v5 =	vand.u32 $0x70, v5  }
0xb8: {  	s24 =	sadd.s32 $0xFFFFFFF2, s21;
	v5 =	vbroadcast v5, $0x0  }
0xb9: {  	s25 =	sadd.s32 $0xFFFFFFF3, s21;
	v6 =	vmov s24  }
0xba: {  	v10 =	vmov s25;
	v6 =	vand.u32 $0x71, v6;
	v5 =	vor.u32 v4, v5  }
0xbb: {  	v10 =	vand.u32 $0x72, v10;
	v6 =	vbroadcast v6, $0x0  }
0xbc: {  	v10 =	vbroadcast v10, $0x0  }
0xbd: {  	v6 =	vor.u32 v4, v6  }
0xbe: {  	v7 =	vld [tilespmem:s20+$0x8180];
	v10 =	vor.u32 v4, v10  }
0xbf: {  	s26 =	sadd.s32 $0xFFFFFFF4, s21;
	v5 =	vld.idx.msk [tilespmem:v5+s2+$0x0], $0xffff  }
0xc0: {  	s28 =	sadd.s32 $0xFFFFFFF5, s21;
	v12 =	vmov s26  }
0xc1: {  	v8 =	vld [tilespmem:s20+$0x8000];
	s29 =	sadd.s32 $0xFFFFFFF6, s21;
	s30 =	sadd.s32 $0xFFFFFFF7, s21;
	v40 =	vmov s28;
	v12 =	vand.u32 $0x73, v12  }
0xc2: {  	v14 =	vmov s29;
	v43 =	vmov s30;
	v12 =	vbroadcast v12, $0x0;
	v6 =	vld.idx.msk [tilespmem:v6+s2+$0x0], $0xffff  }
0xc3: {  	v42 =	vand.u32 $0x75, v14;
	vm1 =	veq.s32 v7, $0x0;
	vm2 =	veq.s32 v7, $0x1;
	v10 =	vld.idx.msk [tilespmem:v10+s2+$0x0], $0xffff  }
0xc4: {  	v9 =	vld [tilespmem:s20+$0x8080];
	v39 =	vor.u32 v4, v12;
	v12 =	vand.u32 $0x74, v40;
	vm0 =	vge.f32 v5, $1.000000000e+00  }
0xc5: {  	v11 =	vld [tilespmem:s20+$0x8100];
	vm8 =	vlt.s32 v7, $0x3;
	v12 =	vbroadcast v12, $0x0;
	vm1 =	vmand vm1, vm0  }
0xc6: {  	vm9 =	veq.s32 v7, $0x2;
	v8 =	vsel vm1, v5, v8;
	vm1 =	vmand vm8, vm0  }
0xc7: {  	v12 =	vor.u32 v4, v12;
	vm10 =	vge.f32 v6, $1.000000000e+00;
	v13 =	vsel vm1, $0x1, v2  }
0xc8: {  	vm15 =	vge.f32 v10, $1.000000000e+00;
	vm2 =	vmand vm2, vm0;
	v7 =	vadd.s32 v13, v7  }
0xc9: {  	v9 =	vsel vm2, v5, v9;
	vm0 =	vmand vm9, vm0;
	vm13 =	vlt.s32 v7, $0x3  }
0xca: {  	v5 =	vsel vm0, v5, v11;
	v13 =	vbroadcast v42, $0x0;
	vm2 =	vmand vm10, vm13  }
0xcb: {  	vm11 =	veq.s32 v7, $0x0;
	vm12 =	veq.s32 v7, $0x1;
	v41 =	vsel vm2, $0x1, v2  }
0xcc: {  	v11 =	vld.idx.msk [tilespmem:v39+s2+$0x0], $0xffff;
	vm14 =	veq.s32 v7, $0x2;
	vm1 =	vmand vm10, vm11;
	v7 =	vadd.s32 v41, v7  }
0xcd: {  	v8 =	vsel vm1, v6, v8;
	vm1 =	vmand vm10, vm12;
	vm6 =	vlt.s32 v7, $0x3  }
0xce: {  	v9 =	vsel vm1, v6, v9;
	vm1 =	vmand vm10, vm14;
	vm2 =	vmand vm15, vm6  }
0xcf: {  	s31 =	sadd.s32 $0xFFFFFFF8, s21;
	v13 =	vor.u32 v4, v13;
	v6 =	vsel vm1, v6, v5;
	v5 =	vsel vm2, $0x1, v2  }
0xd0: {  	v16 =	vmov s31;
	v12 =	vld.idx.msk [tilespmem:v12+s2+$0x0], $0xffff;
	v15 =	vadd.s32 v5, v7;
	v5 =	vand.u32 $0x76, v43  }
0xd1: {  	s23 =	sadd.s32 $0xFFFFFFF9, s21;
	vm2 =	vge.f32 v11, $1.000000000e+00;
	vm3 =	vlt.s32 v15, $0x3;
	v5 =	vbroadcast v5, $0x0  }
0xd2: {  	v48 =	vmov s23;
	s24 =	sadd.s32 $0xFFFFFFFA, s21;
	v47 =	vand.u32 $0x77, v16;
	vm3 =	vmand vm2, vm3  }
0xd3: {  	v49 =	vmov s24;
	v45 =	vsel vm3, $0x1, v2;
	v5 =	vor.u32 v4, v5  }
0xd4: {  	vm7 =	veq.s32 v7, $0x0;
	vm8 =	veq.s32 v7, $0x1;
	v46 =	vld.idx.msk [tilespmem:v13+s2+$0x0], $0xffff;
	v17 =	vadd.s32 v45, v15  }
0xd5: {  	vm6 =	vge.f32 v12, $1.000000000e+00;
	v13 =	vbroadcast v47, $0x0;
	vm9 =	vlt.s32 v17, $0x3  }
0xd6: {  	vm10 =	veq.s32 v7, $0x2;
	vm1 =	vmand vm15, vm7;
	vm3 =	vmand vm6, vm9  }
0xd7: {  	v44 =	vsel vm1, v10, v8;
	v13 =	vor.u32 v4, v13;
	v7 =	vsel vm3, $0x1, v2  }
0xd8: {  	vm1 =	vmand vm15, vm8;
	v18 =	vadd.s32 v7, v17;
	v5 =	vld.idx.msk [tilespmem:v5+s2+$0x0], $0xffff;
	v7 =	vand.u32 $0x78, v48  }
0xd9: {  	vm3 =	vge.f32 v46, $1.000000000e+00;
	vm11 =	vlt.s32 v18, $0x3;
	v7 =	vbroadcast v7, $0x0  }
0xda: {  	vm0 =	vmand vm15, vm10;
	v9 =	vsel vm1, v10, v9;
	vm1 =	vmand vm3, vm11  }
0xdb: {  	s25 =	sadd.s32 $0xFFFFFFFB, s21;
	v10 =	vsel vm0, v10, v6;
	v6 =	vsel vm1, $0x1, v2;
	v7 =	vor.u32 v4, v7  }
0xdc: {  	v20 =	vmov s25;
	v50 =	vand.u32 $0x79, v49;
	v19 =	vadd.s32 v6, v18;
	v6 =	vld.idx.msk [tilespmem:v13+s2+$0x0], $0xffff  }
0xdd: {  	s26 =	sadd.s32 $0xFFFFFFFC, s21;
	s28 =	sadd.s32 $0xFFFFFFFD, s21;
	v13 =	vbroadcast v50, $0x0;
	vm0 =	vge.f32 v5, $1.000000000e+00;
	vm4 =	vlt.s32 v19, $0x3  }
0xde: {  	v21 =	vmov s26;
	v22 =	vmov s28;
	vm4 =	vmand vm0, vm4  }
0xdf: {  	v20 =	vand.u32 $0x7A, v20;
	v13 =	vor.u32 v4, v13;
	v51 =	vsel vm4, $0x1, v2  }
0xe0: {  	v21 =	vand.u32 $0x7B, v21;
	v20 =	vbroadcast v20, $0x0;
	v16 =	vadd.s32 v51, v19;
	v7 =	vld.idx.msk [tilespmem:v7+s2+$0x0], $0xffff  }
0xe1: {  	v21 =	vbroadcast v21, $0x0;
	vm1 =	vge.f32 v6, $1.000000000e+00;
	vm5 =	vlt.s32 v16, $0x3  }
0xe2: {  	v20 =	vor.u32 v4, v20;
	vm12 =	veq.s32 v15, $0x0;
	vm5 =	vmand vm1, vm5  }
0xe3: {  	vm14 =	veq.s32 v15, $0x1;
	vm8 =	veq.s32 v15, $0x2;
	v52 =	vsel vm5, $0x1, v2  }
0xe4: {  	vm13 =	vmand vm2, vm12;
	vm15 =	vmand vm2, vm14;
	v13 =	vld.idx.msk [tilespmem:v13+s2+$0x0], $0xffff;
	v15 =	vadd.s32 v52, v16  }
0xe5: {  	vm4 =	vmand vm2, vm8;
	vm2 =	vge.f32 v7, $1.000000000e+00;
	vm9 =	vlt.s32 v15, $0x3  }
0xe6: {  	v26 =	vmov s21;
	v22 =	vand.u32 $0x7C, v22;
	vm5 =	vmand vm2, vm9  }
0xe7: {  	v21 =	vor.u32 v4, v21;
	v14 =	vsel vm13, v11, v44;
	v53 =	vsel vm5, $0x1, v2  }
0xe8: {  	v20 =	vld.idx.msk [tilespmem:v20+s2+$0x0], $0xffff;
	v9 =	vsel vm15, v11, v9;
	v10 =	vsel vm4, v11, v10;
	v11 =	vadd.s32 v53, v15  }
0xe9: {  	s29 =	sadd.s32 $0xFFFFFFFE, s21;
	s30 =	sadd.s32 $0xFFFFFFFF, s21;
	v22 =	vbroadcast v22, $0x0;
	vm4 =	vge.f32 v13, $1.000000000e+00;
	vm7 =	vlt.s32 v11, $0x3  }
0xea: {  	v24 =	vmov s29;
	v25 =	vmov s30;
	vm7 =	vmand vm4, vm7  }
0xeb: {  	v24 =	vand.u32 $0x7D, v24;
	v22 =	vor.u32 v4, v22;
	v23 =	vsel vm7, $0x1, v2  }
0xec: {  	v25 =	vand.u32 $0x7E, v25;
	v24 =	vbroadcast v24, $0x0;
	v21 =	vld.idx.msk [tilespmem:v21+s2+$0x0], $0xffff;
	v23 =	vadd.s32 v23, v11  }
0xed: {  	v25 =	vbroadcast v25, $0x0;
	vm5 =	vge.f32 v20, $1.000000000e+00;
	vm8 =	vlt.s32 v23, $0x3  }
0xee: {  	v24 =	vor.u32 v4, v24;
	vm10 =	veq.s32 v17, $0x0;
	vm8 =	vmand vm5, vm8  }
0xef: {  	vm12 =	veq.s32 v17, $0x1;
	vm14 =	veq.s32 v17, $0x2;
	v54 =	vsel vm8, $0x1, v2  }
0xf0: {  	v22 =	vld.idx.msk [tilespmem:v22+s2+$0x0], $0xffff;
	vm13 =	vmand vm6, vm12;
	vm11 =	vmand vm6, vm10;
	v17 =	vadd.s32 v54, v23  }
0xf1: {  	vm7 =	vmand vm6, vm14;
	vm6 =	vge.f32 v21, $1.000000000e+00;
	vm15 =	vlt.s32 v17, $0x3  }
0xf2: {  	v26 =	vand.u32 $0x7F, v26;
	v14 =	vsel vm11, v12, v14;
	vm11 =	vmand vm6, vm15  }
0xf3: {  	v26 =	vbroadcast v26, $0x0;
	v25 =	vor.u32 v4, v25;
	v55 =	vsel vm11, $0x1, v2  }
0xf4: {  	v24 =	vld.idx.msk [tilespmem:v24+s2+$0x0], $0xffff;
	v9 =	vsel vm13, v12, v9;
	v10 =	vsel vm7, v12, v10;
	v12 =	vadd.s32 v55, v17  }
0xf5: {  	vm9 =	veq.s32 v18, $0x0;
	vm7 =	vge.f32 v22, $1.000000000e+00;
	vm10 =	vlt.s32 v12, $0x3  }
0xf6: {  	v26 =	vor.u32 v4, v26;
	vm9 =	vmand vm3, vm9;
	vm10 =	vmand vm7, vm10  }
0xf7: {  	vm12 =	veq.s32 v18, $0x1;
	v14 =	vsel vm9, v46, v14;
	v56 =	vsel vm10, $0x1, v2  }
0xf8: {  	v25 =	vld.idx.msk [tilespmem:v25+s2+$0x0], $0xffff;
	vm8 =	vmand vm3, vm12;
	vm11 =	veq.s32 v18, $0x2;
	v18 =	vadd.s32 v56, v12  }
0xf9: {  	vm13 =	vmand vm3, vm11;
	vm3 =	vge.f32 v24, $1.000000000e+00;
	vm14 =	vlt.s32 v18, $0x3  }
0xfa: {  	vm12 =	veq.s32 v19, $0x1;
	vm15 =	veq.s32 v19, $0x0;
	vm9 =	vmand vm3, vm14  }
0xfb: {  	v9 =	vsel vm8, v46, v9;
	vm8 =	vmand vm0, vm15;
	v57 =	vsel vm9, $0x1, v2  }
0xfc: {  	v26 =	vld.idx.msk [tilespmem:v26+s2+$0x0], $0xffff;
	vm15 =	veq.s32 v19, $0x2;
	v8 =	vsel vm13, v46, v10;
	v10 =	vadd.s32 v57, v18  }
0xfd: {  	v14 =	vsel vm8, v5, v14;
	vm8 =	vge.f32 v25, $1.000000000e+00;
	vm14 =	vlt.s32 v10, $0x3  }
0xfe: {  	vm13 =	vmand vm0, vm12;
	vm12 =	veq.s32 v16, $0x0;
	vm9 =	vmand vm8, vm14  }
0xff: {  	vm0 =	vmand vm0, vm15;
	v9 =	vsel vm13, v5, v9;
	v58 =	vsel vm9, $0x1, v2  }
0x100: {  	vm13 =	vmand vm1, vm12;
	v5 =	vsel vm0, v5, v8;
	v60 =	vadd.s32 v58, v10  }
0x101: {  	vm0 =	vge.f32 v26, $1.000000000e+00;
	vm12 =	veq.s32 v16, $0x2;
	vm15 =	vlt.s32 v60, $0x3  }
0x102: {  	v59 =	vsel vm13, v6, v14;
	vm14 =	veq.s32 v16, $0x1;
	vm10 =	vmand vm0, vm15  }
0x103: {  	vm9 =	vmand vm1, vm14;
	vm1 =	vmand vm1, vm12;
	v61 =	vsel vm10, $0x1, v2  }
0x104: {  	v9 =	vsel vm9, v6, v9;
	v5 =	vsel vm1, v6, v5;
	v6 =	vadd.s32 v61, v60  }
0x105: {  	v16 =	vxor.u32 $0x80000000, v6  }
0x106: {  	vm11 =	veq.s32 v23, $0x1;
	vm13 =	veq.s32 v15, $0x0;
	vm14 =	veq.s32 v15, $0x1;
	(xrf0) =	vmin.scan.msk.u32 $0xffff, v16  }
0x107: {  	vm12 =	veq.s32 v11, $0x0;
	vm1 =	vmand vm2, vm13;
	vm9 =	vmand vm2, vm14  }
0x108: {  	vm13 =	vmand vm4, vm12;
	vm14 =	veq.s32 v11, $0x1;
	vm12 =	vmand vm5, vm11  }
0x109: {  	vm11 =	veq.s32 v12, $0x1;
	v8 =	vsel vm1, v7, v59;
	vm15 =	veq.s32 v15, $0x2  }
0x10a: {  	v9 =	vsel vm9, v7, v9;
	vm9 =	veq.s32 v23, $0x0;
	vm1 =	vmand vm2, vm15  }
0x10b: {  	vm15 =	veq.s32 v11, $0x2;
	vm2 =	vmand vm4, vm14;
	vm10 =	vmand vm5, vm9  }
0x10c: {  	vm14 =	veq.s32 v17, $0x0;
	vm9 =	veq.s32 v17, $0x2;
	v5 =	vsel vm1, v7, v5;
	v63, _, _ =	vpop (xrf0)  }
0x10d: {  	v7 =	vsel vm13, v13, v8;
	v62 =	vsel vm2, v13, v9;
	(v2sf) =	vpush v63, $0xF  }
0x10e: {  	vm1 =	vmand vm4, vm15;
	vm13 =	veq.s32 v23, $0x2;
	vm15 =	veq.s32 v17, $0x1  }
0x10f: {  	v5 =	vsel vm1, v13, v5;
	v7 =	vsel vm10, v20, v7;
	v8 =	vsel vm12, v20, v62  }
0x110: {  	vm2 =	vmand vm5, vm13;
	vm1 =	vmand vm6, vm14;
	vm5 =	vmand vm6, vm15  }
0x111: {  	vm10 =	veq.s32 v12, $0x0;
	vm12 =	vmand vm7, vm11;
	vm13 =	veq.s32 v12, $0x2  }
0x112: {  	vm14 =	veq.s32 v18, $0x0;
	vm15 =	veq.s32 v18, $0x1;
	v5 =	vsel vm2, v20, v5  }
0x113: {  	v7 =	vsel vm1, v21, v7;
	v8 =	vsel vm5, v21, v8;
	vm2 =	vmand vm6, vm9  }
0x114: {  	vm1 =	vmand vm7, vm10;
	vm6 =	vmand vm3, vm15;
	vm9 =	veq.s32 v10, $0x0  }
0x115: {  	vm10 =	veq.s32 v10, $0x1;
	vm15 =	veq.s32 v60, $0x2;
	v5 =	vsel vm2, v21, v5  }
0x116: {  	v7 =	vsel vm1, v22, v7;
	v8 =	vsel vm12, v22, v8;
	vm2 =	vmand vm7, vm13  }
0x117: {  	vm1 =	vmand vm3, vm14;
	vm7 =	veq.s32 v18, $0x2;
	vm11 =	vmand vm8, vm10  }
0x118: {  	vm12 =	veq.s32 v10, $0x2;
	vm13 =	veq.s32 v60, $0x0;
	vm14 =	veq.s32 v60, $0x1  }
0x119: {  	v5 =	vsel vm2, v22, v5;
	v7 =	vsel vm1, v24, v7;
	v8 =	vsel vm6, v24, v8  }
0x11a: {  	vm2 =	vmand vm3, vm7;
	vm1 =	vmand vm8, vm9;
	vm3 =	vmand vm0, vm14  }
.Ltmp11:
0x11b: {  	v5 =	vsel vm2, v24, v5;
	v7 =	vsel vm1, v25, v7;
	vm1 =	vmand vm0, vm13;
	(pc) =	sbr.rel .LBB2_11-.Ltmp11, $4  }
0x11c: {  	[tilespmem:s20+$0x8180] =	vst v6;
	v8 =	vsel vm11, v25, v8;
	vm2 =	vmand vm8, vm12;
	v7 =	vsel vm1, v26, v7;
	s31 =	spop (v2sf)  }
0x11d: {  	s22 =	simm.s32 $0x1;
	vm0 =	vmand vm0, vm15;
	v5 =	vsel vm2, v25, v5;
	v8 =	vsel vm3, v26, v8;
	[tilespmem:s20+$0x8000] =	vst v7;
	p0 =	sgt.u32 s31, $0x80000002  }
0x11e: {  	v5 =	vsel vm0, v26, v5;
	[tilespmem:s20+$0x8080] =	vst v8;
	s22 =	simm.s32 @!p0 $0x0  }
0x11f: {  	[tilespmem:s20+$0x8100] =	vst v5;
	[smem:$0x80] =	sst s22  }
.LBB2_13:
0x120: {  	p0 =	sne.s32 s20, $0x0  }
.Ltmp12:
0x121: {  	_ = 	snop;
	(pc) =	sbr.rel @!p0 .LBB2_14-.Ltmp12, $1  }
0x122: {  	_ =	sdelay $0x3  }
.LBB2_20:
0x123: {  	s19 =	simm.s32 $0x0  }
0x124: {  	v4 =	vmov s19  }
0x125: {  	v4 =	vmul.u32 $0x81, v4;
	_ =	sdelay $0x1  }
0x126: {  	v6 =	vmul.u32 $0x81, v0;
	v4 =	vbroadcast v4, $0x0;
	_ =	sdelay $0x1  }
0x127: {  	_ =	swait.ge [sflag:s13], $0x4000;
	v4 =	vadd.s32 v6, v4  }
0x128: {  	[sflag:s13] =	ssyncset.done $0x0  }
0x129: {  	s23 =	simm.s32 $0x8080;
	[sflag:s13] =	ssyncadd.s32 $0xFFFFC000  }
0x12a: {  	s24 =	simm.s32 $0x8000;
	v5 =	vld [tilespmem:s23+$0x0]  }
0x12b: {  	v7 =	vld [tilespmem:s24+$0x0]  }
0x12c: {  	s20 =	simm.s32 $0x8100;
	v4 =	vld.idx.msk [tilespmem:v4+s12+$0x0], $0xffff  }
0x12d: {  	v8 =	vld [tilespmem:s20+$0x0];
	_ =	sdelay $0x3  }
0x12e: {  	s25 =	simm.s32 $0x10;
	v9 =	vsub.f32 v7, v4  }
0x12f: {  	v11 =	vmov s25;
	v10 =	vsub.f32 v5, v4;
	v4 =	vsub.f32 v8, v4  }
0x130: {  	v11 =	vmul.u32 $0x81, v11;
	v9 =	vadd.f32 $8.000000110e-01, v9  }
0x131: {  	v5 =	vmul.f32 v5, v1;
	v10 =	vadd.f32 $8.000000110e-01, v10;
	v4 =	vadd.f32 $8.000000110e-01, v4  }
0x132: {  	v8 =	vmul.f32 v8, v1;
	v7 =	vmul.f32 v7, v1;
	v12 =	vmax.f32 v9, $0.0e+00  }
0x133: {  	v9 =	vbroadcast v11, $0x0;
	v10 =	vmax.f32 v10, $0.0e+00;
	v11 =	vmax.f32 v4, $0.0e+00  }
0x134: {  	vm0 =	vlt.f32 v12, $0.0e+00;
	vm1 =	vgt.f32 v10, $0.0e+00;
	vm2 =	vgt.f32 v12, $0.0e+00  }
0x135: {  	vm3 =	vlt.f32 v10, $0.0e+00;
	v9 =	vadd.s32 v6, v9;
	vm0 =	vmor vm2, vm0  }
0x136: {  	vm1 =	vmor vm1, vm3;
	vm2 =	vgt.f32 v11, $0.0e+00;
	vm3 =	vlt.f32 v11, $0.0e+00  }
0x137: {  	s28 =	simm.s32 $0x8010;
	v4 =	vnsel vm0, $0x0, v7;
	v5 =	vnsel vm1, $0x0, v5;
	vm0 =	vmor vm2, vm3  }
0x138: {  	s29 =	simm.s32 $0x8110;
	v14 =	vld [tilespmem:s28+$0x0];
	v13 =	vmax.f32 v4, v5;
	v8 =	vnsel vm0, $0x0, v8  }
0x139: {  	v15 =	vld [tilespmem:s29+$0x0];
	v13 =	vmax.f32 v13, v8  }
0x13a: {  	s26 =	simm.s32 $0x8090;
	v4 =	vsub.f32 v4, v13;
	v9 =	vld.idx.msk [tilespmem:v9+s12+$0x0], $0xffff  }
0x13b: {  	v7 =	vld [tilespmem:s26+$0x0];
	v5 =	vsub.f32 v5, v13  }
0x13c: {  	v8 =	vsub.f32 v8, v13;
	v4 =	vmul.f32 $1.442695020e+00, v4  }
0x13d: {  	v5 =	vmul.f32 $1.442695020e+00, v5  }
0x13e: {  	s30 =	simm.s32 $0x20;
	(erf) = vpow2.f32 v4;
	v4 =	vmul.f32 $1.442695020e+00, v8  }
0x13f: {  	v13 =	vmov s30;
	(erf) = vpow2.f32 v5;
	v8 =	vsub.f32 v14, v9  }
0x140: {  	v5 =	vsub.f32 v7, v9;
	v9 =	vsub.f32 v15, v9;
	(erf) = vpow2.f32 v4  }
0x141: {  	v15 =	vmul.f32 v15, v1;
	v4 =	vadd.f32 $8.000000110e-01, v8;
	v8 =	vmul.u32 $0x81, v13  }
0x142: {  	v14 =	vmul.f32 v14, v1;
	v5 =	vadd.f32 $8.000000110e-01, v5;
	v9 =	vadd.f32 $8.000000110e-01, v9  }
0x143: {  	v13 =	vmul.f32 v7, v1;
	v8 =	vbroadcast v8, $0x0  }
0x144: {  	v7 =	vmax.f32 v4, $0.0e+00;
	v4 =	vmax.f32 v5, $0.0e+00;
	v5 =	vmax.f32 v9, $0.0e+00  }
0x145: {  	s31 =	simm.s32 $0x80A0;
	vm0 =	vlt.f32 v7, $0.0e+00;
	vm2 =	vgt.f32 v7, $0.0e+00;
	v8 =	vadd.s32 v6, v8  }
0x146: {  	v16 =	vld [tilespmem:s31+$0x0];
	vm1 =	vgt.f32 v4, $0.0e+00;
	vm3 =	vlt.f32 v4, $0.0e+00;
	vm0 =	vmor vm2, vm0  }
0x147: {  	s19 =	simm.s32 $0x8180;
	vm1 =	vmor vm1, vm3;
	vm2 =	vgt.f32 v5, $0.0e+00;
	vm3 =	vlt.f32 v5, $0.0e+00;
	v17 =	vpop (erf)  }
0x148: {  	s22 =	simm.s32 $0x80B0;
	v20 =	vld [tilespmem:s19+$0x0];
	v18 =	vnsel vm0, $0x0, v14;
	v13 =	vnsel vm1, $0x0, v13;
	vm0 =	vmor vm2, vm3;
	v19 =	vpop (erf)  }
0x149: {  	v9 =	vld [tilespmem:s22+$0x0];
	v21 =	vmax.f32 v18, v13;
	v15 =	vnsel vm0, $0x0, v15;
	v22 =	vadd.f32 v19, v17  }
0x14a: {  	s20 =	simm.s32 $0x8020;
	v12 =	vmul.f32 v17, v12;
	v23 =	vpop (erf);
	v10 =	vmul.f32 v19, v10;
	v19 =	vld.idx.msk [tilespmem:v8+s12+$0x0], $0xffff;
	v8 =	vmax.f32 v21, v15  }
0x14b: {  	s21 =	simm.s32 $0x8120;
	v62 =	vld [tilespmem:s20+$0x0];
	v14 =	vmul.f32 v16, v1;
	v61 =	vadd.f32 v22, v23;
	v17 =	vsub.f32 v18, v8  }
0x14c: {  	v63 =	vld [tilespmem:s21+$0x0];
	v11 =	vmul.f32 v23, v11;
	v10 =	vadd.f32 v10, v12;
	v13 =	vsub.f32 v13, v8  }
0x14d: {  	v15 =	vsub.f32 v15, v8;
	(erf) = vrcp.f32 v61;
	v17 =	vmul.f32 $1.442695020e+00, v17  }
0x14e: {  	vm0 =	vgt.s32 v20, $0x2;
	v12 =	vmul.f32 v9, v1;
	v13 =	vmul.f32 $1.442695020e+00, v13  }
0x14f: {  	v11 =	vadd.f32 v10, v11;
	v15 =	vmul.f32 $1.442695020e+00, v15;
	(erf) = vpow2.f32 v17  }
0x150: {  	v10 =	vsub.f32 v62, v19;
	v16 =	vsub.f32 v16, v19;
	(erf) = vpow2.f32 v13  }
0x151: {  	s23 =	simm.s32 $0x30;
	v8 =	vimm.f32 $0.0e+00;
	v13 =	vsub.f32 v63, v19;
	(erf) = vpow2.f32 v15  }
0x152: {  	v15 =	vmov s23;
	v10 =	vadd.f32 $8.000000110e-01, v10;
	v16 =	vadd.f32 $8.000000110e-01, v16  }
0x153: {  	v18 =	vmul.u32 $0x81, v15;
	v17 =	vadd.f32 $8.000000110e-01, v13;
	v15 =	vmul.f32 v63, v1  }
0x154: {  	s23 =	simm.s32 $0x40;
	v10 =	vmax.f32 v10, $0.0e+00;
	v13 =	vmax.f32 v16, $0.0e+00;
	v16 =	vmul.f32 v62, v1  }
.LBB2_21:
0x155: {  	p0 =	sne.s32 s23, $0x70  }
0x156: {  	v18 =	vbroadcast v18, $0x0;
	vm1 =	vlt.f32 v10, $0.0e+00;
	vm2 =	vgt.f32 v13, $0.0e+00;
	s19 =	sadd.s32 $0x10, s19;
	v19 =	vpop (erf);
	s24 =	smov.u32 s23;
	s23 =	sadd.s32 $0x10, s23  }
0x157: {  	v17 =	vmax.f32 v17, $0.0e+00;
	vm3 =	vgt.f32 v10, $0.0e+00;
	vm4 =	vlt.f32 v13, $0.0e+00  }
0x158: {  	vm1 =	vmor vm3, vm1;
	v11 =	vmul.f32 v19, v11;
	v18 =	vadd.s32 v6, v18  }
0x159: {  	v16 =	vnsel vm1, $0x0, v16;
	vm1 =	vmor vm2, vm4;
	vm2 =	vgt.f32 v17, $0.0e+00;
	v19 =	vpop (erf)  }
0x15a: {  	v20 =	vnsel vm1, $0x0, v14;
	vm1 =	vlt.f32 v17, $0.0e+00;
	v11 =	vnsel vm0, $0x7FC00000, v11;
	v14 =	vpop (erf)  }
0x15b: {  	s22 =	sadd.s32 $0x10, s22;
	vm0 =	vmor vm2, vm1;
	v21 =	vmax.f32 v16, v20;
	v22 =	vadd.f32 v14, v19;
	v23 =	vld [tilespmem:s19+$0x0];
	v24 =	vpop (erf)  }
0x15c: {  	v8 =	vadd.f32 v11, v8;
	v15 =	vnsel vm0, $0x0, v15;
	v26 =	vmul.f32 v14, v4;
	v14 =	vmovc v12;
	v4 =	vmovc v13;
	v25 =	vld [tilespmem:s22+$0x0]  }
0x15d: {  	s20 =	sadd.s32 $0x10, s20;
	v11 =	vmax.f32 v21, v15;
	v13 =	vld.idx.msk [tilespmem:v18+s12+$0x0], $0xffff;
	v12 =	vadd.f32 v22, v24;
	v22 =	vmul.f32 v19, v7  }
0x15e: {  	s21 =	sadd.s32 $0x10, s21;
	v16 =	vsub.f32 v16, v11;
	v18 =	vsub.f32 v20, v11;
	v20 =	vmul.f32 v24, v5;
	v5 =	vmovc v17;
	v19 =	vld [tilespmem:s20+$0x0]  }
0x15f: {  	v11 =	vsub.f32 v15, v11;
	v7 =	vmovc v10;
	v21 =	vld [tilespmem:s21+$0x0];
	v15 =	vadd.f32 v26, v22;
	(erf) = vrcp.f32 v12  }
0x160: {  	v10 =	vmul.f32 $1.442695020e+00, v16;
	v16 =	vmul.f32 $1.442695020e+00, v18  }
0x161: {  	v17 =	vmul.f32 $1.442695020e+00, v11;
	v12 =	vmul.f32 v25, v1;
	v11 =	vadd.f32 v15, v20  }
0x162: {  	(erf) = vpow2.f32 v10  }
.Ltmp13:
0x163: {  	v15 =	vsub.f32 v9, v13;
	v9 =	vmovc v25;
	v10 =	vsub.f32 v19, v13;
	(erf) = vpow2.f32 v16;
	(pc) =	sbr.rel @p0 .LBB2_21-.Ltmp13, $4  }
0x164: {  	vm0 =	vgt.s32 v23, $0x2;
	v13 =	vsub.f32 v21, v13;
	(erf) = vpow2.f32 v17  }
0x165: {  	v16 =	vmov s24;
	v20 =	vadd.f32 $8.000000110e-01, v15;
	v10 =	vadd.f32 $8.000000110e-01, v10  }
0x166: {  	v18 =	vmul.u32 $0x81, v16;
	v15 =	vmul.f32 v21, v1;
	v17 =	vadd.f32 $8.000000110e-01, v13  }
0x167: {  	v16 =	vmul.f32 v19, v1;
	v13 =	vmax.f32 v20, $0.0e+00;
	v10 =	vmax.f32 v10, $0.0e+00  }
0x168: {  	v18 =	vbroadcast v18, $0x0;
	vm1 =	vlt.f32 v10, $0.0e+00  }
0x169: {  	vm2 =	vgt.f32 v13, $0.0e+00;
	vm3 =	vgt.f32 v10, $0.0e+00;
	v17 =	vmax.f32 v17, $0.0e+00  }
0x16a: {  	vm4 =	vlt.f32 v13, $0.0e+00;
	vm1 =	vmor vm3, vm1;
	v6 =	vadd.s32 v6, v18  }
0x16b: {  	v43 =	vpop (erf);
	vm2 =	vmor vm2, vm4;
	vm11 =	vgt.f32 v17, $0.0e+00;
	vm12 =	vlt.f32 v17, $0.0e+00  }
0x16c: {  	v16 =	vnsel vm1, $0x0, v16;
	v14 =	vnsel vm2, $0x0, v14;
	vm13 =	vmor vm11, vm12;
	v19 =	vpop (erf)  }
0x16d: {  	s20 =	sadd.s32 $0x10, s20;
	v21 =	vmax.f32 v16, v14;
	v15 =	vnsel vm13, $0x0, v15;
	v20 =	vpop (erf)  }
0x16e: {  	v24 =	vld [tilespmem:s20+$0x0];
	v21 =	vmax.f32 v21, v15;
	v22 =	vadd.f32 v20, v19  }
0x16f: {  	s31 =	sadd.s32 $0x10, s21;
	v23 =	vpop (erf);
	v16 =	vsub.f32 v16, v21;
	v6 =	vld.idx.msk [tilespmem:v6+s12+$0x0], $0xffff  }
0x170: {  	v25 =	vld [tilespmem:s31+$0x0];
	v14 =	vsub.f32 v14, v21;
	v22 =	vadd.f32 v22, v23  }
0x171: {  	v15 =	vsub.f32 v15, v21;
	v16 =	vmul.f32 $1.442695020e+00, v16  }
0x172: {  	v14 =	vmul.f32 $1.442695020e+00, v14;
	(erf) = vrcp.f32 v22  }
0x173: {  	v15 =	vmul.f32 $1.442695020e+00, v15;
	(erf) = vpow2.f32 v16  }
0x174: {  	(erf) = vpow2.f32 v14;
	v44 =	vsub.f32 v24, v6;
	v9 =	vsub.f32 v9, v6  }
0x175: {  	v6 =	vsub.f32 v25, v6  }
0x176: {  	(erf) = vpow2.f32 v15;
	v45 =	vadd.f32 $8.000000110e-01, v44;
	v9 =	vadd.f32 $8.000000110e-01, v9  }
0x177: {  	v46 =	vmul.f32 v25, v1;
	v6 =	vadd.f32 $8.000000110e-01, v6  }
0x178: {  	v47 =	vmul.f32 v24, v1;
	v14 =	vmax.f32 v45, $0.0e+00;
	v9 =	vmax.f32 v9, $0.0e+00  }
0x179: {  	v6 =	vmax.f32 v6, $0.0e+00;
	vm14 =	vlt.f32 v14, $0.0e+00;
	vm15 =	vgt.f32 v9, $0.0e+00  }
0x17a: {  	vm8 =	vgt.f32 v14, $0.0e+00;
	vm9 =	vlt.f32 v9, $0.0e+00;
	vm10 =	vgt.f32 v6, $0.0e+00  }
0x17b: {  	vm11 =	vlt.f32 v6, $0.0e+00;
	vm1 =	vmor vm8, vm14;
	v48 =	vpop (erf);
	vm2 =	vmor vm15, vm9  }
0x17c: {  	vm12 =	vmor vm10, vm11;
	v16 =	vnsel vm1, $0x0, v47;
	v49 =	vpop (erf);
	v12 =	vnsel vm2, $0x0, v12  }
0x17d: {  	v15 =	vnsel vm12, $0x0, v46;
	v50 =	vpop (erf);
	v51 =	vmax.f32 v16, v12  }
0x17e: {  	v26 =	vadd.f32 v50, v49;
	v25 =	vmax.f32 v51, v15  }
0x17f: {  	v27 =	vpop (erf);
	v16 =	vsub.f32 v16, v25  }
0x180: {  	v12 =	vsub.f32 v12, v25;
	v26 =	vadd.f32 v26, v27  }
0x181: {  	v16 =	vmul.f32 $1.442695020e+00, v16  }
0x182: {  	v15 =	vsub.f32 v15, v25;
	v12 =	vmul.f32 $1.442695020e+00, v12;
	(erf) = vrcp.f32 v26  }
0x183: {  	(erf) = vpow2.f32 v16  }
0x184: {  	v15 =	vmul.f32 $1.442695020e+00, v15;
	(erf) = vpow2.f32 v12;
	_ =	sdelay $0x1  }
0x185: {  	(erf) = vpow2.f32 v15;
	_ =	sdelay $0x4  }
0x186: {  	v52 =	vpop (erf)  }
0x187: {  	v53 =	vpop (erf)  }
0x188: {  	v54 =	vpop (erf)  }
0x189: {  	v55 =	vadd.f32 v54, v53  }
0x18a: {  	v56 =	vpop (erf)  }
0x18b: {  	v25 =	vadd.f32 v55, v56  }
0x18c: {  	v7 =	vmul.f32 v19, v7;
	v4 =	vmul.f32 v20, v4  }
0x18d: {  	(erf) = vrcp.f32 v25  }
0x18e: {  	s19 =	sadd.s32 $0x10, s19;
	v5 =	vmul.f32 v23, v5;
	v4 =	vadd.f32 v4, v7  }
0x18f: {  	v57 =	vld [tilespmem:s19+$0x0];
	v59 =	vmul.f32 v49, v10;
	v58 =	vmul.f32 v50, v13  }
0x190: {  	v11 =	vmul.f32 v43, v11;
	s19 =	sadd.s32 $0x10, s19;
	v4 =	vadd.f32 v4, v5;
	v5 =	vmul.f32 v27, v17  }
0x191: {  	v60 =	vld [tilespmem:s19+$0x0];
	v10 =	vadd.f32 v58, v59;
	v61 =	vmul.f32 v53, v14;
	v9 =	vmul.f32 v54, v9  }
0x192: {  	s19 =	sadd.s32 $0x10, s19;
	v11 =	vnsel vm0, $0x7FC00000, v11;
	v4 =	vmul.f32 v48, v4  }
0x193: {  	v62 =	vld [tilespmem:s19+$0x0];
	v5 =	vadd.f32 v10, v5;
	v6 =	vmul.f32 v56, v6;
	v9 =	vadd.f32 v9, v61  }
0x194: {  	v8 =	vadd.f32 v11, v8;
	vm13 =	vgt.s32 v57, $0x2  }
0x195: {  	v4 =	vnsel vm13, $0x7FC00000, v4;
	v5 =	vmul.f32 v52, v5;
	v6 =	vadd.f32 v9, v6  }
0x196: {  	vm14 =	vgt.s32 v60, $0x2;
	v4 =	vadd.f32 v4, v8;
	v63 =	vpop (erf)  }
0x197: {  	v5 =	vnsel vm14, $0x7FC00000, v5;
	v6 =	vmul.f32 v63, v6  }
0x198: {  	vm15 =	vgt.s32 v62, $0x2;
	v4 =	vadd.f32 v5, v4  }
0x199: {  	v5 =	vnsel vm15, $0x7FC00000, v6  }
0x19a: {  	v4 =	vadd.f32 v5, v4  }
0x19b: {  	s18 =	sadd.s32 $0x1, s18  }
0x19c: {  	p0 =	sne.s32 s18, s8;
	[tilespmem:$0x8200] =	vst v4  }
0x19d: {  	[hbm4b:s7+s2] =	stream.linear.scatter [tilespmem:s17], [sflag:$0x4], $0x80, $0x38;
	[tilespmem:$0x8280] =	vst v63  }
.Ltmp14:
0x19e: {  	_ = 	snop;
	(pc) =	sbr.rel @p0 .LBB2_1-.Ltmp14, $4  }
.Ltmp15:
0x19f: {  	_ = 	snop;
	(pc) =	sbr.rel @!p0 .LBB2_23-.Ltmp15, $4  }
0x1a0: {  	_ =	swait.ge [sflag:s16], $0x80  }
0x1a1: {  	[sflag:s16] =	ssyncset.done $0x0  }
0x1a2: {  	[sflag:s16] =	ssyncadd.s32 $0xFFFFFF80  }
0x1a3: {  	_ = 	snop  }
.LBB2_14:
0x1a4: {  	s19 =	simm.s32 $0x0  }
0x1a5: {  	[tilespmem:s19], [sflag:$0x4] =	stream.strided.gather [hbm4b:s6+s9], $0x4000, s10, s9, $0x38;
	[tilespmem:$0x8280] =	vst v63  }
.Ltmp16:
0x1a6: {  	_ = 	snop;
	(pc) =	sbr.rel .LBB2_15-.Ltmp16, $4  }
0x1a7: {  	_ =	swait.ge [sflag:s16], $0x4000  }
0x1a8: {  	[sflag:s16] =	ssyncset.done $0x0  }
0x1a9: {  	[sflag:s16] =	ssyncadd.s32 $0xFFFFC000  }
0x1aa: {  	[smem:$0x0] =	sst s13  }
.LBB2_19:
0x1ab: {  	s19 =	sadd.s32 $0x1, s19  }
0x1ac: {  	p0 =	sne.s32 s19, $0x8  }
.Ltmp17:
0x1ad: {  	s20 =	sld [smem:$0x0];
	(pc) =	sbr.rel @!p0 .LBB2_20-.Ltmp17, $3  }
0x1ae: {  	_ =	sdelay $0x1  }
0x1af: {  	s20 =	sand.u32 s20, s22  }
0x1b0: {  	[smem:$0x0] =	sst s20  }
.LBB2_15:
0x1b1: {  	s20 =	sshll.u32 s19, $0x4  }
0x1b2: {  	v5 =	vld [tilespmem:s20+$0x8180];
	_ =	sdelay $0x4  }
0x1b3: {  	v4 =	vxor.u32 $0x80000000, v5  }
0x1b4: {  	(xrf0) =	vmin.scan.msk.u32 $0xffff, v4;
	_ =	sdelay $0x5  }
0x1b5: {  	v4, _, _ =	vpop (xrf0)  }
0x1b6: {  	(v2sf) =	vpush v4, $0xF;
	_ =	sdelay $0xd  }
.Ltmp18:
0x1b7: {  	_ = 	snop;
	(pc) =	sbr.rel .LBB2_16-.Ltmp18, $4  }
0x1b8: {  	s21 =	spop (v2sf)  }
0x1b9: {  	s22 =	simm.s32 $0x1;
	v4 =	vmov s20;
	p0 =	sgt.u32 s21, $0x80000002  }
0x1ba: {  	v4 =	vshll.u32 v4, $0x7;
	s22 =	simm.s32 @!p0 $0x0  }
0x1bb: {  	v4 =	vor.u32 v3, v4;
	s21 =	simm.s32 $0xF;
	[smem:$0x80] =	sst s22  }
.LBB2_18:
0x1bc: {  	s21 =	sadd.s32 $0x10, s21  }
0x1bd: {  	p0 =	sne.s32 s21, $0x8F  }
.Ltmp19:
0x1be: {  	_ = 	snop;
	(pc) =	sbr.rel @!p0 .LBB2_19-.Ltmp19, $1  }
0x1bf: {  	_ =	sdelay $0x3  }
.LBB2_16:
0x1c0: {  	p0 =	sne.s32 s22, $0x0  }
.Ltmp20:
0x1c1: {  	_ = 	snop;
	(pc) =	sbr.rel @p0 .LBB2_18-.Ltmp20, $2  }
0x1c2: {  	_ =	sdelay $0x2  }
0x1c3: {  	s22 =	simm.s32 $0x1  }
0x1c4: {  	s22 =	sadd.s32 $0xFFFFFFF1, s21  }
0x1c5: {  	v6 =	vmov s22  }
0x1c6: {  	v6 =	vand.u32 $0x70, v6  }
0x1c7: {  	s24 =	sadd.s32 $0xFFFFFFF2, s21;
	v6 =	vbroadcast v6, $0x0  }
0x1c8: {  	s25 =	sadd.s32 $0xFFFFFFF3, s21;
	v7 =	vmov s24  }
0x1c9: {  	v10 =	vmov s25;
	v7 =	vand.u32 $0x71, v7;
	v6 =	vor.u32 v4, v6  }
0x1ca: {  	v10 =	vand.u32 $0x72, v10;
	v7 =	vbroadcast v7, $0x0  }
0x1cb: {  	v10 =	vbroadcast v10, $0x0  }
0x1cc: {  	v7 =	vor.u32 v4, v7  }
0x1cd: {  	v10 =	vor.u32 v4, v10  }
0x1ce: {  	s26 =	sadd.s32 $0xFFFFFFF4, s21;
	v6 =	vld.idx.msk [tilespmem:v6+s2+$0x0], $0xffff  }
0x1cf: {  	v12 =	vmov s26  }
0x1d0: {  	v8 =	vld [tilespmem:s20+$0x8000];
	vm1 =	veq.s32 v5, $0x0;
	v12 =	vand.u32 $0x73, v12  }
0x1d1: {  	vm2 =	veq.s32 v5, $0x1;
	vm8 =	vlt.s32 v5, $0x3;
	s28 =	sadd.s32 $0xFFFFFFF5, s21;
	s29 =	sadd.s32 $0xFFFFFFF6, s21;
	v12 =	vbroadcast v12, $0x0;
	v7 =	vld.idx.msk [tilespmem:v7+s2+$0x0], $0xffff  }
0x1d2: {  	vm9 =	veq.s32 v5, $0x2;
	v40 =	vmov s28;
	v14 =	vmov s29;
	v10 =	vld.idx.msk [tilespmem:v10+s2+$0x0], $0xffff  }
0x1d3: {  	v9 =	vld [tilespmem:s20+$0x8080];
	s30 =	sadd.s32 $0xFFFFFFF7, s21;
	v39 =	vor.u32 v4, v12;
	v12 =	vand.u32 $0x74, v40;
	vm0 =	vge.f32 v6, $1.000000000e+00  }
0x1d4: {  	v11 =	vld [tilespmem:s20+$0x8100];
	v43 =	vmov s30;
	v12 =	vbroadcast v12, $0x0;
	vm1 =	vmand vm1, vm0  }
0x1d5: {  	v42 =	vand.u32 $0x75, v14;
	v8 =	vsel vm1, v6, v8;
	vm1 =	vmand vm8, vm0  }
0x1d6: {  	v12 =	vor.u32 v4, v12;
	vm10 =	vge.f32 v7, $1.000000000e+00;
	v13 =	vsel vm1, $0x1, v2  }
0x1d7: {  	vm15 =	vge.f32 v10, $1.000000000e+00;
	vm2 =	vmand vm2, vm0;
	v5 =	vadd.s32 v13, v5  }
0x1d8: {  	v9 =	vsel vm2, v6, v9;
	vm0 =	vmand vm9, vm0;
	vm13 =	vlt.s32 v5, $0x3  }
0x1d9: {  	v6 =	vsel vm0, v6, v11;
	v13 =	vbroadcast v42, $0x0;
	vm2 =	vmand vm10, vm13  }
0x1da: {  	vm11 =	veq.s32 v5, $0x0;
	vm12 =	veq.s32 v5, $0x1;
	v41 =	vsel vm2, $0x1, v2  }
0x1db: {  	v11 =	vld.idx.msk [tilespmem:v39+s2+$0x0], $0xffff;
	vm14 =	veq.s32 v5, $0x2;
	vm1 =	vmand vm10, vm11;
	v5 =	vadd.s32 v41, v5  }
0x1dc: {  	v8 =	vsel vm1, v7, v8;
	vm1 =	vmand vm10, vm12;
	vm6 =	vlt.s32 v5, $0x3  }
0x1dd: {  	v9 =	vsel vm1, v7, v9;
	vm1 =	vmand vm10, vm14;
	vm2 =	vmand vm15, vm6  }
0x1de: {  	s31 =	sadd.s32 $0xFFFFFFF8, s21;
	v13 =	vor.u32 v4, v13;
	v6 =	vsel vm1, v7, v6;
	v7 =	vsel vm2, $0x1, v2  }
0x1df: {  	v16 =	vmov s31;
	v12 =	vld.idx.msk [tilespmem:v12+s2+$0x0], $0xffff;
	v15 =	vadd.s32 v7, v5;
	v7 =	vand.u32 $0x76, v43  }
0x1e0: {  	s23 =	sadd.s32 $0xFFFFFFF9, s21;
	vm2 =	vge.f32 v11, $1.000000000e+00;
	vm3 =	vlt.s32 v15, $0x3;
	v7 =	vbroadcast v7, $0x0  }
0x1e1: {  	v48 =	vmov s23;
	s24 =	sadd.s32 $0xFFFFFFFA, s21;
	v47 =	vand.u32 $0x77, v16;
	vm3 =	vmand vm2, vm3  }
0x1e2: {  	v49 =	vmov s24;
	v45 =	vsel vm3, $0x1, v2;
	v7 =	vor.u32 v4, v7  }
0x1e3: {  	vm7 =	veq.s32 v5, $0x0;
	vm8 =	veq.s32 v5, $0x1;
	v46 =	vld.idx.msk [tilespmem:v13+s2+$0x0], $0xffff;
	v17 =	vadd.s32 v45, v15  }
0x1e4: {  	vm6 =	vge.f32 v12, $1.000000000e+00;
	v13 =	vbroadcast v47, $0x0;
	vm9 =	vlt.s32 v17, $0x3  }
0x1e5: {  	vm10 =	veq.s32 v5, $0x2;
	vm1 =	vmand vm15, vm7;
	vm3 =	vmand vm6, vm9  }
0x1e6: {  	v44 =	vsel vm1, v10, v8;
	v13 =	vor.u32 v4, v13;
	v5 =	vsel vm3, $0x1, v2  }
0x1e7: {  	vm1 =	vmand vm15, vm8;
	v18 =	vadd.s32 v5, v17;
	v5 =	vld.idx.msk [tilespmem:v7+s2+$0x0], $0xffff;
	v7 =	vand.u32 $0x78, v48  }
0x1e8: {  	vm3 =	vge.f32 v46, $1.000000000e+00;
	vm11 =	vlt.s32 v18, $0x3;
	v7 =	vbroadcast v7, $0x0  }
0x1e9: {  	vm0 =	vmand vm15, vm10;
	v9 =	vsel vm1, v10, v9;
	vm1 =	vmand vm3, vm11  }
0x1ea: {  	s25 =	sadd.s32 $0xFFFFFFFB, s21;
	v10 =	vsel vm0, v10, v6;
	v6 =	vsel vm1, $0x1, v2;
	v7 =	vor.u32 v4, v7  }
0x1eb: {  	v20 =	vmov s25;
	v50 =	vand.u32 $0x79, v49;
	v19 =	vadd.s32 v6, v18;
	v6 =	vld.idx.msk [tilespmem:v13+s2+$0x0], $0xffff  }
0x1ec: {  	s26 =	sadd.s32 $0xFFFFFFFC, s21;
	s28 =	sadd.s32 $0xFFFFFFFD, s21;
	v13 =	vbroadcast v50, $0x0;
	vm0 =	vge.f32 v5, $1.000000000e+00;
	vm4 =	vlt.s32 v19, $0x3  }
0x1ed: {  	v21 =	vmov s26;
	v22 =	vmov s28;
	vm4 =	vmand vm0, vm4  }
0x1ee: {  	v20 =	vand.u32 $0x7A, v20;
	v13 =	vor.u32 v4, v13;
	v51 =	vsel vm4, $0x1, v2  }
0x1ef: {  	v21 =	vand.u32 $0x7B, v21;
	v20 =	vbroadcast v20, $0x0;
	v16 =	vadd.s32 v51, v19;
	v7 =	vld.idx.msk [tilespmem:v7+s2+$0x0], $0xffff  }
0x1f0: {  	v21 =	vbroadcast v21, $0x0;
	vm1 =	vge.f32 v6, $1.000000000e+00;
	vm5 =	vlt.s32 v16, $0x3  }
0x1f1: {  	v20 =	vor.u32 v4, v20;
	vm12 =	veq.s32 v15, $0x0;
	vm5 =	vmand vm1, vm5  }
0x1f2: {  	vm14 =	veq.s32 v15, $0x1;
	vm8 =	veq.s32 v15, $0x2;
	v52 =	vsel vm5, $0x1, v2  }
0x1f3: {  	vm13 =	vmand vm2, vm12;
	vm15 =	vmand vm2, vm14;
	v13 =	vld.idx.msk [tilespmem:v13+s2+$0x0], $0xffff;
	v15 =	vadd.s32 v52, v16  }
0x1f4: {  	vm4 =	vmand vm2, vm8;
	vm2 =	vge.f32 v7, $1.000000000e+00;
	vm9 =	vlt.s32 v15, $0x3  }
0x1f5: {  	v26 =	vmov s21;
	v22 =	vand.u32 $0x7C, v22;
	vm5 =	vmand vm2, vm9  }
0x1f6: {  	v21 =	vor.u32 v4, v21;
	v14 =	vsel vm13, v11, v44;
	v53 =	vsel vm5, $0x1, v2  }
0x1f7: {  	v20 =	vld.idx.msk [tilespmem:v20+s2+$0x0], $0xffff;
	v9 =	vsel vm15, v11, v9;
	v10 =	vsel vm4, v11, v10;
	v11 =	vadd.s32 v53, v15  }
0x1f8: {  	s29 =	sadd.s32 $0xFFFFFFFE, s21;
	s30 =	sadd.s32 $0xFFFFFFFF, s21;
	v22 =	vbroadcast v22, $0x0;
	vm4 =	vge.f32 v13, $1.000000000e+00;
	vm7 =	vlt.s32 v11, $0x3  }
0x1f9: {  	v24 =	vmov s29;
	v25 =	vmov s30;
	vm7 =	vmand vm4, vm7  }
0x1fa: {  	v24 =	vand.u32 $0x7D, v24;
	v22 =	vor.u32 v4, v22;
	v23 =	vsel vm7, $0x1, v2  }
0x1fb: {  	v25 =	vand.u32 $0x7E, v25;
	v24 =	vbroadcast v24, $0x0;
	v21 =	vld.idx.msk [tilespmem:v21+s2+$0x0], $0xffff;
	v23 =	vadd.s32 v23, v11  }
0x1fc: {  	v25 =	vbroadcast v25, $0x0;
	vm5 =	vge.f32 v20, $1.000000000e+00;
	vm8 =	vlt.s32 v23, $0x3  }
0x1fd: {  	v24 =	vor.u32 v4, v24;
	vm10 =	veq.s32 v17, $0x0;
	vm8 =	vmand vm5, vm8  }
0x1fe: {  	vm12 =	veq.s32 v17, $0x1;
	vm14 =	veq.s32 v17, $0x2;
	v54 =	vsel vm8, $0x1, v2  }
0x1ff: {  	v22 =	vld.idx.msk [tilespmem:v22+s2+$0x0], $0xffff;
	vm13 =	vmand vm6, vm12;
	vm11 =	vmand vm6, vm10;
	v17 =	vadd.s32 v54, v23  }
0x200: {  	vm7 =	vmand vm6, vm14;
	vm6 =	vge.f32 v21, $1.000000000e+00;
	vm15 =	vlt.s32 v17, $0x3  }
0x201: {  	v26 =	vand.u32 $0x7F, v26;
	v14 =	vsel vm11, v12, v14;
	vm11 =	vmand vm6, vm15  }
0x202: {  	v26 =	vbroadcast v26, $0x0;
	v25 =	vor.u32 v4, v25;
	v55 =	vsel vm11, $0x1, v2  }
0x203: {  	v24 =	vld.idx.msk [tilespmem:v24+s2+$0x0], $0xffff;
	v9 =	vsel vm13, v12, v9;
	v10 =	vsel vm7, v12, v10;
	v12 =	vadd.s32 v55, v17  }
0x204: {  	vm9 =	veq.s32 v18, $0x0;
	vm7 =	vge.f32 v22, $1.000000000e+00;
	vm10 =	vlt.s32 v12, $0x3  }
0x205: {  	v26 =	vor.u32 v4, v26;
	vm9 =	vmand vm3, vm9;
	vm10 =	vmand vm7, vm10  }
0x206: {  	vm12 =	veq.s32 v18, $0x1;
	v14 =	vsel vm9, v46, v14;
	v56 =	vsel vm10, $0x1, v2  }
0x207: {  	v25 =	vld.idx.msk [tilespmem:v25+s2+$0x0], $0xffff;
	vm8 =	vmand vm3, vm12;
	vm11 =	veq.s32 v18, $0x2;
	v18 =	vadd.s32 v56, v12  }
0x208: {  	vm13 =	vmand vm3, vm11;
	vm3 =	vge.f32 v24, $1.000000000e+00;
	vm14 =	vlt.s32 v18, $0x3  }
0x209: {  	vm12 =	veq.s32 v19, $0x1;
	vm15 =	veq.s32 v19, $0x0;
	vm9 =	vmand vm3, vm14  }
0x20a: {  	v9 =	vsel vm8, v46, v9;
	vm8 =	vmand vm0, vm15;
	v57 =	vsel vm9, $0x1, v2  }
0x20b: {  	v26 =	vld.idx.msk [tilespmem:v26+s2+$0x0], $0xffff;
	vm15 =	veq.s32 v19, $0x2;
	v8 =	vsel vm13, v46, v10;
	v10 =	vadd.s32 v57, v18  }
0x20c: {  	v14 =	vsel vm8, v5, v14;
	vm8 =	vge.f32 v25, $1.000000000e+00;
	vm14 =	vlt.s32 v10, $0x3  }
0x20d: {  	vm13 =	vmand vm0, vm12;
	vm12 =	veq.s32 v16, $0x0;
	vm9 =	vmand vm8, vm14  }
0x20e: {  	vm0 =	vmand vm0, vm15;
	v9 =	vsel vm13, v5, v9;
	v58 =	vsel vm9, $0x1, v2  }
0x20f: {  	vm13 =	vmand vm1, vm12;
	v5 =	vsel vm0, v5, v8;
	v60 =	vadd.s32 v58, v10  }
0x210: {  	vm0 =	vge.f32 v26, $1.000000000e+00;
	vm12 =	veq.s32 v16, $0x2;
	vm15 =	vlt.s32 v60, $0x3  }
0x211: {  	v59 =	vsel vm13, v6, v14;
	vm14 =	veq.s32 v16, $0x1;
	vm10 =	vmand vm0, vm15  }
0x212: {  	vm9 =	vmand vm1, vm14;
	vm1 =	vmand vm1, vm12;
	v61 =	vsel vm10, $0x1, v2  }
0x213: {  	v9 =	vsel vm9, v6, v9;
	v6 =	vsel vm1, v6, v5;
	v5 =	vadd.s32 v61, v60  }
0x214: {  	v16 =	vxor.u32 $0x80000000, v5  }
0x215: {  	vm11 =	veq.s32 v23, $0x1;
	vm13 =	veq.s32 v15, $0x0;
	vm14 =	veq.s32 v15, $0x1;
	(xrf0) =	vmin.scan.msk.u32 $0xffff, v16  }
0x216: {  	vm12 =	veq.s32 v11, $0x0;
	vm1 =	vmand vm2, vm13;
	vm9 =	vmand vm2, vm14  }
0x217: {  	vm13 =	vmand vm4, vm12;
	vm14 =	veq.s32 v11, $0x1;
	vm12 =	vmand vm5, vm11  }
0x218: {  	vm11 =	veq.s32 v12, $0x1;
	v8 =	vsel vm1, v7, v59;
	vm15 =	veq.s32 v15, $0x2  }
0x219: {  	v9 =	vsel vm9, v7, v9;
	vm9 =	veq.s32 v23, $0x0;
	vm1 =	vmand vm2, vm15  }
0x21a: {  	vm15 =	veq.s32 v11, $0x2;
	vm2 =	vmand vm4, vm14;
	vm10 =	vmand vm5, vm9  }
0x21b: {  	vm14 =	veq.s32 v17, $0x0;
	vm9 =	veq.s32 v17, $0x2;
	v6 =	vsel vm1, v7, v6;
	v63, _, _ =	vpop (xrf0)  }
0x21c: {  	v7 =	vsel vm13, v13, v8;
	v62 =	vsel vm2, v13, v9;
	(v2sf) =	vpush v63, $0xF  }
0x21d: {  	vm1 =	vmand vm4, vm15;
	vm13 =	veq.s32 v23, $0x2;
	vm15 =	veq.s32 v17, $0x1  }
0x21e: {  	v6 =	vsel vm1, v13, v6;
	v7 =	vsel vm10, v20, v7;
	v8 =	vsel vm12, v20, v62  }
0x21f: {  	vm2 =	vmand vm5, vm13;
	vm1 =	vmand vm6, vm14;
	vm5 =	vmand vm6, vm15  }
0x220: {  	vm10 =	veq.s32 v12, $0x0;
	vm12 =	vmand vm7, vm11;
	vm13 =	veq.s32 v12, $0x2  }
0x221: {  	vm14 =	veq.s32 v18, $0x0;
	vm15 =	veq.s32 v18, $0x1;
	v6 =	vsel vm2, v20, v6  }
0x222: {  	v7 =	vsel vm1, v21, v7;
	v8 =	vsel vm5, v21, v8;
	vm2 =	vmand vm6, vm9  }
0x223: {  	vm1 =	vmand vm7, vm10;
	vm6 =	vmand vm3, vm15;
	vm9 =	veq.s32 v10, $0x0  }
0x224: {  	vm10 =	veq.s32 v10, $0x1;
	vm15 =	veq.s32 v60, $0x2;
	v6 =	vsel vm2, v21, v6  }
0x225: {  	v7 =	vsel vm1, v22, v7;
	v8 =	vsel vm12, v22, v8;
	vm2 =	vmand vm7, vm13  }
0x226: {  	vm1 =	vmand vm3, vm14;
	vm7 =	veq.s32 v18, $0x2;
	vm11 =	vmand vm8, vm10  }
0x227: {  	vm12 =	veq.s32 v10, $0x2;
	vm13 =	veq.s32 v60, $0x0;
	vm14 =	veq.s32 v60, $0x1  }
0x228: {  	v6 =	vsel vm2, v22, v6;
	v7 =	vsel vm1, v24, v7;
	v8 =	vsel vm6, v24, v8  }
0x229: {  	vm2 =	vmand vm3, vm7;
	vm1 =	vmand vm8, vm9;
	vm3 =	vmand vm0, vm14  }
.Ltmp21:
0x22a: {  	v6 =	vsel vm2, v24, v6;
	v7 =	vsel vm1, v25, v7;
	vm1 =	vmand vm0, vm13;
	(pc) =	sbr.rel .LBB2_18-.Ltmp21, $4  }
0x22b: {  	[tilespmem:s20+$0x8180] =	vst v5;
	v8 =	vsel vm11, v25, v8;
	vm2 =	vmand vm8, vm12;
	v7 =	vsel vm1, v26, v7;
	s31 =	spop (v2sf)  }
0x22c: {  	s22 =	simm.s32 $0x1;
	vm0 =	vmand vm0, vm15;
	v6 =	vsel vm2, v25, v6;
	v8 =	vsel vm3, v26, v8;
	[tilespmem:s20+$0x8000] =	vst v7;
	p0 =	sgt.u32 s31, $0x80000002  }
0x22d: {  	v6 =	vsel vm0, v26, v6;
	[tilespmem:s20+$0x8080] =	vst v8;
	s22 =	simm.s32 @!p0 $0x0  }
0x22e: {  	[tilespmem:s20+$0x8100] =	vst v6;
	[smem:$0x80] =	sst s22  }
.LBB2_23:
0x22f: {  	_ =	sfence.sel $0x180000  }
0x230: {  	[bflag:$0x0] =	sbarrier.arrive $0xFFFF  }
0x231: {  	p0 =	sne.s32 s1, $0x0;
	_ =	strace $0x90000047  }
0x232: {  	s0 =	sadd.s32 @!p0 $0x100000, s0;
	[bflag:$0x2] =	sbarrier.arrive $0xFFFF  }
0x233: {  	[sflag:s0] =	ssyncadd.tile.s32 @!p0 $0x1;
	_ =	shalt  }
.Lfunc_end2:
_tile_overlayer_lowered:
.L_overlay_start_2:
0x234: {  	(tag) =	ssettag $0x2  }
0x235: {  	s0 =	rddreg [dreg:$0x0];
	s2 =	stileid.u32  }
0x236: {  	s1 =	rddreg [dreg:$0x1];
	p0 =	sne.s32 s2, $0x0  }
0x237: {  	s3 =	rddreg [dreg:$0x2];
	[bflag:$0x3] =	sbarrier.arrive $0xFFFF;
	s2 =	simm.s32 @!p0 $0x1C04  }
0x238: {  	[timem:s3], [sflag:s2] =	dma.local @!p0 [hbm:s0], s1  }
0x239: {  	s0 =	simm.s32 @!p0 $0x4  }
0x23a: {  	_ =	swait.ge @!p0 [sflag:s0], s1  }
0x23b: {  	s1 =	ssub.s32 @!p0 $0x0, s1;
	[sflag:s0] =	ssyncset.done @!p0 $0x0  }
0x23c: {  	[sflag:s0] =	ssyncadd.s32 @!p0 s1  }
0x23d: {  	[bflag:$0x3] =	sbarrier.arrive $0xFFFF  }
0x23e: {  	_ =	shalt  }

</sc_bundles>
